<compile_context>
chip_gen: v7x
topology: tpu7x:2x2x1
jax: 0.10.2.dev20260603
libtpu: 0.0.44.dev20260713+nightly
codegen_flags: <defaults>
</compile_context>

<pallas_src>
import functools

import jax
import jax.numpy as jnp
from jax import lax
from jax.experimental import pallas as pl
from jax.experimental.pallas import tpu as pltpu
from jax.experimental.pallas import tpu_sc as plsc

_N = 5000
_LANES = 16
_NTILES = 16
_PER = 320
_STRIDE = 312
_IMG_W = 2048.0
_IMG_H = 2048.0
_IOU_THRESH = 0.5
_SCORE_THRESH = 0.05
_MAX_DET = 4
_MAX_COORD = max(_IMG_W, _IMG_H) + 1.0
_NFLD = 8
_RECS = _NTILES * _NFLD


def _nms_body(x1_h, y1_h, x2_h, y2_h, sc_h, lb_h, ob_h, os_h, ol_h,
              x1v, y1v, x2v, y2v, lbv, x1o, y1o, x2o, y2o, sv,
              recv, rec_all, stg_b, stg_s, stg_l, sh_rec, sem):
  wid = lax.axis_index("s")

  @pl.when(lax.axis_index("c") == 0)
  def _():
    start = wid * _STRIDE
    copies = [
        pltpu.make_async_copy(x1_h.at[pl.ds(start, _PER)], x1v, sem),
        pltpu.make_async_copy(y1_h.at[pl.ds(start, _PER)], y1v, sem),
        pltpu.make_async_copy(x2_h.at[pl.ds(start, _PER)], x2v, sem),
        pltpu.make_async_copy(y2_h.at[pl.ds(start, _PER)], y2v, sem),
        pltpu.make_async_copy(sc_h.at[pl.ds(start, _PER)], sv, sem),
        pltpu.make_async_copy(lb_h.at[pl.ds(start, _PER)], lbv, sem),
    ]
    for c in copies:
      c.start()
    for c in copies:
      c.wait()

    lane = lax.iota(jnp.int32, _LANES)
    neg2 = jnp.full((_LANES,), -2.0, jnp.float32)
    zero_i = jnp.zeros((_LANES,), jnp.int32)

    def pre_body(base, carry):
      m, mi = carry
      sl = pl.ds(base, _LANES)
      bx1 = jnp.minimum(jnp.maximum(x1v[sl], 0.0), _IMG_W)
      by1 = jnp.minimum(jnp.maximum(y1v[sl], 0.0), _IMG_H)
      bx2 = jnp.minimum(jnp.maximum(x2v[sl], 0.0), _IMG_W)
      by2 = jnp.minimum(jnp.maximum(y2v[sl], 0.0), _IMG_H)
      off = lbv[sl].astype(jnp.float32) * _MAX_COORD
      x1o[sl] = bx1 + off
      y1o[sl] = by1 + off
      x2o[sl] = bx2 + off
      y2o[sl] = by2 + off
      raw = sv[sl]
      s = jnp.where(raw > _SCORE_THRESH, raw, -1.0)
      sv[sl] = s
      upd = s > m
      m = jnp.where(upd, s, m)
      mi = jnp.where(upd, lane + base, mi)
      return m, mi

    m, mi = plsc.parallel_loop(
        0, _PER, _LANES, unroll=4, carry=(neg2, zero_i))(pre_body)

    mod4 = jnp.bitwise_and(lane, 3)
    grp4 = lax.shift_right_logical(lane, 2)
    full_box = jnp.where(mod4 <= 1, 0.0, jnp.where(mod4 == 2, _IMG_W, _IMG_H))

    def gat(vec, idx):
      return vec.at[idx].get(mode="promise_in_bounds")

    def local_argmax(m, mi):
      for k in (1, 2, 4, 8):
        idx = jnp.bitwise_xor(lane, k)
        om = gat(m, idx)
        omi = gat(mi, idx)
        take = (om > m) | ((om == m) & (omi < mi))
        m = jnp.where(take, om, m)
        mi = jnp.where(take, omi, mi)
      return m, mi

    ob_vec = jnp.zeros((_LANES,), jnp.float32)
    os_vec = jnp.zeros((_LANES,), jnp.float32)
    ol_vec = jnp.zeros((_LANES,), jnp.int32)

    for d in range(_MAX_DET):
      lm, lli = local_argmax(m, mi)

      par = (d % 2) * _RECS
      gmi = (lli + wid * _STRIDE).astype(jnp.float32)
      lx1 = plsc.load_gather(x1o, [lli])
      ly1 = plsc.load_gather(y1o, [lli])
      lx2 = plsc.load_gather(x2o, [lli])
      ly2 = plsc.load_gather(y2o, [lli])
      llb = plsc.load_gather(lbv, [lli]).astype(jnp.float32)
      rec = jnp.where(lane == 0, lm,
            jnp.where(lane == 1, gmi,
            jnp.where(lane == 2, lx1,
            jnp.where(lane == 3, ly1,
            jnp.where(lane == 4, lx2,
            jnp.where(lane == 5, ly2,
            jnp.where(lane == 6, llb, 0.0)))))))
      recv[...] = rec
      pltpu.sync_copy(recv.at[pl.ds(0, _NFLD)],
                      sh_rec.at[pl.ds(par + wid * _NFLD, _NFLD)])
      plsc.subcore_barrier()
      pltpu.sync_copy(sh_rec.at[pl.ds(par, _RECS)], rec_all)

      wm = plsc.load_gather(rec_all, [lane * _NFLD + 0])
      wmi = plsc.load_gather(rec_all, [lane * _NFLD + 1])
      wtid = lane
      for k in (1, 2, 4, 8):
        idx = jnp.bitwise_xor(lane, k)
        om = gat(wm, idx)
        omi = gat(wmi, idx)
        take = (om > wm) | ((om == wm) & (omi < wmi))
        wm = jnp.where(take, om, wm)
        wmi = jnp.where(take, omi, wmi)
        wtid = jnp.where(take, gat(wtid, idx), wtid)
      wbase = wtid * _NFLD
      wx1 = plsc.load_gather(rec_all, [wbase + 2])
      wy1 = plsc.load_gather(rec_all, [wbase + 3])
      wx2 = plsc.load_gather(rec_all, [wbase + 4])
      wy2 = plsc.load_gather(rec_all, [wbase + 5])
      wlb = plsc.load_gather(rec_all, [wbase + 6])

      ca = (wx2 - wx1) * (wy2 - wy1)
      clbi = wlb.astype(jnp.int32)
      coff = wlb * _MAX_COORD
      cx1 = wx1 - coff
      cy1 = wy1 - coff
      cx2 = wx2 - coff
      cy2 = wy2 - coff

      badv = (((cy2.astype(jnp.int32) - cy1.astype(jnp.int32)) < 1)
              | ((cx2.astype(jnp.int32) - cx1.astype(jnp.int32)) < 1)
              | (wm < 0.0))
      boxsel = jnp.where(mod4 == 0, cx1,
                         jnp.where(mod4 == 1, cy1,
                                   jnp.where(mod4 == 2, cx2, cy2)))
      boxsel = jnp.where(badv, full_box, boxsel)
      ob_vec = jnp.where(grp4 == d, boxsel, ob_vec)
      os_vec = jnp.where(lane == d, jnp.where(wm < 0.0, 0.0, wm), os_vec)
      ol_vec = jnp.where(lane == d, jnp.where(badv, 0, clbi), ol_vec)

      if d + 1 < _MAX_DET:
        def sup_body(base, carry, wx1=wx1, wy1=wy1, wx2=wx2, wy2=wy2, ca=ca):
          m, mi = carry
          sl = pl.ds(base, _LANES)
          xo1 = x1o[sl]
          yo1 = y1o[sl]
          xo2 = x2o[sl]
          yo2 = y2o[sl]
          ltx = jnp.maximum(wx1, xo1)
          lty = jnp.maximum(wy1, yo1)
          rbx = jnp.minimum(wx2, xo2)
          rby = jnp.minimum(wy2, yo2)
          w = jnp.maximum(rbx - ltx, 0.0)
          h = jnp.maximum(rby - lty, 0.0)
          inter = w * h
          area = (xo2 - xo1) * (yo2 - yo1)
          union = jnp.maximum(ca + area - inter, 1e-9)
          s = jnp.where(inter > _IOU_THRESH * union, -1.0, sv[sl])
          sv[sl] = s
          upd = s > m
          m = jnp.where(upd, s, m)
          mi = jnp.where(upd, lane + base, mi)
          return m, mi

        m, mi = plsc.parallel_loop(
            0, _PER, _LANES, unroll=4, carry=(neg2, zero_i))(sup_body)

    @pl.when(wid == 0)
    def _():
      stg_b[...] = ob_vec
      stg_s[...] = os_vec
      stg_l[...] = ol_vec
      outc = [
          pltpu.make_async_copy(stg_b, ob_h, sem),
          pltpu.make_async_copy(stg_s.at[pl.ds(0, _MAX_DET)], os_h, sem),
          pltpu.make_async_copy(stg_l.at[pl.ds(0, _MAX_DET)], ol_h, sem),
      ]
      for c in outc:
        c.start()
      for c in outc:
        c.wait()


@functools.cache
def _get_sc_kernel():
  mesh = plsc.VectorSubcoreMesh(core_axis_name="c", subcore_axis_name="s")
  f32 = jnp.float32
  return pl.kernel(
      _nms_body,
      out_type=(
          jax.ShapeDtypeStruct((_LANES,), f32),
          jax.ShapeDtypeStruct((_MAX_DET,), f32),
          jax.ShapeDtypeStruct((_MAX_DET,), jnp.int32),
      ),
      mesh=mesh,
      compiler_params=pltpu.CompilerParams(needs_layout_passes=False),
      scratch_types=[
          pltpu.VMEM((_PER,), f32),
          pltpu.VMEM((_PER,), f32),
          pltpu.VMEM((_PER,), f32),
          pltpu.VMEM((_PER,), f32),
          pltpu.VMEM((_PER,), jnp.int32),
          pltpu.VMEM((_PER,), f32),
          pltpu.VMEM((_PER,), f32),
          pltpu.VMEM((_PER,), f32),
          pltpu.VMEM((_PER,), f32),
          pltpu.VMEM((_PER,), f32),
          pltpu.VMEM((_LANES,), f32),
          pltpu.VMEM((_RECS,), f32),
          pltpu.VMEM((_LANES,), f32),
          pltpu.VMEM((_LANES,), f32),
          pltpu.VMEM((_LANES,), jnp.int32),
          pltpu.VMEM_SHARED((2 * _RECS,), f32),
          pltpu.SemaphoreType.DMA,
      ],
  )


def kernel(boxes, scores, labels):
  ob, osc, olb = _get_sc_kernel()(
      boxes[:, 0], boxes[:, 1], boxes[:, 2], boxes[:, 3], scores, labels)
  return (ob.reshape(_MAX_DET, 4), osc, olb)

# --- scband reference (transcript-rebuilt; emitter-appended) ---
"""Pipeline reference for scband-faster-rcnn-65060164600428 (READ-ONLY COPY).

The authoritative reference and input builder live on the scoring server;
editing this copy changes nothing except your own understanding.
"""

import jax, jax.numpy as jnp
import numpy as np

N = 5000
IMG_H = 2048.0
IMG_W = 2048.0
IOU_THRESH = 0.5
SCORE_THRESH = 0.05
MAX_DET = 4
NUM_CLASSES = 3


def setup_inputs(seed: int = 0) -> dict:
    key = jax.random.key(seed)
    k1, k2, k3, k4 = jax.random.split(key, 4)
    xy = jax.random.uniform(k1, (N, 2), dtype=jnp.float32) * jnp.array([IMG_W - 160.0, IMG_H - 160.0], dtype=jnp.float32)
    wh = jax.random.uniform(k2, (N, 2), dtype=jnp.float32) * 150.0 + 8.0
    boxes = jnp.concatenate([xy, xy + wh], axis=1)
    scores = jax.random.uniform(k3, (N,), dtype=jnp.float32)
    labels = jax.random.randint(k4, (N,), 0, NUM_CLASSES).astype(jnp.int32)
    return {"boxes": boxes, "scores": scores, "labels": labels}


def _pairwise_iou(b):
    area = (b[:, 2] - b[:, 0]) * (b[:, 3] - b[:, 1])
    lt = jnp.maximum(b[:, None, :2], b[None, :, :2])
    rb = jnp.minimum(b[:, None, 2:], b[None, :, 2:])
    wh = jnp.clip(rb - lt, 0.0)
    inter = wh[..., 0] * wh[..., 1]
    union = area[:, None] + area[None, :] - inter
    return inter / jnp.maximum(union, 1e-9)


def _nms_keep(iou, vs):
    n = iou.shape[0]
    idxs = jnp.arange(n)

    def step(keep, i):
        suppressed = jnp.any(keep & (iou[i] > IOU_THRESH) & (idxs < i))
        keep = keep.at[i].set(jnp.logical_and(~suppressed, vs[i]))
        return keep, None

    keep, _ = jax.lax.scan(step, jnp.zeros(n, dtype=bool), idxs)
    return keep


def reference(boxes, scores, labels):
    # clip boxes to image bounds (torchvision postprocess / wrapper clamp)
    x1 = jnp.clip(boxes[:, 0], 0.0, IMG_W)
    y1 = jnp.clip(boxes[:, 1], 0.0, IMG_H)
    x2 = jnp.clip(boxes[:, 2], 0.0, IMG_W)
    y2 = jnp.clip(boxes[:, 3], 0.0, IMG_H)
    b = jnp.stack([x1, y1, x2, y2], axis=1)
    valid = scores > SCORE_THRESH
    # sort by score descending
    order = jnp.argsort(-jnp.where(valid, scores, -jnp.inf))
    bs = b[order]
    ss = scores[order]
    ls = labels[order]
    vs = valid[order]
    # class-aware (batched) NMS: offset boxes per class label
    max_coord = jnp.maximum(IMG_W, IMG_H) + 1.0
    bs_off = bs + (ls.astype(jnp.float32) * max_coord)[:, None]
    iou = _pairwise_iou(bs_off)
    keep = _nms_keep(jax.lax.stop_gradient(iou), vs)
    masked = jnp.where(keep, ss, -1.0)
    top_scores, top_idx = jax.lax.top_k(masked, MAX_DET)
    sel_boxes = bs[top_idx]
    sel_scores = ss[top_idx]
    sel_labels = ls[top_idx]
    # degenerate / empty box fixup (wrapper forward tail)
    bi = sel_boxes.astype(jnp.int32)
    bad = ((bi[:, 3] - bi[:, 1]) < 1) | ((bi[:, 2] - bi[:, 0]) < 1) | (top_scores < 0.0)
    full = jnp.array([0.0, 0.0, IMG_W, IMG_H], dtype=jnp.float32)
    sel_boxes = jnp.where(bad[:, None], full[None, :], sel_boxes)
    sel_labels = jnp.where(bad, 0, sel_labels)
    sel_scores = jnp.where(top_scores < 0.0, 0.0, sel_scores)
    return sel_boxes, sel_scores, sel_labels

if __name__ == "__main__":
    import jax
    _d = setup_inputs()
    print(jax.jit(kernel)(*tuple(_d.values())))

</pallas_src>

<mosaic_0001>
#map = affine_map<(d0, d1) -> (0)>
module attributes {stable_mosaic.version = 14 : i64} {
  func.func @_nms_body(%arg0: i32, %arg1: i32, %arg2: memref<5000xf32, #tpu.memory_space<hbm>>, %arg3: memref<5000xf32, #tpu.memory_space<hbm>>, %arg4: memref<5000xf32, #tpu.memory_space<hbm>>, %arg5: memref<5000xf32, #tpu.memory_space<hbm>>, %arg6: memref<5000xf32, #tpu.memory_space<hbm>>, %arg7: memref<5000xi32, #tpu.memory_space<hbm>>, %arg8: memref<16xf32, #tpu.memory_space<hbm>>, %arg9: memref<4xf32, #tpu.memory_space<hbm>>, %arg10: memref<4xi32, #tpu.memory_space<hbm>>, %arg11: memref<320xf32, #tpu.memory_space<vmem>>, %arg12: memref<320xf32, #tpu.memory_space<vmem>>, %arg13: memref<320xf32, #tpu.memory_space<vmem>>, %arg14: memref<320xf32, #tpu.memory_space<vmem>>, %arg15: memref<320xi32, #tpu.memory_space<vmem>>, %arg16: memref<320xf32, #tpu.memory_space<vmem>>, %arg17: memref<320xf32, #tpu.memory_space<vmem>>, %arg18: memref<320xf32, #tpu.memory_space<vmem>>, %arg19: memref<320xf32, #tpu.memory_space<vmem>>, %arg20: memref<320xf32, #tpu.memory_space<vmem>>, %arg21: memref<16xf32, #tpu.memory_space<vmem>>, %arg22: memref<128xf32, #tpu.memory_space<vmem>>, %arg23: memref<16xf32, #tpu.memory_space<vmem>>, %arg24: memref<16xf32, #tpu.memory_space<vmem>>, %arg25: memref<16xi32, #tpu.memory_space<vmem>>, %arg26: memref<256xf32, #tpu.memory_space<vmem_shared>>, %arg27: memref<!tpu.dma_semaphore, #tpu.memory_space<semaphore_mem>>) attributes {dimension_semantics = [#tpu.dimension_semantics<core_parallel>, #tpu.dimension_semantics<subcore_parallel>], iteration_bounds = array<i64: 2, 16>, scalar_prefetch = 0 : i64, scratch_operands = 17 : i64, tpu.core_type = #tpu.core_type<sc_vector_subcore>, window_params = [{transform_indices = #map}, {transform_indices = #map}, {transform_indices = #map}, {transform_indices = #map}, {transform_indices = #map}, {transform_indices = #map}, {transform_indices = #map}, {transform_indices = #map}, {transform_indices = #map}]} {
    %eq3A = arith.constant 0 : i32
    %eq3A_0 = arith.cmpi eq, %arg0, %eq3A : i32
    %convert_element_type3A = arith.extui %eq3A_0 : i1 to i32
    %cond3A = arith.constant 0 : i32
    %cond3A_1 = arith.cmpi ne, %convert_element_type3A, %cond3A : i32
    scf.if %cond3A_1 {
      %mul3A = arith.constant 312 : i32
      %mul3A_2 = arith.muli %arg1, %mul3A : i32
      %dma_start3A = tpu.memref_slice %arg2[%mul3A_2] : memref<5000xf32, #tpu.memory_space<hbm>> -> memref<320xf32, #tpu.memory_space<hbm>>
      %dma_start3A_3 = tpu.memref_slice %arg2[%mul3A_2] : memref<5000xf32, #tpu.memory_space<hbm>> -> memref<320xf32, #tpu.memory_space<hbm>>
      tpu.enqueue_dma source(%dma_start3A_3 : memref<320xf32, #tpu.memory_space<hbm>>) target(%arg11 : memref<320xf32, #tpu.memory_space<vmem>>) target_semaphore(%arg27 : memref<!tpu.dma_semaphore, #tpu.memory_space<semaphore_mem>>)
      %dma_start3A_4 = tpu.memref_slice %arg3[%mul3A_2] : memref<5000xf32, #tpu.memory_space<hbm>> -> memref<320xf32, #tpu.memory_space<hbm>>
      %dma_start3A_5 = tpu.memref_slice %arg3[%mul3A_2] : memref<5000xf32, #tpu.memory_space<hbm>> -> memref<320xf32, #tpu.memory_space<hbm>>
      tpu.enqueue_dma source(%dma_start3A_5 : memref<320xf32, #tpu.memory_space<hbm>>) target(%arg12 : memref<320xf32, #tpu.memory_space<vmem>>) target_semaphore(%arg27 : memref<!tpu.dma_semaphore, #tpu.memory_space<semaphore_mem>>)
      %dma_start3A_6 = tpu.memref_slice %arg4[%mul3A_2] : memref<5000xf32, #tpu.memory_space<hbm>> -> memref<320xf32, #tpu.memory_space<hbm>>
      %dma_start3A_7 = tpu.memref_slice %arg4[%mul3A_2] : memref<5000xf32, #tpu.memory_space<hbm>> -> memref<320xf32, #tpu.memory_space<hbm>>
      tpu.enqueue_dma source(%dma_start3A_7 : memref<320xf32, #tpu.memory_space<hbm>>) target(%arg13 : memref<320xf32, #tpu.memory_space<vmem>>) target_semaphore(%arg27 : memref<!tpu.dma_semaphore, #tpu.memory_space<semaphore_mem>>)
      %dma_start3A_8 = tpu.memref_slice %arg5[%mul3A_2] : memref<5000xf32, #tpu.memory_space<hbm>> -> memref<320xf32, #tpu.memory_space<hbm>>
      %dma_start3A_9 = tpu.memref_slice %arg5[%mul3A_2] : memref<5000xf32, #tpu.memory_space<hbm>> -> memref<320xf32, #tpu.memory_space<hbm>>
      tpu.enqueue_dma source(%dma_start3A_9 : memref<320xf32, #tpu.memory_space<hbm>>) target(%arg14 : memref<320xf32, #tpu.memory_space<vmem>>) target_semaphore(%arg27 : memref<!tpu.dma_semaphore, #tpu.memory_space<semaphore_mem>>)
      %dma_start3A_10 = tpu.memref_slice %arg6[%mul3A_2] : memref<5000xf32, #tpu.memory_space<hbm>> -> memref<320xf32, #tpu.memory_space<hbm>>
      %dma_start3A_11 = tpu.memref_slice %arg6[%mul3A_2] : memref<5000xf32, #tpu.memory_space<hbm>> -> memref<320xf32, #tpu.memory_space<hbm>>
      tpu.enqueue_dma source(%dma_start3A_11 : memref<320xf32, #tpu.memory_space<hbm>>) target(%arg20 : memref<320xf32, #tpu.memory_space<vmem>>) target_semaphore(%arg27 : memref<!tpu.dma_semaphore, #tpu.memory_space<semaphore_mem>>)
      %dma_start3A_12 = tpu.memref_slice %arg7[%mul3A_2] : memref<5000xi32, #tpu.memory_space<hbm>> -> memref<320xi32, #tpu.memory_space<hbm>>
      %dma_start3A_13 = tpu.memref_slice %arg7[%mul3A_2] : memref<5000xi32, #tpu.memory_space<hbm>> -> memref<320xi32, #tpu.memory_space<hbm>>
      tpu.enqueue_dma source(%dma_start3A_13 : memref<320xi32, #tpu.memory_space<hbm>>) target(%arg15 : memref<320xi32, #tpu.memory_space<vmem>>) target_semaphore(%arg27 : memref<!tpu.dma_semaphore, #tpu.memory_space<semaphore_mem>>)
      %dma_wait3A = tpu.memref_slice %arg2[%mul3A_2] : memref<5000xf32, #tpu.memory_space<hbm>> -> memref<320xf32, #tpu.memory_space<hbm>>
      %dma_wait3A_14 = tpu.memref_slice %arg2[%mul3A_2] : memref<5000xf32, #tpu.memory_space<hbm>> -> memref<320xf32, #tpu.memory_space<hbm>>
      tpu.wait_dma2 semaphore(%arg27 : memref<!tpu.dma_semaphore, #tpu.memory_space<semaphore_mem>>) src(%dma_wait3A_14 : memref<320xf32, #tpu.memory_space<hbm>>) dst(%arg11 : memref<320xf32, #tpu.memory_space<vmem>>)
      %dma_wait3A_15 = tpu.memref_slice %arg3[%mul3A_2] : memref<5000xf32, #tpu.memory_space<hbm>> -> memref<320xf32, #tpu.memory_space<hbm>>
      %dma_wait3A_16 = tpu.memref_slice %arg3[%mul3A_2] : memref<5000xf32, #tpu.memory_space<hbm>> -> memref<320xf32, #tpu.memory_space<hbm>>
      tpu.wait_dma2 semaphore(%arg27 : memref<!tpu.dma_semaphore, #tpu.memory_space<semaphore_mem>>) src(%dma_wait3A_16 : memref<320xf32, #tpu.memory_space<hbm>>) dst(%arg12 : memref<320xf32, #tpu.memory_space<vmem>>)
      %dma_wait3A_17 = tpu.memref_slice %arg4[%mul3A_2] : memref<5000xf32, #tpu.memory_space<hbm>> -> memref<320xf32, #tpu.memory_space<hbm>>
      %dma_wait3A_18 = tpu.memref_slice %arg4[%mul3A_2] : memref<5000xf32, #tpu.memory_space<hbm>> -> memref<320xf32, #tpu.memory_space<hbm>>
      tpu.wait_dma2 semaphore(%arg27 : memref<!tpu.dma_semaphore, #tpu.memory_space<semaphore_mem>>) src(%dma_wait3A_18 : memref<320xf32, #tpu.memory_space<hbm>>) dst(%arg13 : memref<320xf32, #tpu.memory_space<vmem>>)
      %dma_wait3A_19 = tpu.memref_slice %arg5[%mul3A_2] : memref<5000xf32, #tpu.memory_space<hbm>> -> memref<320xf32, #tpu.memory_space<hbm>>
      %dma_wait3A_20 = tpu.memref_slice %arg5[%mul3A_2] : memref<5000xf32, #tpu.memory_space<hbm>> -> memref<320xf32, #tpu.memory_space<hbm>>
      tpu.wait_dma2 semaphore(%arg27 : memref<!tpu.dma_semaphore, #tpu.memory_space<semaphore_mem>>) src(%dma_wait3A_20 : memref<320xf32, #tpu.memory_space<hbm>>) dst(%arg14 : memref<320xf32, #tpu.memory_space<vmem>>)
      %dma_wait3A_21 = tpu.memref_slice %arg6[%mul3A_2] : memref<5000xf32, #tpu.memory_space<hbm>> -> memref<320xf32, #tpu.memory_space<hbm>>
      %dma_wait3A_22 = tpu.memref_slice %arg6[%mul3A_2] : memref<5000xf32, #tpu.memory_space<hbm>> -> memref<320xf32, #tpu.memory_space<hbm>>
      tpu.wait_dma2 semaphore(%arg27 : memref<!tpu.dma_semaphore, #tpu.memory_space<semaphore_mem>>) src(%dma_wait3A_22 : memref<320xf32, #tpu.memory_space<hbm>>) dst(%arg20 : memref<320xf32, #tpu.memory_space<vmem>>)
      %dma_wait3A_23 = tpu.memref_slice %arg7[%mul3A_2] : memref<5000xi32, #tpu.memory_space<hbm>> -> memref<320xi32, #tpu.memory_space<hbm>>
      %dma_wait3A_24 = tpu.memref_slice %arg7[%mul3A_2] : memref<5000xi32, #tpu.memory_space<hbm>> -> memref<320xi32, #tpu.memory_space<hbm>>
      tpu.wait_dma2 semaphore(%arg27 : memref<!tpu.dma_semaphore, #tpu.memory_space<semaphore_mem>>) src(%dma_wait3A_24 : memref<320xi32, #tpu.memory_space<hbm>>) dst(%arg15 : memref<320xi32, #tpu.memory_space<vmem>>)
      %iota3A = tpu.iota {dimensions = array<i32: 0>} : vector<16xi32>
      %broadcast_in_dim3A = arith.constant -2.000000e+00 : f32
      %broadcast_in_dim3A_25 = vector.broadcast %broadcast_in_dim3A : f32 to vector<16xf32>
      %broadcast_in_dim3A_26 = arith.constant 0 : i32
      %broadcast_in_dim3A_27 = vector.broadcast %broadcast_in_dim3A_26 : i32 to vector<16xi32>
      %parallel_loop3A = arith.constant 0 : i32
      %parallel_loop3A_28 = arith.constant 320 : i32
      %parallel_loop3A_29 = arith.constant 16 : i32
      %parallel_loop3A_30:2 = scf.for %parallel_loop3A_1784 = %parallel_loop3A to %parallel_loop3A_28 step %parallel_loop3A_29 iter_args(%parallel_loop3A_1785 = %broadcast_in_dim3A_25, %parallel_loop3A_1786 = %broadcast_in_dim3A_27) -> (vector<16xf32>, vector<16xi32>)  : i32 {
        %parallel_loop3A_1787 = arith.index_cast %parallel_loop3A_1784 : i32 to index
        %parallel_loop3A_1788 = tpu.vector_load %arg11[%parallel_loop3A_1787] {strides = array<i32>} : memref<320xf32, #tpu.memory_space<vmem>>, vector<16xf32>,
        %parallel_loop3A_1789 = arith.constant 0.000000e+00 : f32
        %parallel_loop3A_1790 = vector.broadcast %parallel_loop3A_1789 : f32 to vector<16xf32>
        %parallel_loop3A_1791 = arith.maximumf %parallel_loop3A_1788, %parallel_loop3A_1790 : vector<16xf32>
        %parallel_loop3A_1792 = arith.constant 2.048000e+03 : f32
        %parallel_loop3A_1793 = vector.broadcast %parallel_loop3A_1792 : f32 to vector<16xf32>
        %parallel_loop3A_1794 = arith.minimumf %parallel_loop3A_1791, %parallel_loop3A_1793 : vector<16xf32>
        %parallel_loop3A_1795 = arith.index_cast %parallel_loop3A_1784 : i32 to index
        %parallel_loop3A_1796 = tpu.vector_load %arg12[%parallel_loop3A_1795] {strides = array<i32>} : memref<320xf32, #tpu.memory_space<vmem>>, vector<16xf32>,
        %parallel_loop3A_1797 = arith.constant 0.000000e+00 : f32
        %parallel_loop3A_1798 = vector.broadcast %parallel_loop3A_1797 : f32 to vector<16xf32>
        %parallel_loop3A_1799 = arith.maximumf %parallel_loop3A_1796, %parallel_loop3A_1798 : vector<16xf32>
        %parallel_loop3A_1800 = arith.constant 2.048000e+03 : f32
        %parallel_loop3A_1801 = vector.broadcast %parallel_loop3A_1800 : f32 to vector<16xf32>
        %parallel_loop3A_1802 = arith.minimumf %parallel_loop3A_1799, %parallel_loop3A_1801 : vector<16xf32>
        %parallel_loop3A_1803 = arith.index_cast %parallel_loop3A_1784 : i32 to index
        %parallel_loop3A_1804 = tpu.vector_load %arg13[%parallel_loop3A_1803] {strides = array<i32>} : memref<320xf32, #tpu.memory_space<vmem>>, vector<16xf32>,
        %parallel_loop3A_1805 = arith.constant 0.000000e+00 : f32
        %parallel_loop3A_1806 = vector.broadcast %parallel_loop3A_1805 : f32 to vector<16xf32>
        %parallel_loop3A_1807 = arith.maximumf %parallel_loop3A_1804, %parallel_loop3A_1806 : vector<16xf32>
        %parallel_loop3A_1808 = arith.constant 2.048000e+03 : f32
        %parallel_loop3A_1809 = vector.broadcast %parallel_loop3A_1808 : f32 to vector<16xf32>
        %parallel_loop3A_1810 = arith.minimumf %parallel_loop3A_1807, %parallel_loop3A_1809 : vector<16xf32>
        %parallel_loop3A_1811 = arith.index_cast %parallel_loop3A_1784 : i32 to index
        %parallel_loop3A_1812 = tpu.vector_load %arg14[%parallel_loop3A_1811] {strides = array<i32>} : memref<320xf32, #tpu.memory_space<vmem>>, vector<16xf32>,
        %parallel_loop3A_1813 = arith.constant 0.000000e+00 : f32
        %parallel_loop3A_1814 = vector.broadcast %parallel_loop3A_1813 : f32 to vector<16xf32>
        %parallel_loop3A_1815 = arith.maximumf %parallel_loop3A_1812, %parallel_loop3A_1814 : vector<16xf32>
        %parallel_loop3A_1816 = arith.constant 2.048000e+03 : f32
        %parallel_loop3A_1817 = vector.broadcast %parallel_loop3A_1816 : f32 to vector<16xf32>
        %parallel_loop3A_1818 = arith.minimumf %parallel_loop3A_1815, %parallel_loop3A_1817 : vector<16xf32>
        %parallel_loop3A_1819 = arith.index_cast %parallel_loop3A_1784 : i32 to index
        %parallel_loop3A_1820 = tpu.vector_load %arg15[%parallel_loop3A_1819] {strides = array<i32>} : memref<320xi32, #tpu.memory_space<vmem>>, vector<16xi32>,
        %parallel_loop3A_1821 = arith.sitofp %parallel_loop3A_1820 : vector<16xi32> to vector<16xf32>
        %parallel_loop3A_1822 = arith.constant 2.049000e+03 : f32
        %parallel_loop3A_1823 = vector.broadcast %parallel_loop3A_1822 : f32 to vector<16xf32>
        %parallel_loop3A_1824 = arith.mulf %parallel_loop3A_1821, %parallel_loop3A_1823 : vector<16xf32>
        %parallel_loop3A_1825 = arith.addf %parallel_loop3A_1794, %parallel_loop3A_1824 : vector<16xf32>
        %parallel_loop3A_1826 = arith.index_cast %parallel_loop3A_1784 : i32 to index
        %parallel_loop3A_1827 = tpu.vector_load %arg16[%parallel_loop3A_1826] {strides = array<i32>} : memref<320xf32, #tpu.memory_space<vmem>>, vector<16xf32>,
        tpu.vector_store %arg16[%parallel_loop3A_1826], %parallel_loop3A_1825 {strides = array<i32>} : memref<320xf32, #tpu.memory_space<vmem>>, vector<16xf32>,
        %parallel_loop3A_1828 = arith.addf %parallel_loop3A_1802, %parallel_loop3A_1824 : vector<16xf32>
        %parallel_loop3A_1829 = arith.index_cast %parallel_loop3A_1784 : i32 to index
        %parallel_loop3A_1830 = tpu.vector_load %arg17[%parallel_loop3A_1829] {strides = array<i32>} : memref<320xf32, #tpu.memory_space<vmem>>, vector<16xf32>,
        tpu.vector_store %arg17[%parallel_loop3A_1829], %parallel_loop3A_1828 {strides = array<i32>} : memref<320xf32, #tpu.memory_space<vmem>>, vector<16xf32>,
        %parallel_loop3A_1831 = arith.addf %parallel_loop3A_1810, %parallel_loop3A_1824 : vector<16xf32>
        %parallel_loop3A_1832 = arith.index_cast %parallel_loop3A_1784 : i32 to index
        %parallel_loop3A_1833 = tpu.vector_load %arg18[%parallel_loop3A_1832] {strides = array<i32>} : memref<320xf32, #tpu.memory_space<vmem>>, vector<16xf32>,
        tpu.vector_store %arg18[%parallel_loop3A_1832], %parallel_loop3A_1831 {strides = array<i32>} : memref<320xf32, #tpu.memory_space<vmem>>, vector<16xf32>,
        %parallel_loop3A_1834 = arith.addf %parallel_loop3A_1818, %parallel_loop3A_1824 : vector<16xf32>
        %parallel_loop3A_1835 = arith.index_cast %parallel_loop3A_1784 : i32 to index
        %parallel_loop3A_1836 = tpu.vector_load %arg19[%parallel_loop3A_1835] {strides = array<i32>} : memref<320xf32, #tpu.memory_space<vmem>>, vector<16xf32>,
        tpu.vector_store %arg19[%parallel_loop3A_1835], %parallel_loop3A_1834 {strides = array<i32>} : memref<320xf32, #tpu.memory_space<vmem>>, vector<16xf32>,
        %parallel_loop3A_1837 = arith.index_cast %parallel_loop3A_1784 : i32 to index
        %parallel_loop3A_1838 = tpu.vector_load %arg20[%parallel_loop3A_1837] {strides = array<i32>} : memref<320xf32, #tpu.memory_space<vmem>>, vector<16xf32>,
        %parallel_loop3A_1839 = arith.constant 5.000000e-02 : f32
        %parallel_loop3A_1840 = vector.broadcast %parallel_loop3A_1839 : f32 to vector<16xf32>
        %parallel_loop3A_1841 = arith.cmpf ogt, %parallel_loop3A_1838, %parallel_loop3A_1840 : vector<16xf32>
        %parallel_loop3A_1842 = arith.constant -1.000000e+00 : f32
        %parallel_loop3A_1843 = vector.broadcast %parallel_loop3A_1842 : f32 to vector<16xf32>
        %parallel_loop3A_1844 = arith.select %parallel_loop3A_1841, %parallel_loop3A_1838, %parallel_loop3A_1843 : vector<16xi1>, vector<16xf32>
        %parallel_loop3A_1845 = arith.index_cast %parallel_loop3A_1784 : i32 to index
        %parallel_loop3A_1846 = tpu.vector_load %arg20[%parallel_loop3A_1845] {strides = array<i32>} : memref<320xf32, #tpu.memory_space<vmem>>, vector<16xf32>,
        tpu.vector_store %arg20[%parallel_loop3A_1845], %parallel_loop3A_1844 {strides = array<i32>} : memref<320xf32, #tpu.memory_space<vmem>>, vector<16xf32>,
        %parallel_loop3A_1847 = arith.cmpf ogt, %parallel_loop3A_1844, %parallel_loop3A_1785 : vector<16xf32>
        %parallel_loop3A_1848 = arith.select %parallel_loop3A_1847, %parallel_loop3A_1844, %parallel_loop3A_1785 : vector<16xi1>, vector<16xf32>
        %parallel_loop3A_1849 = vector.broadcast %parallel_loop3A_1784 : i32 to vector<16xi32>
        %parallel_loop3A_1850 = arith.addi %iota3A, %parallel_loop3A_1849 : vector<16xi32>
        %parallel_loop3A_1851 = arith.select %parallel_loop3A_1847, %parallel_loop3A_1850, %parallel_loop3A_1786 : vector<16xi1>, vector<16xi32>
        scf.yield %parallel_loop3A_1848, %parallel_loop3A_1851 : vector<16xf32>, vector<16xi32>
      } {sc.loop_unroll_factor = 4 : i64, sc.parallel_access}
      %and3A = arith.constant 3 : i32
      %and3A_31 = vector.broadcast %and3A : i32 to vector<16xi32>
      %and3A_32 = arith.andi %iota3A, %and3A_31 : vector<16xi32>
      %shift_right_logical3A = arith.constant 2 : i32
      %shift_right_logical3A_33 = vector.broadcast %shift_right_logical3A : i32 to vector<16xi32>
      %shift_right_logical3A_34 = arith.shrui %iota3A, %shift_right_logical3A_33 : vector<16xi32>
      %le3A = arith.constant 1 : i32
      %le3A_35 = vector.broadcast %le3A : i32 to vector<16xi32>
      %le3A_36 = arith.cmpi sle, %and3A_32, %le3A_35 : vector<16xi32>
      %eq3A_37 = arith.constant 2 : i32
      %eq3A_38 = vector.broadcast %eq3A_37 : i32 to vector<16xi32>
      %eq3A_39 = arith.cmpi eq, %and3A_32, %eq3A_38 : vector<16xi32>
      %jit3A = arith.constant 2.048000e+03 : f32
      %jit3A_40 = arith.constant 2.048000e+03 : f32
      %broadcast_in_dim3A_41 = vector.broadcast %jit3A : f32 to vector<16xf32>
      %broadcast_in_dim3A_42 = vector.broadcast %jit3A_40 : f32 to vector<16xf32>
      %select_n3A = arith.select %eq3A_39, %broadcast_in_dim3A_41, %broadcast_in_dim3A_42 : vector<16xi1>, vector<16xf32>
      %jit3A_43 = arith.constant 0.000000e+00 : f32
      %broadcast_in_dim3A_44 = vector.broadcast %jit3A_43 : f32 to vector<16xf32>
      %select_n3A_45 = arith.select %le3A_36, %broadcast_in_dim3A_44, %select_n3A : vector<16xi1>, vector<16xf32>
      %broadcast_in_dim3A_46 = arith.constant 0.000000e+00 : f32
      %broadcast_in_dim3A_47 = vector.broadcast %broadcast_in_dim3A_46 : f32 to vector<16xf32>
      %broadcast_in_dim3A_48 = arith.constant 0.000000e+00 : f32
      %broadcast_in_dim3A_49 = vector.broadcast %broadcast_in_dim3A_48 : f32 to vector<16xf32>
      %broadcast_in_dim3A_50 = arith.constant 0 : i32
      %broadcast_in_dim3A_51 = vector.broadcast %broadcast_in_dim3A_50 : i32 to vector<16xi32>
      %xor3A = arith.constant 1 : i32
      %xor3A_52 = vector.broadcast %xor3A : i32 to vector<16xi32>
      %xor3A_53 = arith.xori %iota3A, %xor3A_52 : vector<16xi32>
      %lt3A = arith.constant 0 : i32
      %lt3A_54 = vector.broadcast %lt3A : i32 to vector<16xi32>
      %lt3A_55 = arith.cmpi slt, %xor3A_53, %lt3A_54 : vector<16xi32>
      %add3A = arith.constant 16 : i32
      %add3A_56 = vector.broadcast %add3A : i32 to vector<16xi32>
      %add3A_57 = arith.addi %xor3A_53, %add3A_56 : vector<16xi32>
      %select_n3A_58 = arith.select %lt3A_55, %add3A_57, %xor3A_53 : vector<16xi1>, vector<16xi32>
      %broadcast_in_dim3A_59 = vector.shape_cast %select_n3A_58 : vector<16xi32> to vector<16x1xi32>
      %gather3A = vector.shape_cast %broadcast_in_dim3A_59 : vector<16x1xi32> to vector<16xi32>
      %gather3A_60 = tpu.dynamic_gather %parallel_loop3A_30#0[%gather3A] in [0] : vector<16xf32>, vector<16xi32> -> vector<16xf32>
      %lt3A_61 = arith.constant 0 : i32
      %lt3A_62 = vector.broadcast %lt3A_61 : i32 to vector<16xi32>
      %lt3A_63 = arith.cmpi slt, %xor3A_53, %lt3A_62 : vector<16xi32>
      %add3A_64 = arith.constant 16 : i32
      %add3A_65 = vector.broadcast %add3A_64 : i32 to vector<16xi32>
      %add3A_66 = arith.addi %xor3A_53, %add3A_65 : vector<16xi32>
      %select_n3A_67 = arith.select %lt3A_63, %add3A_66, %xor3A_53 : vector<16xi1>, vector<16xi32>
      %broadcast_in_dim3A_68 = vector.shape_cast %select_n3A_67 : vector<16xi32> to vector<16x1xi32>
      %gather3A_69 = vector.shape_cast %broadcast_in_dim3A_68 : vector<16x1xi32> to vector<16xi32>
      %gather3A_70 = tpu.dynamic_gather %parallel_loop3A_30#1[%gather3A_69] in [0] : vector<16xi32>, vector<16xi32> -> vector<16xi32>
      %gt3A = arith.cmpf ogt, %gather3A_60, %parallel_loop3A_30#0 : vector<16xf32>
      %eq3A_71 = arith.cmpf oeq, %gather3A_60, %parallel_loop3A_30#0 : vector<16xf32>
      %lt3A_72 = arith.cmpi slt, %gather3A_70, %parallel_loop3A_30#1 : vector<16xi32>
      %and3A_73 = arith.andi %eq3A_71, %lt3A_72 : vector<16xi1>
      %or3A = arith.ori %gt3A, %and3A_73 : vector<16xi1>
      %select_n3A_74 = arith.select %or3A, %gather3A_60, %parallel_loop3A_30#0 : vector<16xi1>, vector<16xf32>
      %select_n3A_75 = arith.select %or3A, %gather3A_70, %parallel_loop3A_30#1 : vector<16xi1>, vector<16xi32>
      %xor3A_76 = arith.constant 2 : i32
      %xor3A_77 = vector.broadcast %xor3A_76 : i32 to vector<16xi32>
      %xor3A_78 = arith.xori %iota3A, %xor3A_77 : vector<16xi32>
      %lt3A_79 = arith.constant 0 : i32
      %lt3A_80 = vector.broadcast %lt3A_79 : i32 to vector<16xi32>
      %lt3A_81 = arith.cmpi slt, %xor3A_78, %lt3A_80 : vector<16xi32>
      %add3A_82 = arith.constant 16 : i32
      %add3A_83 = vector.broadcast %add3A_82 : i32 to vector<16xi32>
      %add3A_84 = arith.addi %xor3A_78, %add3A_83 : vector<16xi32>
      %select_n3A_85 = arith.select %lt3A_81, %add3A_84, %xor3A_78 : vector<16xi1>, vector<16xi32>
      %broadcast_in_dim3A_86 = vector.shape_cast %select_n3A_85 : vector<16xi32> to vector<16x1xi32>
      %gather3A_87 = vector.shape_cast %broadcast_in_dim3A_86 : vector<16x1xi32> to vector<16xi32>
      %gather3A_88 = tpu.dynamic_gather %select_n3A_74[%gather3A_87] in [0] : vector<16xf32>, vector<16xi32> -> vector<16xf32>
      %lt3A_89 = arith.constant 0 : i32
      %lt3A_90 = vector.broadcast %lt3A_89 : i32 to vector<16xi32>
      %lt3A_91 = arith.cmpi slt, %xor3A_78, %lt3A_90 : vector<16xi32>
      %add3A_92 = arith.constant 16 : i32
      %add3A_93 = vector.broadcast %add3A_92 : i32 to vector<16xi32>
      %add3A_94 = arith.addi %xor3A_78, %add3A_93 : vector<16xi32>
      %select_n3A_95 = arith.select %lt3A_91, %add3A_94, %xor3A_78 : vector<16xi1>, vector<16xi32>
      %broadcast_in_dim3A_96 = vector.shape_cast %select_n3A_95 : vector<16xi32> to vector<16x1xi32>
      %gather3A_97 = vector.shape_cast %broadcast_in_dim3A_96 : vector<16x1xi32> to vector<16xi32>
      %gather3A_98 = tpu.dynamic_gather %select_n3A_75[%gather3A_97] in [0] : vector<16xi32>, vector<16xi32> -> vector<16xi32>
      %gt3A_99 = arith.cmpf ogt, %gather3A_88, %select_n3A_74 : vector<16xf32>
      %eq3A_100 = arith.cmpf oeq, %gather3A_88, %select_n3A_74 : vector<16xf32>
      %lt3A_101 = arith.cmpi slt, %gather3A_98, %select_n3A_75 : vector<16xi32>
      %and3A_102 = arith.andi %eq3A_100, %lt3A_101 : vector<16xi1>
      %or3A_103 = arith.ori %gt3A_99, %and3A_102 : vector<16xi1>
      %select_n3A_104 = arith.select %or3A_103, %gather3A_88, %select_n3A_74 : vector<16xi1>, vector<16xf32>
      %select_n3A_105 = arith.select %or3A_103, %gather3A_98, %select_n3A_75 : vector<16xi1>, vector<16xi32>
      %xor3A_106 = arith.constant 4 : i32
      %xor3A_107 = vector.broadcast %xor3A_106 : i32 to vector<16xi32>
      %xor3A_108 = arith.xori %iota3A, %xor3A_107 : vector<16xi32>
      %lt3A_109 = arith.constant 0 : i32
      %lt3A_110 = vector.broadcast %lt3A_109 : i32 to vector<16xi32>
      %lt3A_111 = arith.cmpi slt, %xor3A_108, %lt3A_110 : vector<16xi32>
      %add3A_112 = arith.constant 16 : i32
      %add3A_113 = vector.broadcast %add3A_112 : i32 to vector<16xi32>
      %add3A_114 = arith.addi %xor3A_108, %add3A_113 : vector<16xi32>
      %select_n3A_115 = arith.select %lt3A_111, %add3A_114, %xor3A_108 : vector<16xi1>, vector<16xi32>
      %broadcast_in_dim3A_116 = vector.shape_cast %select_n3A_115 : vector<16xi32> to vector<16x1xi32>
      %gather3A_117 = vector.shape_cast %broadcast_in_dim3A_116 : vector<16x1xi32> to vector<16xi32>
      %gather3A_118 = tpu.dynamic_gather %select_n3A_104[%gather3A_117] in [0] : vector<16xf32>, vector<16xi32> -> vector<16xf32>
      %lt3A_119 = arith.constant 0 : i32
      %lt3A_120 = vector.broadcast %lt3A_119 : i32 to vector<16xi32>
      %lt3A_121 = arith.cmpi slt, %xor3A_108, %lt3A_120 : vector<16xi32>
      %add3A_122 = arith.constant 16 : i32
      %add3A_123 = vector.broadcast %add3A_122 : i32 to vector<16xi32>
      %add3A_124 = arith.addi %xor3A_108, %add3A_123 : vector<16xi32>
      %select_n3A_125 = arith.select %lt3A_121, %add3A_124, %xor3A_108 : vector<16xi1>, vector<16xi32>
      %broadcast_in_dim3A_126 = vector.shape_cast %select_n3A_125 : vector<16xi32> to vector<16x1xi32>
      %gather3A_127 = vector.shape_cast %broadcast_in_dim3A_126 : vector<16x1xi32> to vector<16xi32>
      %gather3A_128 = tpu.dynamic_gather %select_n3A_105[%gather3A_127] in [0] : vector<16xi32>, vector<16xi32> -> vector<16xi32>
      %gt3A_129 = arith.cmpf ogt, %gather3A_118, %select_n3A_104 : vector<16xf32>
      %eq3A_130 = arith.cmpf oeq, %gather3A_118, %select_n3A_104 : vector<16xf32>
      %lt3A_131 = arith.cmpi slt, %gather3A_128, %select_n3A_105 : vector<16xi32>
      %and3A_132 = arith.andi %eq3A_130, %lt3A_131 : vector<16xi1>
      %or3A_133 = arith.ori %gt3A_129, %and3A_132 : vector<16xi1>
      %select_n3A_134 = arith.select %or3A_133, %gather3A_118, %select_n3A_104 : vector<16xi1>, vector<16xf32>
      %select_n3A_135 = arith.select %or3A_133, %gather3A_128, %select_n3A_105 : vector<16xi1>, vector<16xi32>
      %xor3A_136 = arith.constant 8 : i32
      %xor3A_137 = vector.broadcast %xor3A_136 : i32 to vector<16xi32>
      %xor3A_138 = arith.xori %iota3A, %xor3A_137 : vector<16xi32>
      %lt3A_139 = arith.constant 0 : i32
      %lt3A_140 = vector.broadcast %lt3A_139 : i32 to vector<16xi32>
      %lt3A_141 = arith.cmpi slt, %xor3A_138, %lt3A_140 : vector<16xi32>
      %add3A_142 = arith.constant 16 : i32
      %add3A_143 = vector.broadcast %add3A_142 : i32 to vector<16xi32>
      %add3A_144 = arith.addi %xor3A_138, %add3A_143 : vector<16xi32>
      %select_n3A_145 = arith.select %lt3A_141, %add3A_144, %xor3A_138 : vector<16xi1>, vector<16xi32>
      %broadcast_in_dim3A_146 = vector.shape_cast %select_n3A_145 : vector<16xi32> to vector<16x1xi32>
      %gather3A_147 = vector.shape_cast %broadcast_in_dim3A_146 : vector<16x1xi32> to vector<16xi32>
      %gather3A_148 = tpu.dynamic_gather %select_n3A_134[%gather3A_147] in [0] : vector<16xf32>, vector<16xi32> -> vector<16xf32>
      %lt3A_149 = arith.constant 0 : i32
      %lt3A_150 = vector.broadcast %lt3A_149 : i32 to vector<16xi32>
      %lt3A_151 = arith.cmpi slt, %xor3A_138, %lt3A_150 : vector<16xi32>
      %add3A_152 = arith.constant 16 : i32
      %add3A_153 = vector.broadcast %add3A_152 : i32 to vector<16xi32>
      %add3A_154 = arith.addi %xor3A_138, %add3A_153 : vector<16xi32>
      %select_n3A_155 = arith.select %lt3A_151, %add3A_154, %xor3A_138 : vector<16xi1>, vector<16xi32>
      %broadcast_in_dim3A_156 = vector.shape_cast %select_n3A_155 : vector<16xi32> to vector<16x1xi32>
      %gather3A_157 = vector.shape_cast %broadcast_in_dim3A_156 : vector<16x1xi32> to vector<16xi32>
      %gather3A_158 = tpu.dynamic_gather %select_n3A_135[%gather3A_157] in [0] : vector<16xi32>, vector<16xi32> -> vector<16xi32>
      %gt3A_159 = arith.cmpf ogt, %gather3A_148, %select_n3A_134 : vector<16xf32>
      %eq3A_160 = arith.cmpf oeq, %gather3A_148, %select_n3A_134 : vector<16xf32>
      %lt3A_161 = arith.cmpi slt, %gather3A_158, %select_n3A_135 : vector<16xi32>
      %and3A_162 = arith.andi %eq3A_160, %lt3A_161 : vector<16xi1>
      %or3A_163 = arith.ori %gt3A_159, %and3A_162 : vector<16xi1>
      %select_n3A_164 = arith.select %or3A_163, %gather3A_148, %select_n3A_134 : vector<16xi1>, vector<16xf32>
      %select_n3A_165 = arith.select %or3A_163, %gather3A_158, %select_n3A_135 : vector<16xi1>, vector<16xi32>
      %mul3A_166 = arith.constant 312 : i32
      %mul3A_167 = arith.muli %arg1, %mul3A_166 : i32
      %add3A_168 = vector.broadcast %mul3A_167 : i32 to vector<16xi32>
      %add3A_169 = arith.addi %select_n3A_165, %add3A_168 : vector<16xi32>
      %convert_element_type3A_170 = arith.sitofp %add3A_169 : vector<16xi32> to vector<16xf32>
      %gather3A_171 = tpu.vector_load_idx %arg16[%select_n3A_165] : memref<320xf32, #tpu.memory_space<vmem>>[vector<16xi32>], vector<16xf32>,
      %gather3A_172 = tpu.vector_load_idx %arg17[%select_n3A_165] : memref<320xf32, #tpu.memory_space<vmem>>[vector<16xi32>], vector<16xf32>,
      %gather3A_173 = tpu.vector_load_idx %arg18[%select_n3A_165] : memref<320xf32, #tpu.memory_space<vmem>>[vector<16xi32>], vector<16xf32>,
      %gather3A_174 = tpu.vector_load_idx %arg19[%select_n3A_165] : memref<320xf32, #tpu.memory_space<vmem>>[vector<16xi32>], vector<16xf32>,
      %gather3A_175 = tpu.vector_load_idx %arg15[%select_n3A_165] : memref<320xi32, #tpu.memory_space<vmem>>[vector<16xi32>], vector<16xi32>,
      %convert_element_type3A_176 = arith.sitofp %gather3A_175 : vector<16xi32> to vector<16xf32>
      %eq3A_177 = arith.constant 0 : i32
      %eq3A_178 = vector.broadcast %eq3A_177 : i32 to vector<16xi32>
      %eq3A_179 = arith.cmpi eq, %iota3A, %eq3A_178 : vector<16xi32>
      %eq3A_180 = arith.constant 1 : i32
      %eq3A_181 = vector.broadcast %eq3A_180 : i32 to vector<16xi32>
      %eq3A_182 = arith.cmpi eq, %iota3A, %eq3A_181 : vector<16xi32>
      %eq3A_183 = arith.constant 2 : i32
      %eq3A_184 = vector.broadcast %eq3A_183 : i32 to vector<16xi32>
      %eq3A_185 = arith.cmpi eq, %iota3A, %eq3A_184 : vector<16xi32>
      %eq3A_186 = arith.constant 3 : i32
      %eq3A_187 = vector.broadcast %eq3A_186 : i32 to vector<16xi32>
      %eq3A_188 = arith.cmpi eq, %iota3A, %eq3A_187 : vector<16xi32>
      %eq3A_189 = arith.constant 4 : i32
      %eq3A_190 = vector.broadcast %eq3A_189 : i32 to vector<16xi32>
      %eq3A_191 = arith.cmpi eq, %iota3A, %eq3A_190 : vector<16xi32>
      %eq3A_192 = arith.constant 5 : i32
      %eq3A_193 = vector.broadcast %eq3A_192 : i32 to vector<16xi32>
      %eq3A_194 = arith.cmpi eq, %iota3A, %eq3A_193 : vector<16xi32>
      %eq3A_195 = arith.constant 6 : i32
      %eq3A_196 = vector.broadcast %eq3A_195 : i32 to vector<16xi32>
      %eq3A_197 = arith.cmpi eq, %iota3A, %eq3A_196 : vector<16xi32>
      %jit3A_198 = arith.constant 0.000000e+00 : f32
      %broadcast_in_dim3A_199 = vector.broadcast %jit3A_198 : f32 to vector<16xf32>
      %select_n3A_200 = arith.select %eq3A_197, %convert_element_type3A_176, %broadcast_in_dim3A_199 : vector<16xi1>, vector<16xf32>
      %select_n3A_201 = arith.select %eq3A_194, %gather3A_174, %select_n3A_200 : vector<16xi1>, vector<16xf32>
      %select_n3A_202 = arith.select %eq3A_191, %gather3A_173, %select_n3A_201 : vector<16xi1>, vector<16xf32>
      %select_n3A_203 = arith.select %eq3A_188, %gather3A_172, %select_n3A_202 : vector<16xi1>, vector<16xf32>
      %select_n3A_204 = arith.select %eq3A_185, %gather3A_171, %select_n3A_203 : vector<16xi1>, vector<16xf32>
      %select_n3A_205 = arith.select %eq3A_182, %convert_element_type3A_170, %select_n3A_204 : vector<16xi1>, vector<16xf32>
      %select_n3A_206 = arith.select %eq3A_179, %select_n3A_164, %select_n3A_205 : vector<16xi1>, vector<16xf32>
      %swap3A = arith.constant 0 : index
      %swap3A_207 = tpu.vector_load %arg21[%swap3A] {strides = array<i32>} : memref<16xf32, #tpu.memory_space<vmem>>, vector<16xf32>,
      tpu.vector_store %arg21[%swap3A], %select_n3A_206 {strides = array<i32>} : memref<16xf32, #tpu.memory_space<vmem>>, vector<16xf32>,
      %mul3A_208 = arith.constant 8 : i32
      %mul3A_209 = arith.muli %arg1, %mul3A_208 : i32
      %add3A_210 = arith.constant 0 : i32
      %add3A_211 = arith.addi %add3A_210, %mul3A_209 : i32
      "tpu.region"() ({
        %run_scoped3A = tpu.sem_alloc : memref<!tpu.dma_semaphore, #tpu.memory_space<semaphore_mem>>
        %dma_start3A_1784 = arith.constant 0 : i32
        %dma_start3A_1785 = tpu.memref_slice %arg21[%dma_start3A_1784] : memref<16xf32, #tpu.memory_space<vmem>> -> memref<8xf32, #tpu.memory_space<vmem>>
        %dma_start3A_1786 = tpu.memref_slice %arg26[%add3A_211] : memref<256xf32, #tpu.memory_space<vmem_shared>> -> memref<8xf32, #tpu.memory_space<vmem_shared>>
        %dma_start3A_1787 = tpu.memref_slice %arg26[%add3A_211] : memref<256xf32, #tpu.memory_space<vmem_shared>> -> memref<8xf32, #tpu.memory_space<vmem_shared>>
        %dma_start3A_1788 = arith.constant 0 : i32
        %dma_start3A_1789 = tpu.memref_slice %arg21[%dma_start3A_1788] : memref<16xf32, #tpu.memory_space<vmem>> -> memref<8xf32, #tpu.memory_space<vmem>>
        tpu.enqueue_dma source(%dma_start3A_1789 : memref<8xf32, #tpu.memory_space<vmem>>) target(%dma_start3A_1787 : memref<8xf32, #tpu.memory_space<vmem_shared>>) target_semaphore(%run_scoped3A : memref<!tpu.dma_semaphore, #tpu.memory_space<semaphore_mem>>)
        %dma_wait3A_1790 = arith.constant 0 : i32
        %dma_wait3A_1791 = tpu.memref_slice %arg21[%dma_wait3A_1790] : memref<16xf32, #tpu.memory_space<vmem>> -> memref<8xf32, #tpu.memory_space<vmem>>
        %dma_wait3A_1792 = tpu.memref_slice %arg26[%add3A_211] : memref<256xf32, #tpu.memory_space<vmem_shared>> -> memref<8xf32, #tpu.memory_space<vmem_shared>>
        %dma_wait3A_1793 = tpu.memref_slice %arg26[%add3A_211] : memref<256xf32, #tpu.memory_space<vmem_shared>> -> memref<8xf32, #tpu.memory_space<vmem_shared>>
        %dma_wait3A_1794 = arith.constant 0 : i32
        %dma_wait3A_1795 = tpu.memref_slice %arg21[%dma_wait3A_1794] : memref<16xf32, #tpu.memory_space<vmem>> -> memref<8xf32, #tpu.memory_space<vmem>>
        tpu.wait_dma2 semaphore(%run_scoped3A : memref<!tpu.dma_semaphore, #tpu.memory_space<semaphore_mem>>) src(%dma_wait3A_1795 : memref<8xf32, #tpu.memory_space<vmem>>) dst(%dma_wait3A_1793 : memref<8xf32, #tpu.memory_space<vmem_shared>>)
        tpu.yield
      }) : () -> ()
      %barrier3A = arith.constant 0 : index
      tpu.barrier barrier_id(%barrier3A)
      "tpu.region"() ({
        %run_scoped3A = tpu.sem_alloc : memref<!tpu.dma_semaphore, #tpu.memory_space<semaphore_mem>>
        %dma_start3A_1784 = arith.constant 0 : i32
        %dma_start3A_1785 = tpu.memref_slice %arg26[%dma_start3A_1784] : memref<256xf32, #tpu.memory_space<vmem_shared>> -> memref<128xf32, #tpu.memory_space<vmem_shared>>
        %dma_start3A_1786 = arith.constant 0 : i32
        %dma_start3A_1787 = tpu.memref_slice %arg26[%dma_start3A_1786] : memref<256xf32, #tpu.memory_space<vmem_shared>> -> memref<128xf32, #tpu.memory_space<vmem_shared>>
        tpu.enqueue_dma source(%dma_start3A_1787 : memref<128xf32, #tpu.memory_space<vmem_shared>>) target(%arg22 : memref<128xf32, #tpu.memory_space<vmem>>) target_semaphore(%run_scoped3A : memref<!tpu.dma_semaphore, #tpu.memory_space<semaphore_mem>>)
        %dma_wait3A_1788 = arith.constant 0 : i32
        %dma_wait3A_1789 = tpu.memref_slice %arg26[%dma_wait3A_1788] : memref<256xf32, #tpu.memory_space<vmem_shared>> -> memref<128xf32, #tpu.memory_space<vmem_shared>>
        %dma_wait3A_1790 = arith.constant 0 : i32
        %dma_wait3A_1791 = tpu.memref_slice %arg26[%dma_wait3A_1790] : memref<256xf32, #tpu.memory_space<vmem_shared>> -> memref<128xf32, #tpu.memory_space<vmem_shared>>
        tpu.wait_dma2 semaphore(%run_scoped3A : memref<!tpu.dma_semaphore, #tpu.memory_space<semaphore_mem>>) src(%dma_wait3A_1791 : memref<128xf32, #tpu.memory_space<vmem_shared>>) dst(%arg22 : memref<128xf32, #tpu.memory_space<vmem>>)
        tpu.yield
      }) : () -> ()
      %mul3A_212 = arith.constant 8 : i32
      %mul3A_213 = vector.broadcast %mul3A_212 : i32 to vector<16xi32>
      %mul3A_214 = arith.muli %iota3A, %mul3A_213 : vector<16xi32>
      %add3A_215 = arith.constant 0 : i32
      %add3A_216 = vector.broadcast %add3A_215 : i32 to vector<16xi32>
      %add3A_217 = arith.addi %mul3A_214, %add3A_216 : vector<16xi32>
      %gather3A_218 = tpu.vector_load_idx %arg22[%add3A_217] : memref<128xf32, #tpu.memory_space<vmem>>[vector<16xi32>], vector<16xf32>,
      %mul3A_219 = arith.constant 8 : i32
      %mul3A_220 = vector.broadcast %mul3A_219 : i32 to vector<16xi32>
      %mul3A_221 = arith.muli %iota3A, %mul3A_220 : vector<16xi32>
      %add3A_222 = arith.constant 1 : i32
      %add3A_223 = vector.broadcast %add3A_222 : i32 to vector<16xi32>
      %add3A_224 = arith.addi %mul3A_221, %add3A_223 : vector<16xi32>
      %gather3A_225 = tpu.vector_load_idx %arg22[%add3A_224] : memref<128xf32, #tpu.memory_space<vmem>>[vector<16xi32>], vector<16xf32>,
      %xor3A_226 = arith.constant 1 : i32
      %xor3A_227 = vector.broadcast %xor3A_226 : i32 to vector<16xi32>
      %xor3A_228 = arith.xori %iota3A, %xor3A_227 : vector<16xi32>
      %lt3A_229 = arith.constant 0 : i32
      %lt3A_230 = vector.broadcast %lt3A_229 : i32 to vector<16xi32>
      %lt3A_231 = arith.cmpi slt, %xor3A_228, %lt3A_230 : vector<16xi32>
      %add3A_232 = arith.constant 16 : i32
      %add3A_233 = vector.broadcast %add3A_232 : i32 to vector<16xi32>
      %add3A_234 = arith.addi %xor3A_228, %add3A_233 : vector<16xi32>
      %select_n3A_235 = arith.select %lt3A_231, %add3A_234, %xor3A_228 : vector<16xi1>, vector<16xi32>
      %broadcast_in_dim3A_236 = vector.shape_cast %select_n3A_235 : vector<16xi32> to vector<16x1xi32>
      %gather3A_237 = vector.shape_cast %broadcast_in_dim3A_236 : vector<16x1xi32> to vector<16xi32>
      %gather3A_238 = tpu.dynamic_gather %gather3A_218[%gather3A_237] in [0] : vector<16xf32>, vector<16xi32> -> vector<16xf32>
      %lt3A_239 = arith.constant 0 : i32
      %lt3A_240 = vector.broadcast %lt3A_239 : i32 to vector<16xi32>
      %lt3A_241 = arith.cmpi slt, %xor3A_228, %lt3A_240 : vector<16xi32>
      %add3A_242 = arith.constant 16 : i32
      %add3A_243 = vector.broadcast %add3A_242 : i32 to vector<16xi32>
      %add3A_244 = arith.addi %xor3A_228, %add3A_243 : vector<16xi32>
      %select_n3A_245 = arith.select %lt3A_241, %add3A_244, %xor3A_228 : vector<16xi1>, vector<16xi32>
      %broadcast_in_dim3A_246 = vector.shape_cast %select_n3A_245 : vector<16xi32> to vector<16x1xi32>
      %gather3A_247 = vector.shape_cast %broadcast_in_dim3A_246 : vector<16x1xi32> to vector<16xi32>
      %gather3A_248 = tpu.dynamic_gather %gather3A_225[%gather3A_247] in [0] : vector<16xf32>, vector<16xi32> -> vector<16xf32>
      %gt3A_249 = arith.cmpf ogt, %gather3A_238, %gather3A_218 : vector<16xf32>
      %eq3A_250 = arith.cmpf oeq, %gather3A_238, %gather3A_218 : vector<16xf32>
      %lt3A_251 = arith.cmpf olt, %gather3A_248, %gather3A_225 : vector<16xf32>
      %and3A_252 = arith.andi %eq3A_250, %lt3A_251 : vector<16xi1>
      %or3A_253 = arith.ori %gt3A_249, %and3A_252 : vector<16xi1>
      %select_n3A_254 = arith.select %or3A_253, %gather3A_238, %gather3A_218 : vector<16xi1>, vector<16xf32>
      %select_n3A_255 = arith.select %or3A_253, %gather3A_248, %gather3A_225 : vector<16xi1>, vector<16xf32>
      %lt3A_256 = arith.constant 0 : i32
      %lt3A_257 = vector.broadcast %lt3A_256 : i32 to vector<16xi32>
      %lt3A_258 = arith.cmpi slt, %xor3A_228, %lt3A_257 : vector<16xi32>
      %add3A_259 = arith.constant 16 : i32
      %add3A_260 = vector.broadcast %add3A_259 : i32 to vector<16xi32>
      %add3A_261 = arith.addi %xor3A_228, %add3A_260 : vector<16xi32>
      %select_n3A_262 = arith.select %lt3A_258, %add3A_261, %xor3A_228 : vector<16xi1>, vector<16xi32>
      %broadcast_in_dim3A_263 = vector.shape_cast %select_n3A_262 : vector<16xi32> to vector<16x1xi32>
      %gather3A_264 = vector.shape_cast %broadcast_in_dim3A_263 : vector<16x1xi32> to vector<16xi32>
      %gather3A_265 = tpu.dynamic_gather %iota3A[%gather3A_264] in [0] : vector<16xi32>, vector<16xi32> -> vector<16xi32>
      %select_n3A_266 = arith.select %or3A_253, %gather3A_265, %iota3A : vector<16xi1>, vector<16xi32>
      %xor3A_267 = arith.constant 2 : i32
      %xor3A_268 = vector.broadcast %xor3A_267 : i32 to vector<16xi32>
      %xor3A_269 = arith.xori %iota3A, %xor3A_268 : vector<16xi32>
      %lt3A_270 = arith.constant 0 : i32
      %lt3A_271 = vector.broadcast %lt3A_270 : i32 to vector<16xi32>
      %lt3A_272 = arith.cmpi slt, %xor3A_269, %lt3A_271 : vector<16xi32>
      %add3A_273 = arith.constant 16 : i32
      %add3A_274 = vector.broadcast %add3A_273 : i32 to vector<16xi32>
      %add3A_275 = arith.addi %xor3A_269, %add3A_274 : vector<16xi32>
      %select_n3A_276 = arith.select %lt3A_272, %add3A_275, %xor3A_269 : vector<16xi1>, vector<16xi32>
      %broadcast_in_dim3A_277 = vector.shape_cast %select_n3A_276 : vector<16xi32> to vector<16x1xi32>
      %gather3A_278 = vector.shape_cast %broadcast_in_dim3A_277 : vector<16x1xi32> to vector<16xi32>
      %gather3A_279 = tpu.dynamic_gather %select_n3A_254[%gather3A_278] in [0] : vector<16xf32>, vector<16xi32> -> vector<16xf32>
      %lt3A_280 = arith.constant 0 : i32
      %lt3A_281 = vector.broadcast %lt3A_280 : i32 to vector<16xi32>
      %lt3A_282 = arith.cmpi slt, %xor3A_269, %lt3A_281 : vector<16xi32>
      %add3A_283 = arith.constant 16 : i32
      %add3A_284 = vector.broadcast %add3A_283 : i32 to vector<16xi32>
      %add3A_285 = arith.addi %xor3A_269, %add3A_284 : vector<16xi32>
      %select_n3A_286 = arith.select %lt3A_282, %add3A_285, %xor3A_269 : vector<16xi1>, vector<16xi32>
      %broadcast_in_dim3A_287 = vector.shape_cast %select_n3A_286 : vector<16xi32> to vector<16x1xi32>
      %gather3A_288 = vector.shape_cast %broadcast_in_dim3A_287 : vector<16x1xi32> to vector<16xi32>
      %gather3A_289 = tpu.dynamic_gather %select_n3A_255[%gather3A_288] in [0] : vector<16xf32>, vector<16xi32> -> vector<16xf32>
      %gt3A_290 = arith.cmpf ogt, %gather3A_279, %select_n3A_254 : vector<16xf32>
      %eq3A_291 = arith.cmpf oeq, %gather3A_279, %select_n3A_254 : vector<16xf32>
      %lt3A_292 = arith.cmpf olt, %gather3A_289, %select_n3A_255 : vector<16xf32>
      %and3A_293 = arith.andi %eq3A_291, %lt3A_292 : vector<16xi1>
      %or3A_294 = arith.ori %gt3A_290, %and3A_293 : vector<16xi1>
      %select_n3A_295 = arith.select %or3A_294, %gather3A_279, %select_n3A_254 : vector<16xi1>, vector<16xf32>
      %select_n3A_296 = arith.select %or3A_294, %gather3A_289, %select_n3A_255 : vector<16xi1>, vector<16xf32>
      %lt3A_297 = arith.constant 0 : i32
      %lt3A_298 = vector.broadcast %lt3A_297 : i32 to vector<16xi32>
      %lt3A_299 = arith.cmpi slt, %xor3A_269, %lt3A_298 : vector<16xi32>
      %add3A_300 = arith.constant 16 : i32
      %add3A_301 = vector.broadcast %add3A_300 : i32 to vector<16xi32>
      %add3A_302 = arith.addi %xor3A_269, %add3A_301 : vector<16xi32>
      %select_n3A_303 = arith.select %lt3A_299, %add3A_302, %xor3A_269 : vector<16xi1>, vector<16xi32>
      %broadcast_in_dim3A_304 = vector.shape_cast %select_n3A_303 : vector<16xi32> to vector<16x1xi32>
      %gather3A_305 = vector.shape_cast %broadcast_in_dim3A_304 : vector<16x1xi32> to vector<16xi32>
      %gather3A_306 = tpu.dynamic_gather %select_n3A_266[%gather3A_305] in [0] : vector<16xi32>, vector<16xi32> -> vector<16xi32>
      %select_n3A_307 = arith.select %or3A_294, %gather3A_306, %select_n3A_266 : vector<16xi1>, vector<16xi32>
      %xor3A_308 = arith.constant 4 : i32
      %xor3A_309 = vector.broadcast %xor3A_308 : i32 to vector<16xi32>
      %xor3A_310 = arith.xori %iota3A, %xor3A_309 : vector<16xi32>
      %lt3A_311 = arith.constant 0 : i32
      %lt3A_312 = vector.broadcast %lt3A_311 : i32 to vector<16xi32>
      %lt3A_313 = arith.cmpi slt, %xor3A_310, %lt3A_312 : vector<16xi32>
      %add3A_314 = arith.constant 16 : i32
      %add3A_315 = vector.broadcast %add3A_314 : i32 to vector<16xi32>
      %add3A_316 = arith.addi %xor3A_310, %add3A_315 : vector<16xi32>
      %select_n3A_317 = arith.select %lt3A_313, %add3A_316, %xor3A_310 : vector<16xi1>, vector<16xi32>
      %broadcast_in_dim3A_318 = vector.shape_cast %select_n3A_317 : vector<16xi32> to vector<16x1xi32>
      %gather3A_319 = vector.shape_cast %broadcast_in_dim3A_318 : vector<16x1xi32> to vector<16xi32>
      %gather3A_320 = tpu.dynamic_gather %select_n3A_295[%gather3A_319] in [0] : vector<16xf32>, vector<16xi32> -> vector<16xf32>
      %lt3A_321 = arith.constant 0 : i32
      %lt3A_322 = vector.broadcast %lt3A_321 : i32 to vector<16xi32>
      %lt3A_323 = arith.cmpi slt, %xor3A_310, %lt3A_322 : vector<16xi32>
      %add3A_324 = arith.constant 16 : i32
      %add3A_325 = vector.broadcast %add3A_324 : i32 to vector<16xi32>
      %add3A_326 = arith.addi %xor3A_310, %add3A_325 : vector<16xi32>
      %select_n3A_327 = arith.select %lt3A_323, %add3A_326, %xor3A_310 : vector<16xi1>, vector<16xi32>
      %broadcast_in_dim3A_328 = vector.shape_cast %select_n3A_327 : vector<16xi32> to vector<16x1xi32>
      %gather3A_329 = vector.shape_cast %broadcast_in_dim3A_328 : vector<16x1xi32> to vector<16xi32>
      %gather3A_330 = tpu.dynamic_gather %select_n3A_296[%gather3A_329] in [0] : vector<16xf32>, vector<16xi32> -> vector<16xf32>
      %gt3A_331 = arith.cmpf ogt, %gather3A_320, %select_n3A_295 : vector<16xf32>
      %eq3A_332 = arith.cmpf oeq, %gather3A_320, %select_n3A_295 : vector<16xf32>
      %lt3A_333 = arith.cmpf olt, %gather3A_330, %select_n3A_296 : vector<16xf32>
      %and3A_334 = arith.andi %eq3A_332, %lt3A_333 : vector<16xi1>
      %or3A_335 = arith.ori %gt3A_331, %and3A_334 : vector<16xi1>
      %select_n3A_336 = arith.select %or3A_335, %gather3A_320, %select_n3A_295 : vector<16xi1>, vector<16xf32>
      %select_n3A_337 = arith.select %or3A_335, %gather3A_330, %select_n3A_296 : vector<16xi1>, vector<16xf32>
      %lt3A_338 = arith.constant 0 : i32
      %lt3A_339 = vector.broadcast %lt3A_338 : i32 to vector<16xi32>
      %lt3A_340 = arith.cmpi slt, %xor3A_310, %lt3A_339 : vector<16xi32>
      %add3A_341 = arith.constant 16 : i32
      %add3A_342 = vector.broadcast %add3A_341 : i32 to vector<16xi32>
      %add3A_343 = arith.addi %xor3A_310, %add3A_342 : vector<16xi32>
      %select_n3A_344 = arith.select %lt3A_340, %add3A_343, %xor3A_310 : vector<16xi1>, vector<16xi32>
      %broadcast_in_dim3A_345 = vector.shape_cast %select_n3A_344 : vector<16xi32> to vector<16x1xi32>
      %gather3A_346 = vector.shape_cast %broadcast_in_dim3A_345 : vector<16x1xi32> to vector<16xi32>
      %gather3A_347 = tpu.dynamic_gather %select_n3A_307[%gather3A_346] in [0] : vector<16xi32>, vector<16xi32> -> vector<16xi32>
      %select_n3A_348 = arith.select %or3A_335, %gather3A_347, %select_n3A_307 : vector<16xi1>, vector<16xi32>
      %xor3A_349 = arith.constant 8 : i32
      %xor3A_350 = vector.broadcast %xor3A_349 : i32 to vector<16xi32>
      %xor3A_351 = arith.xori %iota3A, %xor3A_350 : vector<16xi32>
      %lt3A_352 = arith.constant 0 : i32
      %lt3A_353 = vector.broadcast %lt3A_352 : i32 to vector<16xi32>
      %lt3A_354 = arith.cmpi slt, %xor3A_351, %lt3A_353 : vector<16xi32>
      %add3A_355 = arith.constant 16 : i32
      %add3A_356 = vector.broadcast %add3A_355 : i32 to vector<16xi32>
      %add3A_357 = arith.addi %xor3A_351, %add3A_356 : vector<16xi32>
      %select_n3A_358 = arith.select %lt3A_354, %add3A_357, %xor3A_351 : vector<16xi1>, vector<16xi32>
      %broadcast_in_dim3A_359 = vector.shape_cast %select_n3A_358 : vector<16xi32> to vector<16x1xi32>
      %gather3A_360 = vector.shape_cast %broadcast_in_dim3A_359 : vector<16x1xi32> to vector<16xi32>
      %gather3A_361 = tpu.dynamic_gather %select_n3A_336[%gather3A_360] in [0] : vector<16xf32>, vector<16xi32> -> vector<16xf32>
      %lt3A_362 = arith.constant 0 : i32
      %lt3A_363 = vector.broadcast %lt3A_362 : i32 to vector<16xi32>
      %lt3A_364 = arith.cmpi slt, %xor3A_351, %lt3A_363 : vector<16xi32>
      %add3A_365 = arith.constant 16 : i32
      %add3A_366 = vector.broadcast %add3A_365 : i32 to vector<16xi32>
      %add3A_367 = arith.addi %xor3A_351, %add3A_366 : vector<16xi32>
      %select_n3A_368 = arith.select %lt3A_364, %add3A_367, %xor3A_351 : vector<16xi1>, vector<16xi32>
      %broadcast_in_dim3A_369 = vector.shape_cast %select_n3A_368 : vector<16xi32> to vector<16x1xi32>
      %gather3A_370 = vector.shape_cast %broadcast_in_dim3A_369 : vector<16x1xi32> to vector<16xi32>
      %gather3A_371 = tpu.dynamic_gather %select_n3A_337[%gather3A_370] in [0] : vector<16xf32>, vector<16xi32> -> vector<16xf32>
      %gt3A_372 = arith.cmpf ogt, %gather3A_361, %select_n3A_336 : vector<16xf32>
      %eq3A_373 = arith.cmpf oeq, %gather3A_361, %select_n3A_336 : vector<16xf32>
      %lt3A_374 = arith.cmpf olt, %gather3A_371, %select_n3A_337 : vector<16xf32>
      %and3A_375 = arith.andi %eq3A_373, %lt3A_374 : vector<16xi1>
      %or3A_376 = arith.ori %gt3A_372, %and3A_375 : vector<16xi1>
      %select_n3A_377 = arith.select %or3A_376, %gather3A_361, %select_n3A_336 : vector<16xi1>, vector<16xf32>
      %select_n3A_378 = arith.select %or3A_376, %gather3A_371, %select_n3A_337 : vector<16xi1>, vector<16xf32>
      %lt3A_379 = arith.constant 0 : i32
      %lt3A_380 = vector.broadcast %lt3A_379 : i32 to vector<16xi32>
      %lt3A_381 = arith.cmpi slt, %xor3A_351, %lt3A_380 : vector<16xi32>
      %add3A_382 = arith.constant 16 : i32
      %add3A_383 = vector.broadcast %add3A_382 : i32 to vector<16xi32>
      %add3A_384 = arith.addi %xor3A_351, %add3A_383 : vector<16xi32>
      %select_n3A_385 = arith.select %lt3A_381, %add3A_384, %xor3A_351 : vector<16xi1>, vector<16xi32>
      %broadcast_in_dim3A_386 = vector.shape_cast %select_n3A_385 : vector<16xi32> to vector<16x1xi32>
      %gather3A_387 = vector.shape_cast %broadcast_in_dim3A_386 : vector<16x1xi32> to vector<16xi32>
      %gather3A_388 = tpu.dynamic_gather %select_n3A_348[%gather3A_387] in [0] : vector<16xi32>, vector<16xi32> -> vector<16xi32>
      %select_n3A_389 = arith.select %or3A_376, %gather3A_388, %select_n3A_348 : vector<16xi1>, vector<16xi32>
      %mul3A_390 = arith.constant 8 : i32
      %mul3A_391 = vector.broadcast %mul3A_390 : i32 to vector<16xi32>
      %mul3A_392 = arith.muli %select_n3A_389, %mul3A_391 : vector<16xi32>
      %add3A_393 = arith.constant 2 : i32
      %add3A_394 = vector.broadcast %add3A_393 : i32 to vector<16xi32>
      %add3A_395 = arith.addi %mul3A_392, %add3A_394 : vector<16xi32>
      %gather3A_396 = tpu.vector_load_idx %arg22[%add3A_395] : memref<128xf32, #tpu.memory_space<vmem>>[vector<16xi32>], vector<16xf32>,
      %add3A_397 = arith.constant 3 : i32
      %add3A_398 = vector.broadcast %add3A_397 : i32 to vector<16xi32>
      %add3A_399 = arith.addi %mul3A_392, %add3A_398 : vector<16xi32>
      %gather3A_400 = tpu.vector_load_idx %arg22[%add3A_399] : memref<128xf32, #tpu.memory_space<vmem>>[vector<16xi32>], vector<16xf32>,
      %add3A_401 = arith.constant 4 : i32
      %add3A_402 = vector.broadcast %add3A_401 : i32 to vector<16xi32>
      %add3A_403 = arith.addi %mul3A_392, %add3A_402 : vector<16xi32>
      %gather3A_404 = tpu.vector_load_idx %arg22[%add3A_403] : memref<128xf32, #tpu.memory_space<vmem>>[vector<16xi32>], vector<16xf32>,
      %add3A_405 = arith.constant 5 : i32
      %add3A_406 = vector.broadcast %add3A_405 : i32 to vector<16xi32>
      %add3A_407 = arith.addi %mul3A_392, %add3A_406 : vector<16xi32>
      %gather3A_408 = tpu.vector_load_idx %arg22[%add3A_407] : memref<128xf32, #tpu.memory_space<vmem>>[vector<16xi32>], vector<16xf32>,
      %add3A_409 = arith.constant 6 : i32
      %add3A_410 = vector.broadcast %add3A_409 : i32 to vector<16xi32>
      %add3A_411 = arith.addi %mul3A_392, %add3A_410 : vector<16xi32>
      %gather3A_412 = tpu.vector_load_idx %arg22[%add3A_411] : memref<128xf32, #tpu.memory_space<vmem>>[vector<16xi32>], vector<16xf32>,
      %sub3A = arith.subf %gather3A_404, %gather3A_396 : vector<16xf32>
      %sub3A_413 = arith.subf %gather3A_408, %gather3A_400 : vector<16xf32>
      %mul3A_414 = arith.mulf %sub3A, %sub3A_413 : vector<16xf32>
      %convert_element_type3A_415 = arith.fptosi %gather3A_412 : vector<16xf32> to vector<16xi32>
      %mul3A_416 = arith.constant 2.049000e+03 : f32
      %mul3A_417 = vector.broadcast %mul3A_416 : f32 to vector<16xf32>
      %mul3A_418 = arith.mulf %gather3A_412, %mul3A_417 : vector<16xf32>
      %sub3A_419 = arith.subf %gather3A_396, %mul3A_418 : vector<16xf32>
      %sub3A_420 = arith.subf %gather3A_400, %mul3A_418 : vector<16xf32>
      %sub3A_421 = arith.subf %gather3A_404, %mul3A_418 : vector<16xf32>
      %sub3A_422 = arith.subf %gather3A_408, %mul3A_418 : vector<16xf32>
      %convert_element_type3A_423 = arith.fptosi %sub3A_422 : vector<16xf32> to vector<16xi32>
      %convert_element_type3A_424 = arith.fptosi %sub3A_420 : vector<16xf32> to vector<16xi32>
      %sub3A_425 = arith.subi %convert_element_type3A_423, %convert_element_type3A_424 : vector<16xi32>
      %lt3A_426 = arith.constant 1 : i32
      %lt3A_427 = vector.broadcast %lt3A_426 : i32 to vector<16xi32>
      %lt3A_428 = arith.cmpi slt, %sub3A_425, %lt3A_427 : vector<16xi32>
      %convert_element_type3A_429 = arith.fptosi %sub3A_421 : vector<16xf32> to vector<16xi32>
      %convert_element_type3A_430 = arith.fptosi %sub3A_419 : vector<16xf32> to vector<16xi32>
      %sub3A_431 = arith.subi %convert_element_type3A_429, %convert_element_type3A_430 : vector<16xi32>
      %lt3A_432 = arith.constant 1 : i32
      %lt3A_433 = vector.broadcast %lt3A_432 : i32 to vector<16xi32>
      %lt3A_434 = arith.cmpi slt, %sub3A_431, %lt3A_433 : vector<16xi32>
      %or3A_435 = arith.ori %lt3A_428, %lt3A_434 : vector<16xi1>
      %lt3A_436 = arith.constant 0.000000e+00 : f32
      %lt3A_437 = vector.broadcast %lt3A_436 : f32 to vector<16xf32>
      %lt3A_438 = arith.cmpf olt, %select_n3A_377, %lt3A_437 : vector<16xf32>
      %or3A_439 = arith.ori %or3A_435, %lt3A_438 : vector<16xi1>
      %eq3A_440 = arith.constant 0 : i32
      %eq3A_441 = vector.broadcast %eq3A_440 : i32 to vector<16xi32>
      %eq3A_442 = arith.cmpi eq, %and3A_32, %eq3A_441 : vector<16xi32>
      %eq3A_443 = arith.constant 1 : i32
      %eq3A_444 = vector.broadcast %eq3A_443 : i32 to vector<16xi32>
      %eq3A_445 = arith.cmpi eq, %and3A_32, %eq3A_444 : vector<16xi32>
      %eq3A_446 = arith.constant 2 : i32
      %eq3A_447 = vector.broadcast %eq3A_446 : i32 to vector<16xi32>
      %eq3A_448 = arith.cmpi eq, %and3A_32, %eq3A_447 : vector<16xi32>
      %select_n3A_449 = arith.select %eq3A_448, %sub3A_421, %sub3A_422 : vector<16xi1>, vector<16xf32>
      %select_n3A_450 = arith.select %eq3A_445, %sub3A_420, %select_n3A_449 : vector<16xi1>, vector<16xf32>
      %select_n3A_451 = arith.select %eq3A_442, %sub3A_419, %select_n3A_450 : vector<16xi1>, vector<16xf32>
      %select_n3A_452 = arith.select %or3A_439, %select_n3A_45, %select_n3A_451 : vector<16xi1>, vector<16xf32>
      %eq3A_453 = arith.constant 0 : i32
      %eq3A_454 = vector.broadcast %eq3A_453 : i32 to vector<16xi32>
      %eq3A_455 = arith.cmpi eq, %shift_right_logical3A_34, %eq3A_454 : vector<16xi32>
      %select_n3A_456 = arith.select %eq3A_455, %select_n3A_452, %broadcast_in_dim3A_47 : vector<16xi1>, vector<16xf32>
      %eq3A_457 = arith.constant 0 : i32
      %eq3A_458 = vector.broadcast %eq3A_457 : i32 to vector<16xi32>
      %eq3A_459 = arith.cmpi eq, %iota3A, %eq3A_458 : vector<16xi32>
      %lt3A_460 = arith.constant 0.000000e+00 : f32
      %lt3A_461 = vector.broadcast %lt3A_460 : f32 to vector<16xf32>
      %lt3A_462 = arith.cmpf olt, %select_n3A_377, %lt3A_461 : vector<16xf32>
      %jit3A_463 = arith.constant 0.000000e+00 : f32
      %broadcast_in_dim3A_464 = vector.broadcast %jit3A_463 : f32 to vector<16xf32>
      %select_n3A_465 = arith.select %lt3A_462, %broadcast_in_dim3A_464, %select_n3A_377 : vector<16xi1>, vector<16xf32>
      %select_n3A_466 = arith.select %eq3A_459, %select_n3A_465, %broadcast_in_dim3A_49 : vector<16xi1>, vector<16xf32>
      %eq3A_467 = arith.constant 0 : i32
      %eq3A_468 = vector.broadcast %eq3A_467 : i32 to vector<16xi32>
      %eq3A_469 = arith.cmpi eq, %iota3A, %eq3A_468 : vector<16xi32>
      %jit3A_470 = arith.constant 0 : i32
      %broadcast_in_dim3A_471 = vector.broadcast %jit3A_470 : i32 to vector<16xi32>
      %select_n3A_472 = arith.select %or3A_439, %broadcast_in_dim3A_471, %convert_element_type3A_415 : vector<16xi1>, vector<16xi32>
      %select_n3A_473 = arith.select %eq3A_469, %select_n3A_472, %broadcast_in_dim3A_51 : vector<16xi1>, vector<16xi32>
      %parallel_loop3A_474 = arith.constant 0 : i32
      %parallel_loop3A_475 = arith.constant 320 : i32
      %parallel_loop3A_476 = arith.constant 16 : i32
      %parallel_loop3A_477:2 = scf.for %parallel_loop3A_1784 = %parallel_loop3A_474 to %parallel_loop3A_475 step %parallel_loop3A_476 iter_args(%parallel_loop3A_1785 = %broadcast_in_dim3A_25, %parallel_loop3A_1786 = %broadcast_in_dim3A_27) -> (vector<16xf32>, vector<16xi32>)  : i32 {
        %parallel_loop3A_1787 = arith.index_cast %parallel_loop3A_1784 : i32 to index
        %parallel_loop3A_1788 = tpu.vector_load %arg16[%parallel_loop3A_1787] {strides = array<i32>} : memref<320xf32, #tpu.memory_space<vmem>>, vector<16xf32>,
        %parallel_loop3A_1789 = arith.index_cast %parallel_loop3A_1784 : i32 to index
        %parallel_loop3A_1790 = tpu.vector_load %arg17[%parallel_loop3A_1789] {strides = array<i32>} : memref<320xf32, #tpu.memory_space<vmem>>, vector<16xf32>,
        %parallel_loop3A_1791 = arith.index_cast %parallel_loop3A_1784 : i32 to index
        %parallel_loop3A_1792 = tpu.vector_load %arg18[%parallel_loop3A_1791] {strides = array<i32>} : memref<320xf32, #tpu.memory_space<vmem>>, vector<16xf32>,
        %parallel_loop3A_1793 = arith.index_cast %parallel_loop3A_1784 : i32 to index
        %parallel_loop3A_1794 = tpu.vector_load %arg19[%parallel_loop3A_1793] {strides = array<i32>} : memref<320xf32, #tpu.memory_space<vmem>>, vector<16xf32>,
        %parallel_loop3A_1795 = arith.maximumf %gather3A_396, %parallel_loop3A_1788 : vector<16xf32>
        %parallel_loop3A_1796 = arith.maximumf %gather3A_400, %parallel_loop3A_1790 : vector<16xf32>
        %parallel_loop3A_1797 = arith.minimumf %gather3A_404, %parallel_loop3A_1792 : vector<16xf32>
        %parallel_loop3A_1798 = arith.minimumf %gather3A_408, %parallel_loop3A_1794 : vector<16xf32>
        %parallel_loop3A_1799 = arith.subf %parallel_loop3A_1797, %parallel_loop3A_1795 : vector<16xf32>
        %parallel_loop3A_1800 = arith.constant 0.000000e+00 : f32
        %parallel_loop3A_1801 = vector.broadcast %parallel_loop3A_1800 : f32 to vector<16xf32>
        %parallel_loop3A_1802 = arith.maximumf %parallel_loop3A_1799, %parallel_loop3A_1801 : vector<16xf32>
        %parallel_loop3A_1803 = arith.subf %parallel_loop3A_1798, %parallel_loop3A_1796 : vector<16xf32>
        %parallel_loop3A_1804 = arith.constant 0.000000e+00 : f32
        %parallel_loop3A_1805 = vector.broadcast %parallel_loop3A_1804 : f32 to vector<16xf32>
        %parallel_loop3A_1806 = arith.maximumf %parallel_loop3A_1803, %parallel_loop3A_1805 : vector<16xf32>
        %parallel_loop3A_1807 = arith.mulf %parallel_loop3A_1802, %parallel_loop3A_1806 : vector<16xf32>
        %parallel_loop3A_1808 = arith.subf %parallel_loop3A_1792, %parallel_loop3A_1788 : vector<16xf32>
        %parallel_loop3A_1809 = arith.subf %parallel_loop3A_1794, %parallel_loop3A_1790 : vector<16xf32>
        %parallel_loop3A_1810 = arith.mulf %parallel_loop3A_1808, %parallel_loop3A_1809 : vector<16xf32>
        %parallel_loop3A_1811 = arith.addf %mul3A_414, %parallel_loop3A_1810 : vector<16xf32>
        %parallel_loop3A_1812 = arith.subf %parallel_loop3A_1811, %parallel_loop3A_1807 : vector<16xf32>
        %parallel_loop3A_1813 = arith.constant 9.99999971E-10 : f32
        %parallel_loop3A_1814 = vector.broadcast %parallel_loop3A_1813 : f32 to vector<16xf32>
        %parallel_loop3A_1815 = arith.maximumf %parallel_loop3A_1812, %parallel_loop3A_1814 : vector<16xf32>
        %parallel_loop3A_1816 = arith.constant 5.000000e-01 : f32
        %parallel_loop3A_1817 = vector.broadcast %parallel_loop3A_1816 : f32 to vector<16xf32>
        %parallel_loop3A_1818 = arith.mulf %parallel_loop3A_1817, %parallel_loop3A_1815 : vector<16xf32>
        %parallel_loop3A_1819 = arith.cmpf ogt, %parallel_loop3A_1807, %parallel_loop3A_1818 : vector<16xf32>
        %parallel_loop3A_1820 = arith.index_cast %parallel_loop3A_1784 : i32 to index
        %parallel_loop3A_1821 = tpu.vector_load %arg20[%parallel_loop3A_1820] {strides = array<i32>} : memref<320xf32, #tpu.memory_space<vmem>>, vector<16xf32>,
        %parallel_loop3A_1822 = arith.constant -1.000000e+00 : f32
        %parallel_loop3A_1823 = vector.broadcast %parallel_loop3A_1822 : f32 to vector<16xf32>
        %parallel_loop3A_1824 = arith.select %parallel_loop3A_1819, %parallel_loop3A_1823, %parallel_loop3A_1821 : vector<16xi1>, vector<16xf32>
        %parallel_loop3A_1825 = arith.index_cast %parallel_loop3A_1784 : i32 to index
        %parallel_loop3A_1826 = tpu.vector_load %arg20[%parallel_loop3A_1825] {strides = array<i32>} : memref<320xf32, #tpu.memory_space<vmem>>, vector<16xf32>,
        tpu.vector_store %arg20[%parallel_loop3A_1825], %parallel_loop3A_1824 {strides = array<i32>} : memref<320xf32, #tpu.memory_space<vmem>>, vector<16xf32>,
        %parallel_loop3A_1827 = arith.cmpf ogt, %parallel_loop3A_1824, %parallel_loop3A_1785 : vector<16xf32>
        %parallel_loop3A_1828 = arith.select %parallel_loop3A_1827, %parallel_loop3A_1824, %parallel_loop3A_1785 : vector<16xi1>, vector<16xf32>
        %parallel_loop3A_1829 = vector.broadcast %parallel_loop3A_1784 : i32 to vector<16xi32>
        %parallel_loop3A_1830 = arith.addi %iota3A, %parallel_loop3A_1829 : vector<16xi32>
        %parallel_loop3A_1831 = arith.select %parallel_loop3A_1827, %parallel_loop3A_1830, %parallel_loop3A_1786 : vector<16xi1>, vector<16xi32>
        scf.yield %parallel_loop3A_1828, %parallel_loop3A_1831 : vector<16xf32>, vector<16xi32>
      } {sc.loop_unroll_factor = 4 : i64, sc.parallel_access}
      %xor3A_478 = arith.constant 1 : i32
      %xor3A_479 = vector.broadcast %xor3A_478 : i32 to vector<16xi32>
      %xor3A_480 = arith.xori %iota3A, %xor3A_479 : vector<16xi32>
      %lt3A_481 = arith.constant 0 : i32
      %lt3A_482 = vector.broadcast %lt3A_481 : i32 to vector<16xi32>
      %lt3A_483 = arith.cmpi slt, %xor3A_480, %lt3A_482 : vector<16xi32>
      %add3A_484 = arith.constant 16 : i32
      %add3A_485 = vector.broadcast %add3A_484 : i32 to vector<16xi32>
      %add3A_486 = arith.addi %xor3A_480, %add3A_485 : vector<16xi32>
      %select_n3A_487 = arith.select %lt3A_483, %add3A_486, %xor3A_480 : vector<16xi1>, vector<16xi32>
      %broadcast_in_dim3A_488 = vector.shape_cast %select_n3A_487 : vector<16xi32> to vector<16x1xi32>
      %gather3A_489 = vector.shape_cast %broadcast_in_dim3A_488 : vector<16x1xi32> to vector<16xi32>
      %gather3A_490 = tpu.dynamic_gather %parallel_loop3A_477#0[%gather3A_489] in [0] : vector<16xf32>, vector<16xi32> -> vector<16xf32>
      %lt3A_491 = arith.constant 0 : i32
      %lt3A_492 = vector.broadcast %lt3A_491 : i32 to vector<16xi32>
      %lt3A_493 = arith.cmpi slt, %xor3A_480, %lt3A_492 : vector<16xi32>
      %add3A_494 = arith.constant 16 : i32
      %add3A_495 = vector.broadcast %add3A_494 : i32 to vector<16xi32>
      %add3A_496 = arith.addi %xor3A_480, %add3A_495 : vector<16xi32>
      %select_n3A_497 = arith.select %lt3A_493, %add3A_496, %xor3A_480 : vector<16xi1>, vector<16xi32>
      %broadcast_in_dim3A_498 = vector.shape_cast %select_n3A_497 : vector<16xi32> to vector<16x1xi32>
      %gather3A_499 = vector.shape_cast %broadcast_in_dim3A_498 : vector<16x1xi32> to vector<16xi32>
      %gather3A_500 = tpu.dynamic_gather %parallel_loop3A_477#1[%gather3A_499] in [0] : vector<16xi32>, vector<16xi32> -> vector<16xi32>
      %gt3A_501 = arith.cmpf ogt, %gather3A_490, %parallel_loop3A_477#0 : vector<16xf32>
      %eq3A_502 = arith.cmpf oeq, %gather3A_490, %parallel_loop3A_477#0 : vector<16xf32>
      %lt3A_503 = arith.cmpi slt, %gather3A_500, %parallel_loop3A_477#1 : vector<16xi32>
      %and3A_504 = arith.andi %eq3A_502, %lt3A_503 : vector<16xi1>
      %or3A_505 = arith.ori %gt3A_501, %and3A_504 : vector<16xi1>
      %select_n3A_506 = arith.select %or3A_505, %gather3A_490, %parallel_loop3A_477#0 : vector<16xi1>, vector<16xf32>
      %select_n3A_507 = arith.select %or3A_505, %gather3A_500, %parallel_loop3A_477#1 : vector<16xi1>, vector<16xi32>
      %xor3A_508 = arith.constant 2 : i32
      %xor3A_509 = vector.broadcast %xor3A_508 : i32 to vector<16xi32>
      %xor3A_510 = arith.xori %iota3A, %xor3A_509 : vector<16xi32>
      %lt3A_511 = arith.constant 0 : i32
      %lt3A_512 = vector.broadcast %lt3A_511 : i32 to vector<16xi32>
      %lt3A_513 = arith.cmpi slt, %xor3A_510, %lt3A_512 : vector<16xi32>
      %add3A_514 = arith.constant 16 : i32
      %add3A_515 = vector.broadcast %add3A_514 : i32 to vector<16xi32>
      %add3A_516 = arith.addi %xor3A_510, %add3A_515 : vector<16xi32>
      %select_n3A_517 = arith.select %lt3A_513, %add3A_516, %xor3A_510 : vector<16xi1>, vector<16xi32>
      %broadcast_in_dim3A_518 = vector.shape_cast %select_n3A_517 : vector<16xi32> to vector<16x1xi32>
      %gather3A_519 = vector.shape_cast %broadcast_in_dim3A_518 : vector<16x1xi32> to vector<16xi32>
      %gather3A_520 = tpu.dynamic_gather %select_n3A_506[%gather3A_519] in [0] : vector<16xf32>, vector<16xi32> -> vector<16xf32>
      %lt3A_521 = arith.constant 0 : i32
      %lt3A_522 = vector.broadcast %lt3A_521 : i32 to vector<16xi32>
      %lt3A_523 = arith.cmpi slt, %xor3A_510, %lt3A_522 : vector<16xi32>
      %add3A_524 = arith.constant 16 : i32
      %add3A_525 = vector.broadcast %add3A_524 : i32 to vector<16xi32>
      %add3A_526 = arith.addi %xor3A_510, %add3A_525 : vector<16xi32>
      %select_n3A_527 = arith.select %lt3A_523, %add3A_526, %xor3A_510 : vector<16xi1>, vector<16xi32>
      %broadcast_in_dim3A_528 = vector.shape_cast %select_n3A_527 : vector<16xi32> to vector<16x1xi32>
      %gather3A_529 = vector.shape_cast %broadcast_in_dim3A_528 : vector<16x1xi32> to vector<16xi32>
      %gather3A_530 = tpu.dynamic_gather %select_n3A_507[%gather3A_529] in [0] : vector<16xi32>, vector<16xi32> -> vector<16xi32>
      %gt3A_531 = arith.cmpf ogt, %gather3A_520, %select_n3A_506 : vector<16xf32>
      %eq3A_532 = arith.cmpf oeq, %gather3A_520, %select_n3A_506 : vector<16xf32>
      %lt3A_533 = arith.cmpi slt, %gather3A_530, %select_n3A_507 : vector<16xi32>
      %and3A_534 = arith.andi %eq3A_532, %lt3A_533 : vector<16xi1>
      %or3A_535 = arith.ori %gt3A_531, %and3A_534 : vector<16xi1>
      %select_n3A_536 = arith.select %or3A_535, %gather3A_520, %select_n3A_506 : vector<16xi1>, vector<16xf32>
      %select_n3A_537 = arith.select %or3A_535, %gather3A_530, %select_n3A_507 : vector<16xi1>, vector<16xi32>
      %xor3A_538 = arith.constant 4 : i32
      %xor3A_539 = vector.broadcast %xor3A_538 : i32 to vector<16xi32>
      %xor3A_540 = arith.xori %iota3A, %xor3A_539 : vector<16xi32>
      %lt3A_541 = arith.constant 0 : i32
      %lt3A_542 = vector.broadcast %lt3A_541 : i32 to vector<16xi32>
      %lt3A_543 = arith.cmpi slt, %xor3A_540, %lt3A_542 : vector<16xi32>
      %add3A_544 = arith.constant 16 : i32
      %add3A_545 = vector.broadcast %add3A_544 : i32 to vector<16xi32>
      %add3A_546 = arith.addi %xor3A_540, %add3A_545 : vector<16xi32>
      %select_n3A_547 = arith.select %lt3A_543, %add3A_546, %xor3A_540 : vector<16xi1>, vector<16xi32>
      %broadcast_in_dim3A_548 = vector.shape_cast %select_n3A_547 : vector<16xi32> to vector<16x1xi32>
      %gather3A_549 = vector.shape_cast %broadcast_in_dim3A_548 : vector<16x1xi32> to vector<16xi32>
      %gather3A_550 = tpu.dynamic_gather %select_n3A_536[%gather3A_549] in [0] : vector<16xf32>, vector<16xi32> -> vector<16xf32>
      %lt3A_551 = arith.constant 0 : i32
      %lt3A_552 = vector.broadcast %lt3A_551 : i32 to vector<16xi32>
      %lt3A_553 = arith.cmpi slt, %xor3A_540, %lt3A_552 : vector<16xi32>
      %add3A_554 = arith.constant 16 : i32
      %add3A_555 = vector.broadcast %add3A_554 : i32 to vector<16xi32>
      %add3A_556 = arith.addi %xor3A_540, %add3A_555 : vector<16xi32>
      %select_n3A_557 = arith.select %lt3A_553, %add3A_556, %xor3A_540 : vector<16xi1>, vector<16xi32>
      %broadcast_in_dim3A_558 = vector.shape_cast %select_n3A_557 : vector<16xi32> to vector<16x1xi32>
      %gather3A_559 = vector.shape_cast %broadcast_in_dim3A_558 : vector<16x1xi32> to vector<16xi32>
      %gather3A_560 = tpu.dynamic_gather %select_n3A_537[%gather3A_559] in [0] : vector<16xi32>, vector<16xi32> -> vector<16xi32>
      %gt3A_561 = arith.cmpf ogt, %gather3A_550, %select_n3A_536 : vector<16xf32>
      %eq3A_562 = arith.cmpf oeq, %gather3A_550, %select_n3A_536 : vector<16xf32>
      %lt3A_563 = arith.cmpi slt, %gather3A_560, %select_n3A_537 : vector<16xi32>
      %and3A_564 = arith.andi %eq3A_562, %lt3A_563 : vector<16xi1>
      %or3A_565 = arith.ori %gt3A_561, %and3A_564 : vector<16xi1>
      %select_n3A_566 = arith.select %or3A_565, %gather3A_550, %select_n3A_536 : vector<16xi1>, vector<16xf32>
      %select_n3A_567 = arith.select %or3A_565, %gather3A_560, %select_n3A_537 : vector<16xi1>, vector<16xi32>
      %xor3A_568 = arith.constant 8 : i32
      %xor3A_569 = vector.broadcast %xor3A_568 : i32 to vector<16xi32>
      %xor3A_570 = arith.xori %iota3A, %xor3A_569 : vector<16xi32>
      %lt3A_571 = arith.constant 0 : i32
      %lt3A_572 = vector.broadcast %lt3A_571 : i32 to vector<16xi32>
      %lt3A_573 = arith.cmpi slt, %xor3A_570, %lt3A_572 : vector<16xi32>
      %add3A_574 = arith.constant 16 : i32
      %add3A_575 = vector.broadcast %add3A_574 : i32 to vector<16xi32>
      %add3A_576 = arith.addi %xor3A_570, %add3A_575 : vector<16xi32>
      %select_n3A_577 = arith.select %lt3A_573, %add3A_576, %xor3A_570 : vector<16xi1>, vector<16xi32>
      %broadcast_in_dim3A_578 = vector.shape_cast %select_n3A_577 : vector<16xi32> to vector<16x1xi32>
      %gather3A_579 = vector.shape_cast %broadcast_in_dim3A_578 : vector<16x1xi32> to vector<16xi32>
      %gather3A_580 = tpu.dynamic_gather %select_n3A_566[%gather3A_579] in [0] : vector<16xf32>, vector<16xi32> -> vector<16xf32>
      %lt3A_581 = arith.constant 0 : i32
      %lt3A_582 = vector.broadcast %lt3A_581 : i32 to vector<16xi32>
      %lt3A_583 = arith.cmpi slt, %xor3A_570, %lt3A_582 : vector<16xi32>
      %add3A_584 = arith.constant 16 : i32
      %add3A_585 = vector.broadcast %add3A_584 : i32 to vector<16xi32>
      %add3A_586 = arith.addi %xor3A_570, %add3A_585 : vector<16xi32>
      %select_n3A_587 = arith.select %lt3A_583, %add3A_586, %xor3A_570 : vector<16xi1>, vector<16xi32>
      %broadcast_in_dim3A_588 = vector.shape_cast %select_n3A_587 : vector<16xi32> to vector<16x1xi32>
      %gather3A_589 = vector.shape_cast %broadcast_in_dim3A_588 : vector<16x1xi32> to vector<16xi32>
      %gather3A_590 = tpu.dynamic_gather %select_n3A_567[%gather3A_589] in [0] : vector<16xi32>, vector<16xi32> -> vector<16xi32>
      %gt3A_591 = arith.cmpf ogt, %gather3A_580, %select_n3A_566 : vector<16xf32>
      %eq3A_592 = arith.cmpf oeq, %gather3A_580, %select_n3A_566 : vector<16xf32>
      %lt3A_593 = arith.cmpi slt, %gather3A_590, %select_n3A_567 : vector<16xi32>
      %and3A_594 = arith.andi %eq3A_592, %lt3A_593 : vector<16xi1>
      %or3A_595 = arith.ori %gt3A_591, %and3A_594 : vector<16xi1>
      %select_n3A_596 = arith.select %or3A_595, %gather3A_580, %select_n3A_566 : vector<16xi1>, vector<16xf32>
      %select_n3A_597 = arith.select %or3A_595, %gather3A_590, %select_n3A_567 : vector<16xi1>, vector<16xi32>
      %mul3A_598 = arith.constant 312 : i32
      %mul3A_599 = arith.muli %arg1, %mul3A_598 : i32
      %add3A_600 = vector.broadcast %mul3A_599 : i32 to vector<16xi32>
      %add3A_601 = arith.addi %select_n3A_597, %add3A_600 : vector<16xi32>
      %convert_element_type3A_602 = arith.sitofp %add3A_601 : vector<16xi32> to vector<16xf32>
      %gather3A_603 = tpu.vector_load_idx %arg16[%select_n3A_597] : memref<320xf32, #tpu.memory_space<vmem>>[vector<16xi32>], vector<16xf32>,
      %gather3A_604 = tpu.vector_load_idx %arg17[%select_n3A_597] : memref<320xf32, #tpu.memory_space<vmem>>[vector<16xi32>], vector<16xf32>,
      %gather3A_605 = tpu.vector_load_idx %arg18[%select_n3A_597] : memref<320xf32, #tpu.memory_space<vmem>>[vector<16xi32>], vector<16xf32>,
      %gather3A_606 = tpu.vector_load_idx %arg19[%select_n3A_597] : memref<320xf32, #tpu.memory_space<vmem>>[vector<16xi32>], vector<16xf32>,
      %gather3A_607 = tpu.vector_load_idx %arg15[%select_n3A_597] : memref<320xi32, #tpu.memory_space<vmem>>[vector<16xi32>], vector<16xi32>,
      %convert_element_type3A_608 = arith.sitofp %gather3A_607 : vector<16xi32> to vector<16xf32>
      %eq3A_609 = arith.constant 0 : i32
      %eq3A_610 = vector.broadcast %eq3A_609 : i32 to vector<16xi32>
      %eq3A_611 = arith.cmpi eq, %iota3A, %eq3A_610 : vector<16xi32>
      %eq3A_612 = arith.constant 1 : i32
      %eq3A_613 = vector.broadcast %eq3A_612 : i32 to vector<16xi32>
      %eq3A_614 = arith.cmpi eq, %iota3A, %eq3A_613 : vector<16xi32>
      %eq3A_615 = arith.constant 2 : i32
      %eq3A_616 = vector.broadcast %eq3A_615 : i32 to vector<16xi32>
      %eq3A_617 = arith.cmpi eq, %iota3A, %eq3A_616 : vector<16xi32>
      %eq3A_618 = arith.constant 3 : i32
      %eq3A_619 = vector.broadcast %eq3A_618 : i32 to vector<16xi32>
      %eq3A_620 = arith.cmpi eq, %iota3A, %eq3A_619 : vector<16xi32>
      %eq3A_621 = arith.constant 4 : i32
      %eq3A_622 = vector.broadcast %eq3A_621 : i32 to vector<16xi32>
      %eq3A_623 = arith.cmpi eq, %iota3A, %eq3A_622 : vector<16xi32>
      %eq3A_624 = arith.constant 5 : i32
      %eq3A_625 = vector.broadcast %eq3A_624 : i32 to vector<16xi32>
      %eq3A_626 = arith.cmpi eq, %iota3A, %eq3A_625 : vector<16xi32>
      %eq3A_627 = arith.constant 6 : i32
      %eq3A_628 = vector.broadcast %eq3A_627 : i32 to vector<16xi32>
      %eq3A_629 = arith.cmpi eq, %iota3A, %eq3A_628 : vector<16xi32>
      %jit3A_630 = arith.constant 0.000000e+00 : f32
      %broadcast_in_dim3A_631 = vector.broadcast %jit3A_630 : f32 to vector<16xf32>
      %select_n3A_632 = arith.select %eq3A_629, %convert_element_type3A_608, %broadcast_in_dim3A_631 : vector<16xi1>, vector<16xf32>
      %select_n3A_633 = arith.select %eq3A_626, %gather3A_606, %select_n3A_632 : vector<16xi1>, vector<16xf32>
      %select_n3A_634 = arith.select %eq3A_623, %gather3A_605, %select_n3A_633 : vector<16xi1>, vector<16xf32>
      %select_n3A_635 = arith.select %eq3A_620, %gather3A_604, %select_n3A_634 : vector<16xi1>, vector<16xf32>
      %select_n3A_636 = arith.select %eq3A_617, %gather3A_603, %select_n3A_635 : vector<16xi1>, vector<16xf32>
      %select_n3A_637 = arith.select %eq3A_614, %convert_element_type3A_602, %select_n3A_636 : vector<16xi1>, vector<16xf32>
      %select_n3A_638 = arith.select %eq3A_611, %select_n3A_596, %select_n3A_637 : vector<16xi1>, vector<16xf32>
      %swap3A_639 = arith.constant 0 : index
      %swap3A_640 = tpu.vector_load %arg21[%swap3A_639] {strides = array<i32>} : memref<16xf32, #tpu.memory_space<vmem>>, vector<16xf32>,
      tpu.vector_store %arg21[%swap3A_639], %select_n3A_638 {strides = array<i32>} : memref<16xf32, #tpu.memory_space<vmem>>, vector<16xf32>,
      %mul3A_641 = arith.constant 8 : i32
      %mul3A_642 = arith.muli %arg1, %mul3A_641 : i32
      %add3A_643 = arith.constant 128 : i32
      %add3A_644 = arith.addi %add3A_643, %mul3A_642 : i32
      "tpu.region"() ({
        %run_scoped3A = tpu.sem_alloc : memref<!tpu.dma_semaphore, #tpu.memory_space<semaphore_mem>>
        %dma_start3A_1784 = arith.constant 0 : i32
        %dma_start3A_1785 = tpu.memref_slice %arg21[%dma_start3A_1784] : memref<16xf32, #tpu.memory_space<vmem>> -> memref<8xf32, #tpu.memory_space<vmem>>
        %dma_start3A_1786 = tpu.memref_slice %arg26[%add3A_644] : memref<256xf32, #tpu.memory_space<vmem_shared>> -> memref<8xf32, #tpu.memory_space<vmem_shared>>
        %dma_start3A_1787 = tpu.memref_slice %arg26[%add3A_644] : memref<256xf32, #tpu.memory_space<vmem_shared>> -> memref<8xf32, #tpu.memory_space<vmem_shared>>
        %dma_start3A_1788 = arith.constant 0 : i32
        %dma_start3A_1789 = tpu.memref_slice %arg21[%dma_start3A_1788] : memref<16xf32, #tpu.memory_space<vmem>> -> memref<8xf32, #tpu.memory_space<vmem>>
        tpu.enqueue_dma source(%dma_start3A_1789 : memref<8xf32, #tpu.memory_space<vmem>>) target(%dma_start3A_1787 : memref<8xf32, #tpu.memory_space<vmem_shared>>) target_semaphore(%run_scoped3A : memref<!tpu.dma_semaphore, #tpu.memory_space<semaphore_mem>>)
        %dma_wait3A_1790 = arith.constant 0 : i32
        %dma_wait3A_1791 = tpu.memref_slice %arg21[%dma_wait3A_1790] : memref<16xf32, #tpu.memory_space<vmem>> -> memref<8xf32, #tpu.memory_space<vmem>>
        %dma_wait3A_1792 = tpu.memref_slice %arg26[%add3A_644] : memref<256xf32, #tpu.memory_space<vmem_shared>> -> memref<8xf32, #tpu.memory_space<vmem_shared>>
        %dma_wait3A_1793 = tpu.memref_slice %arg26[%add3A_644] : memref<256xf32, #tpu.memory_space<vmem_shared>> -> memref<8xf32, #tpu.memory_space<vmem_shared>>
        %dma_wait3A_1794 = arith.constant 0 : i32
        %dma_wait3A_1795 = tpu.memref_slice %arg21[%dma_wait3A_1794] : memref<16xf32, #tpu.memory_space<vmem>> -> memref<8xf32, #tpu.memory_space<vmem>>
        tpu.wait_dma2 semaphore(%run_scoped3A : memref<!tpu.dma_semaphore, #tpu.memory_space<semaphore_mem>>) src(%dma_wait3A_1795 : memref<8xf32, #tpu.memory_space<vmem>>) dst(%dma_wait3A_1793 : memref<8xf32, #tpu.memory_space<vmem_shared>>)
        tpu.yield
      }) : () -> ()
      %barrier3A_645 = arith.constant 0 : index
      tpu.barrier barrier_id(%barrier3A_645)
      "tpu.region"() ({
        %run_scoped3A = tpu.sem_alloc : memref<!tpu.dma_semaphore, #tpu.memory_space<semaphore_mem>>
        %dma_start3A_1784 = arith.constant 128 : i32
        %dma_start3A_1785 = tpu.memref_slice %arg26[%dma_start3A_1784] : memref<256xf32, #tpu.memory_space<vmem_shared>> -> memref<128xf32, #tpu.memory_space<vmem_shared>>
        %dma_start3A_1786 = arith.constant 128 : i32
        %dma_start3A_1787 = tpu.memref_slice %arg26[%dma_start3A_1786] : memref<256xf32, #tpu.memory_space<vmem_shared>> -> memref<128xf32, #tpu.memory_space<vmem_shared>>
        tpu.enqueue_dma source(%dma_start3A_1787 : memref<128xf32, #tpu.memory_space<vmem_shared>>) target(%arg22 : memref<128xf32, #tpu.memory_space<vmem>>) target_semaphore(%run_scoped3A : memref<!tpu.dma_semaphore, #tpu.memory_space<semaphore_mem>>)
        %dma_wait3A_1788 = arith.constant 128 : i32
        %dma_wait3A_1789 = tpu.memref_slice %arg26[%dma_wait3A_1788] : memref<256xf32, #tpu.memory_space<vmem_shared>> -> memref<128xf32, #tpu.memory_space<vmem_shared>>
        %dma_wait3A_1790 = arith.constant 128 : i32
        %dma_wait3A_1791 = tpu.memref_slice %arg26[%dma_wait3A_1790] : memref<256xf32, #tpu.memory_space<vmem_shared>> -> memref<128xf32, #tpu.memory_space<vmem_shared>>
        tpu.wait_dma2 semaphore(%run_scoped3A : memref<!tpu.dma_semaphore, #tpu.memory_space<semaphore_mem>>) src(%dma_wait3A_1791 : memref<128xf32, #tpu.memory_space<vmem_shared>>) dst(%arg22 : memref<128xf32, #tpu.memory_space<vmem>>)
        tpu.yield
      }) : () -> ()
      %mul3A_646 = arith.constant 8 : i32
      %mul3A_647 = vector.broadcast %mul3A_646 : i32 to vector<16xi32>
      %mul3A_648 = arith.muli %iota3A, %mul3A_647 : vector<16xi32>
      %add3A_649 = arith.constant 0 : i32
      %add3A_650 = vector.broadcast %add3A_649 : i32 to vector<16xi32>
      %add3A_651 = arith.addi %mul3A_648, %add3A_650 : vector<16xi32>
      %gather3A_652 = tpu.vector_load_idx %arg22[%add3A_651] : memref<128xf32, #tpu.memory_space<vmem>>[vector<16xi32>], vector<16xf32>,
      %mul3A_653 = arith.constant 8 : i32
      %mul3A_654 = vector.broadcast %mul3A_653 : i32 to vector<16xi32>
      %mul3A_655 = arith.muli %iota3A, %mul3A_654 : vector<16xi32>
      %add3A_656 = arith.constant 1 : i32
      %add3A_657 = vector.broadcast %add3A_656 : i32 to vector<16xi32>
      %add3A_658 = arith.addi %mul3A_655, %add3A_657 : vector<16xi32>
      %gather3A_659 = tpu.vector_load_idx %arg22[%add3A_658] : memref<128xf32, #tpu.memory_space<vmem>>[vector<16xi32>], vector<16xf32>,
      %xor3A_660 = arith.constant 1 : i32
      %xor3A_661 = vector.broadcast %xor3A_660 : i32 to vector<16xi32>
      %xor3A_662 = arith.xori %iota3A, %xor3A_661 : vector<16xi32>
      %lt3A_663 = arith.constant 0 : i32
      %lt3A_664 = vector.broadcast %lt3A_663 : i32 to vector<16xi32>
      %lt3A_665 = arith.cmpi slt, %xor3A_662, %lt3A_664 : vector<16xi32>
      %add3A_666 = arith.constant 16 : i32
      %add3A_667 = vector.broadcast %add3A_666 : i32 to vector<16xi32>
      %add3A_668 = arith.addi %xor3A_662, %add3A_667 : vector<16xi32>
      %select_n3A_669 = arith.select %lt3A_665, %add3A_668, %xor3A_662 : vector<16xi1>, vector<16xi32>
      %broadcast_in_dim3A_670 = vector.shape_cast %select_n3A_669 : vector<16xi32> to vector<16x1xi32>
      %gather3A_671 = vector.shape_cast %broadcast_in_dim3A_670 : vector<16x1xi32> to vector<16xi32>
      %gather3A_672 = tpu.dynamic_gather %gather3A_652[%gather3A_671] in [0] : vector<16xf32>, vector<16xi32> -> vector<16xf32>
      %lt3A_673 = arith.constant 0 : i32
      %lt3A_674 = vector.broadcast %lt3A_673 : i32 to vector<16xi32>
      %lt3A_675 = arith.cmpi slt, %xor3A_662, %lt3A_674 : vector<16xi32>
      %add3A_676 = arith.constant 16 : i32
      %add3A_677 = vector.broadcast %add3A_676 : i32 to vector<16xi32>
      %add3A_678 = arith.addi %xor3A_662, %add3A_677 : vector<16xi32>
      %select_n3A_679 = arith.select %lt3A_675, %add3A_678, %xor3A_662 : vector<16xi1>, vector<16xi32>
      %broadcast_in_dim3A_680 = vector.shape_cast %select_n3A_679 : vector<16xi32> to vector<16x1xi32>
      %gather3A_681 = vector.shape_cast %broadcast_in_dim3A_680 : vector<16x1xi32> to vector<16xi32>
      %gather3A_682 = tpu.dynamic_gather %gather3A_659[%gather3A_681] in [0] : vector<16xf32>, vector<16xi32> -> vector<16xf32>
      %gt3A_683 = arith.cmpf ogt, %gather3A_672, %gather3A_652 : vector<16xf32>
      %eq3A_684 = arith.cmpf oeq, %gather3A_672, %gather3A_652 : vector<16xf32>
      %lt3A_685 = arith.cmpf olt, %gather3A_682, %gather3A_659 : vector<16xf32>
      %and3A_686 = arith.andi %eq3A_684, %lt3A_685 : vector<16xi1>
      %or3A_687 = arith.ori %gt3A_683, %and3A_686 : vector<16xi1>
      %select_n3A_688 = arith.select %or3A_687, %gather3A_672, %gather3A_652 : vector<16xi1>, vector<16xf32>
      %select_n3A_689 = arith.select %or3A_687, %gather3A_682, %gather3A_659 : vector<16xi1>, vector<16xf32>
      %lt3A_690 = arith.constant 0 : i32
      %lt3A_691 = vector.broadcast %lt3A_690 : i32 to vector<16xi32>
      %lt3A_692 = arith.cmpi slt, %xor3A_662, %lt3A_691 : vector<16xi32>
      %add3A_693 = arith.constant 16 : i32
      %add3A_694 = vector.broadcast %add3A_693 : i32 to vector<16xi32>
      %add3A_695 = arith.addi %xor3A_662, %add3A_694 : vector<16xi32>
      %select_n3A_696 = arith.select %lt3A_692, %add3A_695, %xor3A_662 : vector<16xi1>, vector<16xi32>
      %broadcast_in_dim3A_697 = vector.shape_cast %select_n3A_696 : vector<16xi32> to vector<16x1xi32>
      %gather3A_698 = vector.shape_cast %broadcast_in_dim3A_697 : vector<16x1xi32> to vector<16xi32>
      %gather3A_699 = tpu.dynamic_gather %iota3A[%gather3A_698] in [0] : vector<16xi32>, vector<16xi32> -> vector<16xi32>
      %select_n3A_700 = arith.select %or3A_687, %gather3A_699, %iota3A : vector<16xi1>, vector<16xi32>
      %xor3A_701 = arith.constant 2 : i32
      %xor3A_702 = vector.broadcast %xor3A_701 : i32 to vector<16xi32>
      %xor3A_703 = arith.xori %iota3A, %xor3A_702 : vector<16xi32>
      %lt3A_704 = arith.constant 0 : i32
      %lt3A_705 = vector.broadcast %lt3A_704 : i32 to vector<16xi32>
      %lt3A_706 = arith.cmpi slt, %xor3A_703, %lt3A_705 : vector<16xi32>
      %add3A_707 = arith.constant 16 : i32
      %add3A_708 = vector.broadcast %add3A_707 : i32 to vector<16xi32>
      %add3A_709 = arith.addi %xor3A_703, %add3A_708 : vector<16xi32>
      %select_n3A_710 = arith.select %lt3A_706, %add3A_709, %xor3A_703 : vector<16xi1>, vector<16xi32>
      %broadcast_in_dim3A_711 = vector.shape_cast %select_n3A_710 : vector<16xi32> to vector<16x1xi32>
      %gather3A_712 = vector.shape_cast %broadcast_in_dim3A_711 : vector<16x1xi32> to vector<16xi32>
      %gather3A_713 = tpu.dynamic_gather %select_n3A_688[%gather3A_712] in [0] : vector<16xf32>, vector<16xi32> -> vector<16xf32>
      %lt3A_714 = arith.constant 0 : i32
      %lt3A_715 = vector.broadcast %lt3A_714 : i32 to vector<16xi32>
      %lt3A_716 = arith.cmpi slt, %xor3A_703, %lt3A_715 : vector<16xi32>
      %add3A_717 = arith.constant 16 : i32
      %add3A_718 = vector.broadcast %add3A_717 : i32 to vector<16xi32>
      %add3A_719 = arith.addi %xor3A_703, %add3A_718 : vector<16xi32>
      %select_n3A_720 = arith.select %lt3A_716, %add3A_719, %xor3A_703 : vector<16xi1>, vector<16xi32>
      %broadcast_in_dim3A_721 = vector.shape_cast %select_n3A_720 : vector<16xi32> to vector<16x1xi32>
      %gather3A_722 = vector.shape_cast %broadcast_in_dim3A_721 : vector<16x1xi32> to vector<16xi32>
      %gather3A_723 = tpu.dynamic_gather %select_n3A_689[%gather3A_722] in [0] : vector<16xf32>, vector<16xi32> -> vector<16xf32>
      %gt3A_724 = arith.cmpf ogt, %gather3A_713, %select_n3A_688 : vector<16xf32>
      %eq3A_725 = arith.cmpf oeq, %gather3A_713, %select_n3A_688 : vector<16xf32>
      %lt3A_726 = arith.cmpf olt, %gather3A_723, %select_n3A_689 : vector<16xf32>
      %and3A_727 = arith.andi %eq3A_725, %lt3A_726 : vector<16xi1>
      %or3A_728 = arith.ori %gt3A_724, %and3A_727 : vector<16xi1>
      %select_n3A_729 = arith.select %or3A_728, %gather3A_713, %select_n3A_688 : vector<16xi1>, vector<16xf32>
      %select_n3A_730 = arith.select %or3A_728, %gather3A_723, %select_n3A_689 : vector<16xi1>, vector<16xf32>
      %lt3A_731 = arith.constant 0 : i32
      %lt3A_732 = vector.broadcast %lt3A_731 : i32 to vector<16xi32>
      %lt3A_733 = arith.cmpi slt, %xor3A_703, %lt3A_732 : vector<16xi32>
      %add3A_734 = arith.constant 16 : i32
      %add3A_735 = vector.broadcast %add3A_734 : i32 to vector<16xi32>
      %add3A_736 = arith.addi %xor3A_703, %add3A_735 : vector<16xi32>
      %select_n3A_737 = arith.select %lt3A_733, %add3A_736, %xor3A_703 : vector<16xi1>, vector<16xi32>
      %broadcast_in_dim3A_738 = vector.shape_cast %select_n3A_737 : vector<16xi32> to vector<16x1xi32>
      %gather3A_739 = vector.shape_cast %broadcast_in_dim3A_738 : vector<16x1xi32> to vector<16xi32>
      %gather3A_740 = tpu.dynamic_gather %select_n3A_700[%gather3A_739] in [0] : vector<16xi32>, vector<16xi32> -> vector<16xi32>
      %select_n3A_741 = arith.select %or3A_728, %gather3A_740, %select_n3A_700 : vector<16xi1>, vector<16xi32>
      %xor3A_742 = arith.constant 4 : i32
      %xor3A_743 = vector.broadcast %xor3A_742 : i32 to vector<16xi32>
      %xor3A_744 = arith.xori %iota3A, %xor3A_743 : vector<16xi32>
      %lt3A_745 = arith.constant 0 : i32
      %lt3A_746 = vector.broadcast %lt3A_745 : i32 to vector<16xi32>
      %lt3A_747 = arith.cmpi slt, %xor3A_744, %lt3A_746 : vector<16xi32>
      %add3A_748 = arith.constant 16 : i32
      %add3A_749 = vector.broadcast %add3A_748 : i32 to vector<16xi32>
      %add3A_750 = arith.addi %xor3A_744, %add3A_749 : vector<16xi32>
      %select_n3A_751 = arith.select %lt3A_747, %add3A_750, %xor3A_744 : vector<16xi1>, vector<16xi32>
      %broadcast_in_dim3A_752 = vector.shape_cast %select_n3A_751 : vector<16xi32> to vector<16x1xi32>
      %gather3A_753 = vector.shape_cast %broadcast_in_dim3A_752 : vector<16x1xi32> to vector<16xi32>
      %gather3A_754 = tpu.dynamic_gather %select_n3A_729[%gather3A_753] in [0] : vector<16xf32>, vector<16xi32> -> vector<16xf32>
      %lt3A_755 = arith.constant 0 : i32
      %lt3A_756 = vector.broadcast %lt3A_755 : i32 to vector<16xi32>
      %lt3A_757 = arith.cmpi slt, %xor3A_744, %lt3A_756 : vector<16xi32>
      %add3A_758 = arith.constant 16 : i32
      %add3A_759 = vector.broadcast %add3A_758 : i32 to vector<16xi32>
      %add3A_760 = arith.addi %xor3A_744, %add3A_759 : vector<16xi32>
      %select_n3A_761 = arith.select %lt3A_757, %add3A_760, %xor3A_744 : vector<16xi1>, vector<16xi32>
      %broadcast_in_dim3A_762 = vector.shape_cast %select_n3A_761 : vector<16xi32> to vector<16x1xi32>
      %gather3A_763 = vector.shape_cast %broadcast_in_dim3A_762 : vector<16x1xi32> to vector<16xi32>
      %gather3A_764 = tpu.dynamic_gather %select_n3A_730[%gather3A_763] in [0] : vector<16xf32>, vector<16xi32> -> vector<16xf32>
      %gt3A_765 = arith.cmpf ogt, %gather3A_754, %select_n3A_729 : vector<16xf32>
      %eq3A_766 = arith.cmpf oeq, %gather3A_754, %select_n3A_729 : vector<16xf32>
      %lt3A_767 = arith.cmpf olt, %gather3A_764, %select_n3A_730 : vector<16xf32>
      %and3A_768 = arith.andi %eq3A_766, %lt3A_767 : vector<16xi1>
      %or3A_769 = arith.ori %gt3A_765, %and3A_768 : vector<16xi1>
      %select_n3A_770 = arith.select %or3A_769, %gather3A_754, %select_n3A_729 : vector<16xi1>, vector<16xf32>
      %select_n3A_771 = arith.select %or3A_769, %gather3A_764, %select_n3A_730 : vector<16xi1>, vector<16xf32>
      %lt3A_772 = arith.constant 0 : i32
      %lt3A_773 = vector.broadcast %lt3A_772 : i32 to vector<16xi32>
      %lt3A_774 = arith.cmpi slt, %xor3A_744, %lt3A_773 : vector<16xi32>
      %add3A_775 = arith.constant 16 : i32
      %add3A_776 = vector.broadcast %add3A_775 : i32 to vector<16xi32>
      %add3A_777 = arith.addi %xor3A_744, %add3A_776 : vector<16xi32>
      %select_n3A_778 = arith.select %lt3A_774, %add3A_777, %xor3A_744 : vector<16xi1>, vector<16xi32>
      %broadcast_in_dim3A_779 = vector.shape_cast %select_n3A_778 : vector<16xi32> to vector<16x1xi32>
      %gather3A_780 = vector.shape_cast %broadcast_in_dim3A_779 : vector<16x1xi32> to vector<16xi32>
      %gather3A_781 = tpu.dynamic_gather %select_n3A_741[%gather3A_780] in [0] : vector<16xi32>, vector<16xi32> -> vector<16xi32>
      %select_n3A_782 = arith.select %or3A_769, %gather3A_781, %select_n3A_741 : vector<16xi1>, vector<16xi32>
      %xor3A_783 = arith.constant 8 : i32
      %xor3A_784 = vector.broadcast %xor3A_783 : i32 to vector<16xi32>
      %xor3A_785 = arith.xori %iota3A, %xor3A_784 : vector<16xi32>
      %lt3A_786 = arith.constant 0 : i32
      %lt3A_787 = vector.broadcast %lt3A_786 : i32 to vector<16xi32>
      %lt3A_788 = arith.cmpi slt, %xor3A_785, %lt3A_787 : vector<16xi32>
      %add3A_789 = arith.constant 16 : i32
      %add3A_790 = vector.broadcast %add3A_789 : i32 to vector<16xi32>
      %add3A_791 = arith.addi %xor3A_785, %add3A_790 : vector<16xi32>
      %select_n3A_792 = arith.select %lt3A_788, %add3A_791, %xor3A_785 : vector<16xi1>, vector<16xi32>
      %broadcast_in_dim3A_793 = vector.shape_cast %select_n3A_792 : vector<16xi32> to vector<16x1xi32>
      %gather3A_794 = vector.shape_cast %broadcast_in_dim3A_793 : vector<16x1xi32> to vector<16xi32>
      %gather3A_795 = tpu.dynamic_gather %select_n3A_770[%gather3A_794] in [0] : vector<16xf32>, vector<16xi32> -> vector<16xf32>
      %lt3A_796 = arith.constant 0 : i32
      %lt3A_797 = vector.broadcast %lt3A_796 : i32 to vector<16xi32>
      %lt3A_798 = arith.cmpi slt, %xor3A_785, %lt3A_797 : vector<16xi32>
      %add3A_799 = arith.constant 16 : i32
      %add3A_800 = vector.broadcast %add3A_799 : i32 to vector<16xi32>
      %add3A_801 = arith.addi %xor3A_785, %add3A_800 : vector<16xi32>
      %select_n3A_802 = arith.select %lt3A_798, %add3A_801, %xor3A_785 : vector<16xi1>, vector<16xi32>
      %broadcast_in_dim3A_803 = vector.shape_cast %select_n3A_802 : vector<16xi32> to vector<16x1xi32>
      %gather3A_804 = vector.shape_cast %broadcast_in_dim3A_803 : vector<16x1xi32> to vector<16xi32>
      %gather3A_805 = tpu.dynamic_gather %select_n3A_771[%gather3A_804] in [0] : vector<16xf32>, vector<16xi32> -> vector<16xf32>
      %gt3A_806 = arith.cmpf ogt, %gather3A_795, %select_n3A_770 : vector<16xf32>
      %eq3A_807 = arith.cmpf oeq, %gather3A_795, %select_n3A_770 : vector<16xf32>
      %lt3A_808 = arith.cmpf olt, %gather3A_805, %select_n3A_771 : vector<16xf32>
      %and3A_809 = arith.andi %eq3A_807, %lt3A_808 : vector<16xi1>
      %or3A_810 = arith.ori %gt3A_806, %and3A_809 : vector<16xi1>
      %select_n3A_811 = arith.select %or3A_810, %gather3A_795, %select_n3A_770 : vector<16xi1>, vector<16xf32>
      %select_n3A_812 = arith.select %or3A_810, %gather3A_805, %select_n3A_771 : vector<16xi1>, vector<16xf32>
      %lt3A_813 = arith.constant 0 : i32
      %lt3A_814 = vector.broadcast %lt3A_813 : i32 to vector<16xi32>
      %lt3A_815 = arith.cmpi slt, %xor3A_785, %lt3A_814 : vector<16xi32>
      %add3A_816 = arith.constant 16 : i32
      %add3A_817 = vector.broadcast %add3A_816 : i32 to vector<16xi32>
      %add3A_818 = arith.addi %xor3A_785, %add3A_817 : vector<16xi32>
      %select_n3A_819 = arith.select %lt3A_815, %add3A_818, %xor3A_785 : vector<16xi1>, vector<16xi32>
      %broadcast_in_dim3A_820 = vector.shape_cast %select_n3A_819 : vector<16xi32> to vector<16x1xi32>
      %gather3A_821 = vector.shape_cast %broadcast_in_dim3A_820 : vector<16x1xi32> to vector<16xi32>
      %gather3A_822 = tpu.dynamic_gather %select_n3A_782[%gather3A_821] in [0] : vector<16xi32>, vector<16xi32> -> vector<16xi32>
      %select_n3A_823 = arith.select %or3A_810, %gather3A_822, %select_n3A_782 : vector<16xi1>, vector<16xi32>
      %mul3A_824 = arith.constant 8 : i32
      %mul3A_825 = vector.broadcast %mul3A_824 : i32 to vector<16xi32>
      %mul3A_826 = arith.muli %select_n3A_823, %mul3A_825 : vector<16xi32>
      %add3A_827 = arith.constant 2 : i32
      %add3A_828 = vector.broadcast %add3A_827 : i32 to vector<16xi32>
      %add3A_829 = arith.addi %mul3A_826, %add3A_828 : vector<16xi32>
      %gather3A_830 = tpu.vector_load_idx %arg22[%add3A_829] : memref<128xf32, #tpu.memory_space<vmem>>[vector<16xi32>], vector<16xf32>,
      %add3A_831 = arith.constant 3 : i32
      %add3A_832 = vector.broadcast %add3A_831 : i32 to vector<16xi32>
      %add3A_833 = arith.addi %mul3A_826, %add3A_832 : vector<16xi32>
      %gather3A_834 = tpu.vector_load_idx %arg22[%add3A_833] : memref<128xf32, #tpu.memory_space<vmem>>[vector<16xi32>], vector<16xf32>,
      %add3A_835 = arith.constant 4 : i32
      %add3A_836 = vector.broadcast %add3A_835 : i32 to vector<16xi32>
      %add3A_837 = arith.addi %mul3A_826, %add3A_836 : vector<16xi32>
      %gather3A_838 = tpu.vector_load_idx %arg22[%add3A_837] : memref<128xf32, #tpu.memory_space<vmem>>[vector<16xi32>], vector<16xf32>,
      %add3A_839 = arith.constant 5 : i32
      %add3A_840 = vector.broadcast %add3A_839 : i32 to vector<16xi32>
      %add3A_841 = arith.addi %mul3A_826, %add3A_840 : vector<16xi32>
      %gather3A_842 = tpu.vector_load_idx %arg22[%add3A_841] : memref<128xf32, #tpu.memory_space<vmem>>[vector<16xi32>], vector<16xf32>,
      %add3A_843 = arith.constant 6 : i32
      %add3A_844 = vector.broadcast %add3A_843 : i32 to vector<16xi32>
      %add3A_845 = arith.addi %mul3A_826, %add3A_844 : vector<16xi32>
      %gather3A_846 = tpu.vector_load_idx %arg22[%add3A_845] : memref<128xf32, #tpu.memory_space<vmem>>[vector<16xi32>], vector<16xf32>,
      %sub3A_847 = arith.subf %gather3A_838, %gather3A_830 : vector<16xf32>
      %sub3A_848 = arith.subf %gather3A_842, %gather3A_834 : vector<16xf32>
      %mul3A_849 = arith.mulf %sub3A_847, %sub3A_848 : vector<16xf32>
      %convert_element_type3A_850 = arith.fptosi %gather3A_846 : vector<16xf32> to vector<16xi32>
      %mul3A_851 = arith.constant 2.049000e+03 : f32
      %mul3A_852 = vector.broadcast %mul3A_851 : f32 to vector<16xf32>
      %mul3A_853 = arith.mulf %gather3A_846, %mul3A_852 : vector<16xf32>
      %sub3A_854 = arith.subf %gather3A_830, %mul3A_853 : vector<16xf32>
      %sub3A_855 = arith.subf %gather3A_834, %mul3A_853 : vector<16xf32>
      %sub3A_856 = arith.subf %gather3A_838, %mul3A_853 : vector<16xf32>
      %sub3A_857 = arith.subf %gather3A_842, %mul3A_853 : vector<16xf32>
      %convert_element_type3A_858 = arith.fptosi %sub3A_857 : vector<16xf32> to vector<16xi32>
      %convert_element_type3A_859 = arith.fptosi %sub3A_855 : vector<16xf32> to vector<16xi32>
      %sub3A_860 = arith.subi %convert_element_type3A_858, %convert_element_type3A_859 : vector<16xi32>
      %lt3A_861 = arith.constant 1 : i32
      %lt3A_862 = vector.broadcast %lt3A_861 : i32 to vector<16xi32>
      %lt3A_863 = arith.cmpi slt, %sub3A_860, %lt3A_862 : vector<16xi32>
      %convert_element_type3A_864 = arith.fptosi %sub3A_856 : vector<16xf32> to vector<16xi32>
      %convert_element_type3A_865 = arith.fptosi %sub3A_854 : vector<16xf32> to vector<16xi32>
      %sub3A_866 = arith.subi %convert_element_type3A_864, %convert_element_type3A_865 : vector<16xi32>
      %lt3A_867 = arith.constant 1 : i32
      %lt3A_868 = vector.broadcast %lt3A_867 : i32 to vector<16xi32>
      %lt3A_869 = arith.cmpi slt, %sub3A_866, %lt3A_868 : vector<16xi32>
      %or3A_870 = arith.ori %lt3A_863, %lt3A_869 : vector<16xi1>
      %lt3A_871 = arith.constant 0.000000e+00 : f32
      %lt3A_872 = vector.broadcast %lt3A_871 : f32 to vector<16xf32>
      %lt3A_873 = arith.cmpf olt, %select_n3A_811, %lt3A_872 : vector<16xf32>
      %or3A_874 = arith.ori %or3A_870, %lt3A_873 : vector<16xi1>
      %eq3A_875 = arith.constant 0 : i32
      %eq3A_876 = vector.broadcast %eq3A_875 : i32 to vector<16xi32>
      %eq3A_877 = arith.cmpi eq, %and3A_32, %eq3A_876 : vector<16xi32>
      %eq3A_878 = arith.constant 1 : i32
      %eq3A_879 = vector.broadcast %eq3A_878 : i32 to vector<16xi32>
      %eq3A_880 = arith.cmpi eq, %and3A_32, %eq3A_879 : vector<16xi32>
      %eq3A_881 = arith.constant 2 : i32
      %eq3A_882 = vector.broadcast %eq3A_881 : i32 to vector<16xi32>
      %eq3A_883 = arith.cmpi eq, %and3A_32, %eq3A_882 : vector<16xi32>
      %select_n3A_884 = arith.select %eq3A_883, %sub3A_856, %sub3A_857 : vector<16xi1>, vector<16xf32>
      %select_n3A_885 = arith.select %eq3A_880, %sub3A_855, %select_n3A_884 : vector<16xi1>, vector<16xf32>
      %select_n3A_886 = arith.select %eq3A_877, %sub3A_854, %select_n3A_885 : vector<16xi1>, vector<16xf32>
      %select_n3A_887 = arith.select %or3A_874, %select_n3A_45, %select_n3A_886 : vector<16xi1>, vector<16xf32>
      %eq3A_888 = arith.constant 1 : i32
      %eq3A_889 = vector.broadcast %eq3A_888 : i32 to vector<16xi32>
      %eq3A_890 = arith.cmpi eq, %shift_right_logical3A_34, %eq3A_889 : vector<16xi32>
      %select_n3A_891 = arith.select %eq3A_890, %select_n3A_887, %select_n3A_456 : vector<16xi1>, vector<16xf32>
      %eq3A_892 = arith.constant 1 : i32
      %eq3A_893 = vector.broadcast %eq3A_892 : i32 to vector<16xi32>
      %eq3A_894 = arith.cmpi eq, %iota3A, %eq3A_893 : vector<16xi32>
      %lt3A_895 = arith.constant 0.000000e+00 : f32
      %lt3A_896 = vector.broadcast %lt3A_895 : f32 to vector<16xf32>
      %lt3A_897 = arith.cmpf olt, %select_n3A_811, %lt3A_896 : vector<16xf32>
      %jit3A_898 = arith.constant 0.000000e+00 : f32
      %broadcast_in_dim3A_899 = vector.broadcast %jit3A_898 : f32 to vector<16xf32>
      %select_n3A_900 = arith.select %lt3A_897, %broadcast_in_dim3A_899, %select_n3A_811 : vector<16xi1>, vector<16xf32>
      %select_n3A_901 = arith.select %eq3A_894, %select_n3A_900, %select_n3A_466 : vector<16xi1>, vector<16xf32>
      %eq3A_902 = arith.constant 1 : i32
      %eq3A_903 = vector.broadcast %eq3A_902 : i32 to vector<16xi32>
      %eq3A_904 = arith.cmpi eq, %iota3A, %eq3A_903 : vector<16xi32>
      %jit3A_905 = arith.constant 0 : i32
      %broadcast_in_dim3A_906 = vector.broadcast %jit3A_905 : i32 to vector<16xi32>
      %select_n3A_907 = arith.select %or3A_874, %broadcast_in_dim3A_906, %convert_element_type3A_850 : vector<16xi1>, vector<16xi32>
      %select_n3A_908 = arith.select %eq3A_904, %select_n3A_907, %select_n3A_473 : vector<16xi1>, vector<16xi32>
      %parallel_loop3A_909 = arith.constant 0 : i32
      %parallel_loop3A_910 = arith.constant 320 : i32
      %parallel_loop3A_911 = arith.constant 16 : i32
      %parallel_loop3A_912:2 = scf.for %parallel_loop3A_1784 = %parallel_loop3A_909 to %parallel_loop3A_910 step %parallel_loop3A_911 iter_args(%parallel_loop3A_1785 = %broadcast_in_dim3A_25, %parallel_loop3A_1786 = %broadcast_in_dim3A_27) -> (vector<16xf32>, vector<16xi32>)  : i32 {
        %parallel_loop3A_1787 = arith.index_cast %parallel_loop3A_1784 : i32 to index
        %parallel_loop3A_1788 = tpu.vector_load %arg16[%parallel_loop3A_1787] {strides = array<i32>} : memref<320xf32, #tpu.memory_space<vmem>>, vector<16xf32>,
        %parallel_loop3A_1789 = arith.index_cast %parallel_loop3A_1784 : i32 to index
        %parallel_loop3A_1790 = tpu.vector_load %arg17[%parallel_loop3A_1789] {strides = array<i32>} : memref<320xf32, #tpu.memory_space<vmem>>, vector<16xf32>,
        %parallel_loop3A_1791 = arith.index_cast %parallel_loop3A_1784 : i32 to index
        %parallel_loop3A_1792 = tpu.vector_load %arg18[%parallel_loop3A_1791] {strides = array<i32>} : memref<320xf32, #tpu.memory_space<vmem>>, vector<16xf32>,
        %parallel_loop3A_1793 = arith.index_cast %parallel_loop3A_1784 : i32 to index
        %parallel_loop3A_1794 = tpu.vector_load %arg19[%parallel_loop3A_1793] {strides = array<i32>} : memref<320xf32, #tpu.memory_space<vmem>>, vector<16xf32>,
        %parallel_loop3A_1795 = arith.maximumf %gather3A_830, %parallel_loop3A_1788 : vector<16xf32>
        %parallel_loop3A_1796 = arith.maximumf %gather3A_834, %parallel_loop3A_1790 : vector<16xf32>
        %parallel_loop3A_1797 = arith.minimumf %gather3A_838, %parallel_loop3A_1792 : vector<16xf32>
        %parallel_loop3A_1798 = arith.minimumf %gather3A_842, %parallel_loop3A_1794 : vector<16xf32>
        %parallel_loop3A_1799 = arith.subf %parallel_loop3A_1797, %parallel_loop3A_1795 : vector<16xf32>
        %parallel_loop3A_1800 = arith.constant 0.000000e+00 : f32
        %parallel_loop3A_1801 = vector.broadcast %parallel_loop3A_1800 : f32 to vector<16xf32>
        %parallel_loop3A_1802 = arith.maximumf %parallel_loop3A_1799, %parallel_loop3A_1801 : vector<16xf32>
        %parallel_loop3A_1803 = arith.subf %parallel_loop3A_1798, %parallel_loop3A_1796 : vector<16xf32>
        %parallel_loop3A_1804 = arith.constant 0.000000e+00 : f32
        %parallel_loop3A_1805 = vector.broadcast %parallel_loop3A_1804 : f32 to vector<16xf32>
        %parallel_loop3A_1806 = arith.maximumf %parallel_loop3A_1803, %parallel_loop3A_1805 : vector<16xf32>
        %parallel_loop3A_1807 = arith.mulf %parallel_loop3A_1802, %parallel_loop3A_1806 : vector<16xf32>
        %parallel_loop3A_1808 = arith.subf %parallel_loop3A_1792, %parallel_loop3A_1788 : vector<16xf32>
        %parallel_loop3A_1809 = arith.subf %parallel_loop3A_1794, %parallel_loop3A_1790 : vector<16xf32>
        %parallel_loop3A_1810 = arith.mulf %parallel_loop3A_1808, %parallel_loop3A_1809 : vector<16xf32>
        %parallel_loop3A_1811 = arith.addf %mul3A_849, %parallel_loop3A_1810 : vector<16xf32>
        %parallel_loop3A_1812 = arith.subf %parallel_loop3A_1811, %parallel_loop3A_1807 : vector<16xf32>
        %parallel_loop3A_1813 = arith.constant 9.99999971E-10 : f32
        %parallel_loop3A_1814 = vector.broadcast %parallel_loop3A_1813 : f32 to vector<16xf32>
        %parallel_loop3A_1815 = arith.maximumf %parallel_loop3A_1812, %parallel_loop3A_1814 : vector<16xf32>
        %parallel_loop3A_1816 = arith.constant 5.000000e-01 : f32
        %parallel_loop3A_1817 = vector.broadcast %parallel_loop3A_1816 : f32 to vector<16xf32>
        %parallel_loop3A_1818 = arith.mulf %parallel_loop3A_1817, %parallel_loop3A_1815 : vector<16xf32>
        %parallel_loop3A_1819 = arith.cmpf ogt, %parallel_loop3A_1807, %parallel_loop3A_1818 : vector<16xf32>
        %parallel_loop3A_1820 = arith.index_cast %parallel_loop3A_1784 : i32 to index
        %parallel_loop3A_1821 = tpu.vector_load %arg20[%parallel_loop3A_1820] {strides = array<i32>} : memref<320xf32, #tpu.memory_space<vmem>>, vector<16xf32>,
        %parallel_loop3A_1822 = arith.constant -1.000000e+00 : f32
        %parallel_loop3A_1823 = vector.broadcast %parallel_loop3A_1822 : f32 to vector<16xf32>
        %parallel_loop3A_1824 = arith.select %parallel_loop3A_1819, %parallel_loop3A_1823, %parallel_loop3A_1821 : vector<16xi1>, vector<16xf32>
        %parallel_loop3A_1825 = arith.index_cast %parallel_loop3A_1784 : i32 to index
        %parallel_loop3A_1826 = tpu.vector_load %arg20[%parallel_loop3A_1825] {strides = array<i32>} : memref<320xf32, #tpu.memory_space<vmem>>, vector<16xf32>,
        tpu.vector_store %arg20[%parallel_loop3A_1825], %parallel_loop3A_1824 {strides = array<i32>} : memref<320xf32, #tpu.memory_space<vmem>>, vector<16xf32>,
        %parallel_loop3A_1827 = arith.cmpf ogt, %parallel_loop3A_1824, %parallel_loop3A_1785 : vector<16xf32>
        %parallel_loop3A_1828 = arith.select %parallel_loop3A_1827, %parallel_loop3A_1824, %parallel_loop3A_1785 : vector<16xi1>, vector<16xf32>
        %parallel_loop3A_1829 = vector.broadcast %parallel_loop3A_1784 : i32 to vector<16xi32>
        %parallel_loop3A_1830 = arith.addi %iota3A, %parallel_loop3A_1829 : vector<16xi32>
        %parallel_loop3A_1831 = arith.select %parallel_loop3A_1827, %parallel_loop3A_1830, %parallel_loop3A_1786 : vector<16xi1>, vector<16xi32>
        scf.yield %parallel_loop3A_1828, %parallel_loop3A_1831 : vector<16xf32>, vector<16xi32>
      } {sc.loop_unroll_factor = 4 : i64, sc.parallel_access}
      %xor3A_913 = arith.constant 1 : i32
      %xor3A_914 = vector.broadcast %xor3A_913 : i32 to vector<16xi32>
      %xor3A_915 = arith.xori %iota3A, %xor3A_914 : vector<16xi32>
      %lt3A_916 = arith.constant 0 : i32
      %lt3A_917 = vector.broadcast %lt3A_916 : i32 to vector<16xi32>
      %lt3A_918 = arith.cmpi slt, %xor3A_915, %lt3A_917 : vector<16xi32>
      %add3A_919 = arith.constant 16 : i32
      %add3A_920 = vector.broadcast %add3A_919 : i32 to vector<16xi32>
      %add3A_921 = arith.addi %xor3A_915, %add3A_920 : vector<16xi32>
      %select_n3A_922 = arith.select %lt3A_918, %add3A_921, %xor3A_915 : vector<16xi1>, vector<16xi32>
      %broadcast_in_dim3A_923 = vector.shape_cast %select_n3A_922 : vector<16xi32> to vector<16x1xi32>
      %gather3A_924 = vector.shape_cast %broadcast_in_dim3A_923 : vector<16x1xi32> to vector<16xi32>
      %gather3A_925 = tpu.dynamic_gather %parallel_loop3A_912#0[%gather3A_924] in [0] : vector<16xf32>, vector<16xi32> -> vector<16xf32>
      %lt3A_926 = arith.constant 0 : i32
      %lt3A_927 = vector.broadcast %lt3A_926 : i32 to vector<16xi32>
      %lt3A_928 = arith.cmpi slt, %xor3A_915, %lt3A_927 : vector<16xi32>
      %add3A_929 = arith.constant 16 : i32
      %add3A_930 = vector.broadcast %add3A_929 : i32 to vector<16xi32>
      %add3A_931 = arith.addi %xor3A_915, %add3A_930 : vector<16xi32>
      %select_n3A_932 = arith.select %lt3A_928, %add3A_931, %xor3A_915 : vector<16xi1>, vector<16xi32>
      %broadcast_in_dim3A_933 = vector.shape_cast %select_n3A_932 : vector<16xi32> to vector<16x1xi32>
      %gather3A_934 = vector.shape_cast %broadcast_in_dim3A_933 : vector<16x1xi32> to vector<16xi32>
      %gather3A_935 = tpu.dynamic_gather %parallel_loop3A_912#1[%gather3A_934] in [0] : vector<16xi32>, vector<16xi32> -> vector<16xi32>
      %gt3A_936 = arith.cmpf ogt, %gather3A_925, %parallel_loop3A_912#0 : vector<16xf32>
      %eq3A_937 = arith.cmpf oeq, %gather3A_925, %parallel_loop3A_912#0 : vector<16xf32>
      %lt3A_938 = arith.cmpi slt, %gather3A_935, %parallel_loop3A_912#1 : vector<16xi32>
      %and3A_939 = arith.andi %eq3A_937, %lt3A_938 : vector<16xi1>
      %or3A_940 = arith.ori %gt3A_936, %and3A_939 : vector<16xi1>
      %select_n3A_941 = arith.select %or3A_940, %gather3A_925, %parallel_loop3A_912#0 : vector<16xi1>, vector<16xf32>
      %select_n3A_942 = arith.select %or3A_940, %gather3A_935, %parallel_loop3A_912#1 : vector<16xi1>, vector<16xi32>
      %xor3A_943 = arith.constant 2 : i32
      %xor3A_944 = vector.broadcast %xor3A_943 : i32 to vector<16xi32>
      %xor3A_945 = arith.xori %iota3A, %xor3A_944 : vector<16xi32>
      %lt3A_946 = arith.constant 0 : i32
      %lt3A_947 = vector.broadcast %lt3A_946 : i32 to vector<16xi32>
      %lt3A_948 = arith.cmpi slt, %xor3A_945, %lt3A_947 : vector<16xi32>
      %add3A_949 = arith.constant 16 : i32
      %add3A_950 = vector.broadcast %add3A_949 : i32 to vector<16xi32>
      %add3A_951 = arith.addi %xor3A_945, %add3A_950 : vector<16xi32>
      %select_n3A_952 = arith.select %lt3A_948, %add3A_951, %xor3A_945 : vector<16xi1>, vector<16xi32>
      %broadcast_in_dim3A_953 = vector.shape_cast %select_n3A_952 : vector<16xi32> to vector<16x1xi32>
      %gather3A_954 = vector.shape_cast %broadcast_in_dim3A_953 : vector<16x1xi32> to vector<16xi32>
      %gather3A_955 = tpu.dynamic_gather %select_n3A_941[%gather3A_954] in [0] : vector<16xf32>, vector<16xi32> -> vector<16xf32>
      %lt3A_956 = arith.constant 0 : i32
      %lt3A_957 = vector.broadcast %lt3A_956 : i32 to vector<16xi32>
      %lt3A_958 = arith.cmpi slt, %xor3A_945, %lt3A_957 : vector<16xi32>
      %add3A_959 = arith.constant 16 : i32
      %add3A_960 = vector.broadcast %add3A_959 : i32 to vector<16xi32>
      %add3A_961 = arith.addi %xor3A_945, %add3A_960 : vector<16xi32>
      %select_n3A_962 = arith.select %lt3A_958, %add3A_961, %xor3A_945 : vector<16xi1>, vector<16xi32>
      %broadcast_in_dim3A_963 = vector.shape_cast %select_n3A_962 : vector<16xi32> to vector<16x1xi32>
      %gather3A_964 = vector.shape_cast %broadcast_in_dim3A_963 : vector<16x1xi32> to vector<16xi32>
      %gather3A_965 = tpu.dynamic_gather %select_n3A_942[%gather3A_964] in [0] : vector<16xi32>, vector<16xi32> -> vector<16xi32>
      %gt3A_966 = arith.cmpf ogt, %gather3A_955, %select_n3A_941 : vector<16xf32>
      %eq3A_967 = arith.cmpf oeq, %gather3A_955, %select_n3A_941 : vector<16xf32>
      %lt3A_968 = arith.cmpi slt, %gather3A_965, %select_n3A_942 : vector<16xi32>
      %and3A_969 = arith.andi %eq3A_967, %lt3A_968 : vector<16xi1>
      %or3A_970 = arith.ori %gt3A_966, %and3A_969 : vector<16xi1>
      %select_n3A_971 = arith.select %or3A_970, %gather3A_955, %select_n3A_941 : vector<16xi1>, vector<16xf32>
      %select_n3A_972 = arith.select %or3A_970, %gather3A_965, %select_n3A_942 : vector<16xi1>, vector<16xi32>
      %xor3A_973 = arith.constant 4 : i32
      %xor3A_974 = vector.broadcast %xor3A_973 : i32 to vector<16xi32>
      %xor3A_975 = arith.xori %iota3A, %xor3A_974 : vector<16xi32>
      %lt3A_976 = arith.constant 0 : i32
      %lt3A_977 = vector.broadcast %lt3A_976 : i32 to vector<16xi32>
      %lt3A_978 = arith.cmpi slt, %xor3A_975, %lt3A_977 : vector<16xi32>
      %add3A_979 = arith.constant 16 : i32
      %add3A_980 = vector.broadcast %add3A_979 : i32 to vector<16xi32>
      %add3A_981 = arith.addi %xor3A_975, %add3A_980 : vector<16xi32>
      %select_n3A_982 = arith.select %lt3A_978, %add3A_981, %xor3A_975 : vector<16xi1>, vector<16xi32>
      %broadcast_in_dim3A_983 = vector.shape_cast %select_n3A_982 : vector<16xi32> to vector<16x1xi32>
      %gather3A_984 = vector.shape_cast %broadcast_in_dim3A_983 : vector<16x1xi32> to vector<16xi32>
      %gather3A_985 = tpu.dynamic_gather %select_n3A_971[%gather3A_984] in [0] : vector<16xf32>, vector<16xi32> -> vector<16xf32>
      %lt3A_986 = arith.constant 0 : i32
      %lt3A_987 = vector.broadcast %lt3A_986 : i32 to vector<16xi32>
      %lt3A_988 = arith.cmpi slt, %xor3A_975, %lt3A_987 : vector<16xi32>
      %add3A_989 = arith.constant 16 : i32
      %add3A_990 = vector.broadcast %add3A_989 : i32 to vector<16xi32>
      %add3A_991 = arith.addi %xor3A_975, %add3A_990 : vector<16xi32>
      %select_n3A_992 = arith.select %lt3A_988, %add3A_991, %xor3A_975 : vector<16xi1>, vector<16xi32>
      %broadcast_in_dim3A_993 = vector.shape_cast %select_n3A_992 : vector<16xi32> to vector<16x1xi32>
      %gather3A_994 = vector.shape_cast %broadcast_in_dim3A_993 : vector<16x1xi32> to vector<16xi32>
      %gather3A_995 = tpu.dynamic_gather %select_n3A_972[%gather3A_994] in [0] : vector<16xi32>, vector<16xi32> -> vector<16xi32>
      %gt3A_996 = arith.cmpf ogt, %gather3A_985, %select_n3A_971 : vector<16xf32>
      %eq3A_997 = arith.cmpf oeq, %gather3A_985, %select_n3A_971 : vector<16xf32>
      %lt3A_998 = arith.cmpi slt, %gather3A_995, %select_n3A_972 : vector<16xi32>
      %and3A_999 = arith.andi %eq3A_997, %lt3A_998 : vector<16xi1>
      %or3A_1000 = arith.ori %gt3A_996, %and3A_999 : vector<16xi1>
      %select_n3A_1001 = arith.select %or3A_1000, %gather3A_985, %select_n3A_971 : vector<16xi1>, vector<16xf32>
      %select_n3A_1002 = arith.select %or3A_1000, %gather3A_995, %select_n3A_972 : vector<16xi1>, vector<16xi32>
      %xor3A_1003 = arith.constant 8 : i32
      %xor3A_1004 = vector.broadcast %xor3A_1003 : i32 to vector<16xi32>
      %xor3A_1005 = arith.xori %iota3A, %xor3A_1004 : vector<16xi32>
      %lt3A_1006 = arith.constant 0 : i32
      %lt3A_1007 = vector.broadcast %lt3A_1006 : i32 to vector<16xi32>
      %lt3A_1008 = arith.cmpi slt, %xor3A_1005, %lt3A_1007 : vector<16xi32>
      %add3A_1009 = arith.constant 16 : i32
      %add3A_1010 = vector.broadcast %add3A_1009 : i32 to vector<16xi32>
      %add3A_1011 = arith.addi %xor3A_1005, %add3A_1010 : vector<16xi32>
      %select_n3A_1012 = arith.select %lt3A_1008, %add3A_1011, %xor3A_1005 : vector<16xi1>, vector<16xi32>
      %broadcast_in_dim3A_1013 = vector.shape_cast %select_n3A_1012 : vector<16xi32> to vector<16x1xi32>
      %gather3A_1014 = vector.shape_cast %broadcast_in_dim3A_1013 : vector<16x1xi32> to vector<16xi32>
      %gather3A_1015 = tpu.dynamic_gather %select_n3A_1001[%gather3A_1014] in [0] : vector<16xf32>, vector<16xi32> -> vector<16xf32>
      %lt3A_1016 = arith.constant 0 : i32
      %lt3A_1017 = vector.broadcast %lt3A_1016 : i32 to vector<16xi32>
      %lt3A_1018 = arith.cmpi slt, %xor3A_1005, %lt3A_1017 : vector<16xi32>
      %add3A_1019 = arith.constant 16 : i32
      %add3A_1020 = vector.broadcast %add3A_1019 : i32 to vector<16xi32>
      %add3A_1021 = arith.addi %xor3A_1005, %add3A_1020 : vector<16xi32>
      %select_n3A_1022 = arith.select %lt3A_1018, %add3A_1021, %xor3A_1005 : vector<16xi1>, vector<16xi32>
      %broadcast_in_dim3A_1023 = vector.shape_cast %select_n3A_1022 : vector<16xi32> to vector<16x1xi32>
      %gather3A_1024 = vector.shape_cast %broadcast_in_dim3A_1023 : vector<16x1xi32> to vector<16xi32>
      %gather3A_1025 = tpu.dynamic_gather %select_n3A_1002[%gather3A_1024] in [0] : vector<16xi32>, vector<16xi32> -> vector<16xi32>
      %gt3A_1026 = arith.cmpf ogt, %gather3A_1015, %select_n3A_1001 : vector<16xf32>
      %eq3A_1027 = arith.cmpf oeq, %gather3A_1015, %select_n3A_1001 : vector<16xf32>
      %lt3A_1028 = arith.cmpi slt, %gather3A_1025, %select_n3A_1002 : vector<16xi32>
      %and3A_1029 = arith.andi %eq3A_1027, %lt3A_1028 : vector<16xi1>
      %or3A_1030 = arith.ori %gt3A_1026, %and3A_1029 : vector<16xi1>
      %select_n3A_1031 = arith.select %or3A_1030, %gather3A_1015, %select_n3A_1001 : vector<16xi1>, vector<16xf32>
      %select_n3A_1032 = arith.select %or3A_1030, %gather3A_1025, %select_n3A_1002 : vector<16xi1>, vector<16xi32>
      %mul3A_1033 = arith.constant 312 : i32
      %mul3A_1034 = arith.muli %arg1, %mul3A_1033 : i32
      %add3A_1035 = vector.broadcast %mul3A_1034 : i32 to vector<16xi32>
      %add3A_1036 = arith.addi %select_n3A_1032, %add3A_1035 : vector<16xi32>
      %convert_element_type3A_1037 = arith.sitofp %add3A_1036 : vector<16xi32> to vector<16xf32>
      %gather3A_1038 = tpu.vector_load_idx %arg16[%select_n3A_1032] : memref<320xf32, #tpu.memory_space<vmem>>[vector<16xi32>], vector<16xf32>,
      %gather3A_1039 = tpu.vector_load_idx %arg17[%select_n3A_1032] : memref<320xf32, #tpu.memory_space<vmem>>[vector<16xi32>], vector<16xf32>,
      %gather3A_1040 = tpu.vector_load_idx %arg18[%select_n3A_1032] : memref<320xf32, #tpu.memory_space<vmem>>[vector<16xi32>], vector<16xf32>,
      %gather3A_1041 = tpu.vector_load_idx %arg19[%select_n3A_1032] : memref<320xf32, #tpu.memory_space<vmem>>[vector<16xi32>], vector<16xf32>,
      %gather3A_1042 = tpu.vector_load_idx %arg15[%select_n3A_1032] : memref<320xi32, #tpu.memory_space<vmem>>[vector<16xi32>], vector<16xi32>,
      %convert_element_type3A_1043 = arith.sitofp %gather3A_1042 : vector<16xi32> to vector<16xf32>
      %eq3A_1044 = arith.constant 0 : i32
      %eq3A_1045 = vector.broadcast %eq3A_1044 : i32 to vector<16xi32>
      %eq3A_1046 = arith.cmpi eq, %iota3A, %eq3A_1045 : vector<16xi32>
      %eq3A_1047 = arith.constant 1 : i32
      %eq3A_1048 = vector.broadcast %eq3A_1047 : i32 to vector<16xi32>
      %eq3A_1049 = arith.cmpi eq, %iota3A, %eq3A_1048 : vector<16xi32>
      %eq3A_1050 = arith.constant 2 : i32
      %eq3A_1051 = vector.broadcast %eq3A_1050 : i32 to vector<16xi32>
      %eq3A_1052 = arith.cmpi eq, %iota3A, %eq3A_1051 : vector<16xi32>
      %eq3A_1053 = arith.constant 3 : i32
      %eq3A_1054 = vector.broadcast %eq3A_1053 : i32 to vector<16xi32>
      %eq3A_1055 = arith.cmpi eq, %iota3A, %eq3A_1054 : vector<16xi32>
      %eq3A_1056 = arith.constant 4 : i32
      %eq3A_1057 = vector.broadcast %eq3A_1056 : i32 to vector<16xi32>
      %eq3A_1058 = arith.cmpi eq, %iota3A, %eq3A_1057 : vector<16xi32>
      %eq3A_1059 = arith.constant 5 : i32
      %eq3A_1060 = vector.broadcast %eq3A_1059 : i32 to vector<16xi32>
      %eq3A_1061 = arith.cmpi eq, %iota3A, %eq3A_1060 : vector<16xi32>
      %eq3A_1062 = arith.constant 6 : i32
      %eq3A_1063 = vector.broadcast %eq3A_1062 : i32 to vector<16xi32>
      %eq3A_1064 = arith.cmpi eq, %iota3A, %eq3A_1063 : vector<16xi32>
      %jit3A_1065 = arith.constant 0.000000e+00 : f32
      %broadcast_in_dim3A_1066 = vector.broadcast %jit3A_1065 : f32 to vector<16xf32>
      %select_n3A_1067 = arith.select %eq3A_1064, %convert_element_type3A_1043, %broadcast_in_dim3A_1066 : vector<16xi1>, vector<16xf32>
      %select_n3A_1068 = arith.select %eq3A_1061, %gather3A_1041, %select_n3A_1067 : vector<16xi1>, vector<16xf32>
      %select_n3A_1069 = arith.select %eq3A_1058, %gather3A_1040, %select_n3A_1068 : vector<16xi1>, vector<16xf32>
      %select_n3A_1070 = arith.select %eq3A_1055, %gather3A_1039, %select_n3A_1069 : vector<16xi1>, vector<16xf32>
      %select_n3A_1071 = arith.select %eq3A_1052, %gather3A_1038, %select_n3A_1070 : vector<16xi1>, vector<16xf32>
      %select_n3A_1072 = arith.select %eq3A_1049, %convert_element_type3A_1037, %select_n3A_1071 : vector<16xi1>, vector<16xf32>
      %select_n3A_1073 = arith.select %eq3A_1046, %select_n3A_1031, %select_n3A_1072 : vector<16xi1>, vector<16xf32>
      %swap3A_1074 = arith.constant 0 : index
      %swap3A_1075 = tpu.vector_load %arg21[%swap3A_1074] {strides = array<i32>} : memref<16xf32, #tpu.memory_space<vmem>>, vector<16xf32>,
      tpu.vector_store %arg21[%swap3A_1074], %select_n3A_1073 {strides = array<i32>} : memref<16xf32, #tpu.memory_space<vmem>>, vector<16xf32>,
      %mul3A_1076 = arith.constant 8 : i32
      %mul3A_1077 = arith.muli %arg1, %mul3A_1076 : i32
      %add3A_1078 = arith.constant 0 : i32
      %add3A_1079 = arith.addi %add3A_1078, %mul3A_1077 : i32
      "tpu.region"() ({
        %run_scoped3A = tpu.sem_alloc : memref<!tpu.dma_semaphore, #tpu.memory_space<semaphore_mem>>
        %dma_start3A_1784 = arith.constant 0 : i32
        %dma_start3A_1785 = tpu.memref_slice %arg21[%dma_start3A_1784] : memref<16xf32, #tpu.memory_space<vmem>> -> memref<8xf32, #tpu.memory_space<vmem>>
        %dma_start3A_1786 = tpu.memref_slice %arg26[%add3A_1079] : memref<256xf32, #tpu.memory_space<vmem_shared>> -> memref<8xf32, #tpu.memory_space<vmem_shared>>
        %dma_start3A_1787 = tpu.memref_slice %arg26[%add3A_1079] : memref<256xf32, #tpu.memory_space<vmem_shared>> -> memref<8xf32, #tpu.memory_space<vmem_shared>>
        %dma_start3A_1788 = arith.constant 0 : i32
        %dma_start3A_1789 = tpu.memref_slice %arg21[%dma_start3A_1788] : memref<16xf32, #tpu.memory_space<vmem>> -> memref<8xf32, #tpu.memory_space<vmem>>
        tpu.enqueue_dma source(%dma_start3A_1789 : memref<8xf32, #tpu.memory_space<vmem>>) target(%dma_start3A_1787 : memref<8xf32, #tpu.memory_space<vmem_shared>>) target_semaphore(%run_scoped3A : memref<!tpu.dma_semaphore, #tpu.memory_space<semaphore_mem>>)
        %dma_wait3A_1790 = arith.constant 0 : i32
        %dma_wait3A_1791 = tpu.memref_slice %arg21[%dma_wait3A_1790] : memref<16xf32, #tpu.memory_space<vmem>> -> memref<8xf32, #tpu.memory_space<vmem>>
        %dma_wait3A_1792 = tpu.memref_slice %arg26[%add3A_1079] : memref<256xf32, #tpu.memory_space<vmem_shared>> -> memref<8xf32, #tpu.memory_space<vmem_shared>>
        %dma_wait3A_1793 = tpu.memref_slice %arg26[%add3A_1079] : memref<256xf32, #tpu.memory_space<vmem_shared>> -> memref<8xf32, #tpu.memory_space<vmem_shared>>
        %dma_wait3A_1794 = arith.constant 0 : i32
        %dma_wait3A_1795 = tpu.memref_slice %arg21[%dma_wait3A_1794] : memref<16xf32, #tpu.memory_space<vmem>> -> memref<8xf32, #tpu.memory_space<vmem>>
        tpu.wait_dma2 semaphore(%run_scoped3A : memref<!tpu.dma_semaphore, #tpu.memory_space<semaphore_mem>>) src(%dma_wait3A_1795 : memref<8xf32, #tpu.memory_space<vmem>>) dst(%dma_wait3A_1793 : memref<8xf32, #tpu.memory_space<vmem_shared>>)
        tpu.yield
      }) : () -> ()
      %barrier3A_1080 = arith.constant 0 : index
      tpu.barrier barrier_id(%barrier3A_1080)
      "tpu.region"() ({
        %run_scoped3A = tpu.sem_alloc : memref<!tpu.dma_semaphore, #tpu.memory_space<semaphore_mem>>
        %dma_start3A_1784 = arith.constant 0 : i32
        %dma_start3A_1785 = tpu.memref_slice %arg26[%dma_start3A_1784] : memref<256xf32, #tpu.memory_space<vmem_shared>> -> memref<128xf32, #tpu.memory_space<vmem_shared>>
        %dma_start3A_1786 = arith.constant 0 : i32
        %dma_start3A_1787 = tpu.memref_slice %arg26[%dma_start3A_1786] : memref<256xf32, #tpu.memory_space<vmem_shared>> -> memref<128xf32, #tpu.memory_space<vmem_shared>>
        tpu.enqueue_dma source(%dma_start3A_1787 : memref<128xf32, #tpu.memory_space<vmem_shared>>) target(%arg22 : memref<128xf32, #tpu.memory_space<vmem>>) target_semaphore(%run_scoped3A : memref<!tpu.dma_semaphore, #tpu.memory_space<semaphore_mem>>)
        %dma_wait3A_1788 = arith.constant 0 : i32
        %dma_wait3A_1789 = tpu.memref_slice %arg26[%dma_wait3A_1788] : memref<256xf32, #tpu.memory_space<vmem_shared>> -> memref<128xf32, #tpu.memory_space<vmem_shared>>
        %dma_wait3A_1790 = arith.constant 0 : i32
        %dma_wait3A_1791 = tpu.memref_slice %arg26[%dma_wait3A_1790] : memref<256xf32, #tpu.memory_space<vmem_shared>> -> memref<128xf32, #tpu.memory_space<vmem_shared>>
        tpu.wait_dma2 semaphore(%run_scoped3A : memref<!tpu.dma_semaphore, #tpu.memory_space<semaphore_mem>>) src(%dma_wait3A_1791 : memref<128xf32, #tpu.memory_space<vmem_shared>>) dst(%arg22 : memref<128xf32, #tpu.memory_space<vmem>>)
        tpu.yield
      }) : () -> ()
      %mul3A_1081 = arith.constant 8 : i32
      %mul3A_1082 = vector.broadcast %mul3A_1081 : i32 to vector<16xi32>
      %mul3A_1083 = arith.muli %iota3A, %mul3A_1082 : vector<16xi32>
      %add3A_1084 = arith.constant 0 : i32
      %add3A_1085 = vector.broadcast %add3A_1084 : i32 to vector<16xi32>
      %add3A_1086 = arith.addi %mul3A_1083, %add3A_1085 : vector<16xi32>
      %gather3A_1087 = tpu.vector_load_idx %arg22[%add3A_1086] : memref<128xf32, #tpu.memory_space<vmem>>[vector<16xi32>], vector<16xf32>,
      %mul3A_1088 = arith.constant 8 : i32
      %mul3A_1089 = vector.broadcast %mul3A_1088 : i32 to vector<16xi32>
      %mul3A_1090 = arith.muli %iota3A, %mul3A_1089 : vector<16xi32>
      %add3A_1091 = arith.constant 1 : i32
      %add3A_1092 = vector.broadcast %add3A_1091 : i32 to vector<16xi32>
      %add3A_1093 = arith.addi %mul3A_1090, %add3A_1092 : vector<16xi32>
      %gather3A_1094 = tpu.vector_load_idx %arg22[%add3A_1093] : memref<128xf32, #tpu.memory_space<vmem>>[vector<16xi32>], vector<16xf32>,
      %xor3A_1095 = arith.constant 1 : i32
      %xor3A_1096 = vector.broadcast %xor3A_1095 : i32 to vector<16xi32>
      %xor3A_1097 = arith.xori %iota3A, %xor3A_1096 : vector<16xi32>
      %lt3A_1098 = arith.constant 0 : i32
      %lt3A_1099 = vector.broadcast %lt3A_1098 : i32 to vector<16xi32>
      %lt3A_1100 = arith.cmpi slt, %xor3A_1097, %lt3A_1099 : vector<16xi32>
      %add3A_1101 = arith.constant 16 : i32
      %add3A_1102 = vector.broadcast %add3A_1101 : i32 to vector<16xi32>
      %add3A_1103 = arith.addi %xor3A_1097, %add3A_1102 : vector<16xi32>
      %select_n3A_1104 = arith.select %lt3A_1100, %add3A_1103, %xor3A_1097 : vector<16xi1>, vector<16xi32>
      %broadcast_in_dim3A_1105 = vector.shape_cast %select_n3A_1104 : vector<16xi32> to vector<16x1xi32>
      %gather3A_1106 = vector.shape_cast %broadcast_in_dim3A_1105 : vector<16x1xi32> to vector<16xi32>
      %gather3A_1107 = tpu.dynamic_gather %gather3A_1087[%gather3A_1106] in [0] : vector<16xf32>, vector<16xi32> -> vector<16xf32>
      %lt3A_1108 = arith.constant 0 : i32
      %lt3A_1109 = vector.broadcast %lt3A_1108 : i32 to vector<16xi32>
      %lt3A_1110 = arith.cmpi slt, %xor3A_1097, %lt3A_1109 : vector<16xi32>
      %add3A_1111 = arith.constant 16 : i32
      %add3A_1112 = vector.broadcast %add3A_1111 : i32 to vector<16xi32>
      %add3A_1113 = arith.addi %xor3A_1097, %add3A_1112 : vector<16xi32>
      %select_n3A_1114 = arith.select %lt3A_1110, %add3A_1113, %xor3A_1097 : vector<16xi1>, vector<16xi32>
      %broadcast_in_dim3A_1115 = vector.shape_cast %select_n3A_1114 : vector<16xi32> to vector<16x1xi32>
      %gather3A_1116 = vector.shape_cast %broadcast_in_dim3A_1115 : vector<16x1xi32> to vector<16xi32>
      %gather3A_1117 = tpu.dynamic_gather %gather3A_1094[%gather3A_1116] in [0] : vector<16xf32>, vector<16xi32> -> vector<16xf32>
      %gt3A_1118 = arith.cmpf ogt, %gather3A_1107, %gather3A_1087 : vector<16xf32>
      %eq3A_1119 = arith.cmpf oeq, %gather3A_1107, %gather3A_1087 : vector<16xf32>
      %lt3A_1120 = arith.cmpf olt, %gather3A_1117, %gather3A_1094 : vector<16xf32>
      %and3A_1121 = arith.andi %eq3A_1119, %lt3A_1120 : vector<16xi1>
      %or3A_1122 = arith.ori %gt3A_1118, %and3A_1121 : vector<16xi1>
      %select_n3A_1123 = arith.select %or3A_1122, %gather3A_1107, %gather3A_1087 : vector<16xi1>, vector<16xf32>
      %select_n3A_1124 = arith.select %or3A_1122, %gather3A_1117, %gather3A_1094 : vector<16xi1>, vector<16xf32>
      %lt3A_1125 = arith.constant 0 : i32
      %lt3A_1126 = vector.broadcast %lt3A_1125 : i32 to vector<16xi32>
      %lt3A_1127 = arith.cmpi slt, %xor3A_1097, %lt3A_1126 : vector<16xi32>
      %add3A_1128 = arith.constant 16 : i32
      %add3A_1129 = vector.broadcast %add3A_1128 : i32 to vector<16xi32>
      %add3A_1130 = arith.addi %xor3A_1097, %add3A_1129 : vector<16xi32>
      %select_n3A_1131 = arith.select %lt3A_1127, %add3A_1130, %xor3A_1097 : vector<16xi1>, vector<16xi32>
      %broadcast_in_dim3A_1132 = vector.shape_cast %select_n3A_1131 : vector<16xi32> to vector<16x1xi32>
      %gather3A_1133 = vector.shape_cast %broadcast_in_dim3A_1132 : vector<16x1xi32> to vector<16xi32>
      %gather3A_1134 = tpu.dynamic_gather %iota3A[%gather3A_1133] in [0] : vector<16xi32>, vector<16xi32> -> vector<16xi32>
      %select_n3A_1135 = arith.select %or3A_1122, %gather3A_1134, %iota3A : vector<16xi1>, vector<16xi32>
      %xor3A_1136 = arith.constant 2 : i32
      %xor3A_1137 = vector.broadcast %xor3A_1136 : i32 to vector<16xi32>
      %xor3A_1138 = arith.xori %iota3A, %xor3A_1137 : vector<16xi32>
      %lt3A_1139 = arith.constant 0 : i32
      %lt3A_1140 = vector.broadcast %lt3A_1139 : i32 to vector<16xi32>
      %lt3A_1141 = arith.cmpi slt, %xor3A_1138, %lt3A_1140 : vector<16xi32>
      %add3A_1142 = arith.constant 16 : i32
      %add3A_1143 = vector.broadcast %add3A_1142 : i32 to vector<16xi32>
      %add3A_1144 = arith.addi %xor3A_1138, %add3A_1143 : vector<16xi32>
      %select_n3A_1145 = arith.select %lt3A_1141, %add3A_1144, %xor3A_1138 : vector<16xi1>, vector<16xi32>
      %broadcast_in_dim3A_1146 = vector.shape_cast %select_n3A_1145 : vector<16xi32> to vector<16x1xi32>
      %gather3A_1147 = vector.shape_cast %broadcast_in_dim3A_1146 : vector<16x1xi32> to vector<16xi32>
      %gather3A_1148 = tpu.dynamic_gather %select_n3A_1123[%gather3A_1147] in [0] : vector<16xf32>, vector<16xi32> -> vector<16xf32>
      %lt3A_1149 = arith.constant 0 : i32
      %lt3A_1150 = vector.broadcast %lt3A_1149 : i32 to vector<16xi32>
      %lt3A_1151 = arith.cmpi slt, %xor3A_1138, %lt3A_1150 : vector<16xi32>
      %add3A_1152 = arith.constant 16 : i32
      %add3A_1153 = vector.broadcast %add3A_1152 : i32 to vector<16xi32>
      %add3A_1154 = arith.addi %xor3A_1138, %add3A_1153 : vector<16xi32>
      %select_n3A_1155 = arith.select %lt3A_1151, %add3A_1154, %xor3A_1138 : vector<16xi1>, vector<16xi32>
      %broadcast_in_dim3A_1156 = vector.shape_cast %select_n3A_1155 : vector<16xi32> to vector<16x1xi32>
      %gather3A_1157 = vector.shape_cast %broadcast_in_dim3A_1156 : vector<16x1xi32> to vector<16xi32>
      %gather3A_1158 = tpu.dynamic_gather %select_n3A_1124[%gather3A_1157] in [0] : vector<16xf32>, vector<16xi32> -> vector<16xf32>
      %gt3A_1159 = arith.cmpf ogt, %gather3A_1148, %select_n3A_1123 : vector<16xf32>
      %eq3A_1160 = arith.cmpf oeq, %gather3A_1148, %select_n3A_1123 : vector<16xf32>
      %lt3A_1161 = arith.cmpf olt, %gather3A_1158, %select_n3A_1124 : vector<16xf32>
      %and3A_1162 = arith.andi %eq3A_1160, %lt3A_1161 : vector<16xi1>
      %or3A_1163 = arith.ori %gt3A_1159, %and3A_1162 : vector<16xi1>
      %select_n3A_1164 = arith.select %or3A_1163, %gather3A_1148, %select_n3A_1123 : vector<16xi1>, vector<16xf32>
      %select_n3A_1165 = arith.select %or3A_1163, %gather3A_1158, %select_n3A_1124 : vector<16xi1>, vector<16xf32>
      %lt3A_1166 = arith.constant 0 : i32
      %lt3A_1167 = vector.broadcast %lt3A_1166 : i32 to vector<16xi32>
      %lt3A_1168 = arith.cmpi slt, %xor3A_1138, %lt3A_1167 : vector<16xi32>
      %add3A_1169 = arith.constant 16 : i32
      %add3A_1170 = vector.broadcast %add3A_1169 : i32 to vector<16xi32>
      %add3A_1171 = arith.addi %xor3A_1138, %add3A_1170 : vector<16xi32>
      %select_n3A_1172 = arith.select %lt3A_1168, %add3A_1171, %xor3A_1138 : vector<16xi1>, vector<16xi32>
      %broadcast_in_dim3A_1173 = vector.shape_cast %select_n3A_1172 : vector<16xi32> to vector<16x1xi32>
      %gather3A_1174 = vector.shape_cast %broadcast_in_dim3A_1173 : vector<16x1xi32> to vector<16xi32>
      %gather3A_1175 = tpu.dynamic_gather %select_n3A_1135[%gather3A_1174] in [0] : vector<16xi32>, vector<16xi32> -> vector<16xi32>
      %select_n3A_1176 = arith.select %or3A_1163, %gather3A_1175, %select_n3A_1135 : vector<16xi1>, vector<16xi32>
      %xor3A_1177 = arith.constant 4 : i32
      %xor3A_1178 = vector.broadcast %xor3A_1177 : i32 to vector<16xi32>
      %xor3A_1179 = arith.xori %iota3A, %xor3A_1178 : vector<16xi32>
      %lt3A_1180 = arith.constant 0 : i32
      %lt3A_1181 = vector.broadcast %lt3A_1180 : i32 to vector<16xi32>
      %lt3A_1182 = arith.cmpi slt, %xor3A_1179, %lt3A_1181 : vector<16xi32>
      %add3A_1183 = arith.constant 16 : i32
      %add3A_1184 = vector.broadcast %add3A_1183 : i32 to vector<16xi32>
      %add3A_1185 = arith.addi %xor3A_1179, %add3A_1184 : vector<16xi32>
      %select_n3A_1186 = arith.select %lt3A_1182, %add3A_1185, %xor3A_1179 : vector<16xi1>, vector<16xi32>
      %broadcast_in_dim3A_1187 = vector.shape_cast %select_n3A_1186 : vector<16xi32> to vector<16x1xi32>
      %gather3A_1188 = vector.shape_cast %broadcast_in_dim3A_1187 : vector<16x1xi32> to vector<16xi32>
      %gather3A_1189 = tpu.dynamic_gather %select_n3A_1164[%gather3A_1188] in [0] : vector<16xf32>, vector<16xi32> -> vector<16xf32>
      %lt3A_1190 = arith.constant 0 : i32
      %lt3A_1191 = vector.broadcast %lt3A_1190 : i32 to vector<16xi32>
      %lt3A_1192 = arith.cmpi slt, %xor3A_1179, %lt3A_1191 : vector<16xi32>
      %add3A_1193 = arith.constant 16 : i32
      %add3A_1194 = vector.broadcast %add3A_1193 : i32 to vector<16xi32>
      %add3A_1195 = arith.addi %xor3A_1179, %add3A_1194 : vector<16xi32>
      %select_n3A_1196 = arith.select %lt3A_1192, %add3A_1195, %xor3A_1179 : vector<16xi1>, vector<16xi32>
      %broadcast_in_dim3A_1197 = vector.shape_cast %select_n3A_1196 : vector<16xi32> to vector<16x1xi32>
      %gather3A_1198 = vector.shape_cast %broadcast_in_dim3A_1197 : vector<16x1xi32> to vector<16xi32>
      %gather3A_1199 = tpu.dynamic_gather %select_n3A_1165[%gather3A_1198] in [0] : vector<16xf32>, vector<16xi32> -> vector<16xf32>
      %gt3A_1200 = arith.cmpf ogt, %gather3A_1189, %select_n3A_1164 : vector<16xf32>
      %eq3A_1201 = arith.cmpf oeq, %gather3A_1189, %select_n3A_1164 : vector<16xf32>
      %lt3A_1202 = arith.cmpf olt, %gather3A_1199, %select_n3A_1165 : vector<16xf32>
      %and3A_1203 = arith.andi %eq3A_1201, %lt3A_1202 : vector<16xi1>
      %or3A_1204 = arith.ori %gt3A_1200, %and3A_1203 : vector<16xi1>
      %select_n3A_1205 = arith.select %or3A_1204, %gather3A_1189, %select_n3A_1164 : vector<16xi1>, vector<16xf32>
      %select_n3A_1206 = arith.select %or3A_1204, %gather3A_1199, %select_n3A_1165 : vector<16xi1>, vector<16xf32>
      %lt3A_1207 = arith.constant 0 : i32
      %lt3A_1208 = vector.broadcast %lt3A_1207 : i32 to vector<16xi32>
      %lt3A_1209 = arith.cmpi slt, %xor3A_1179, %lt3A_1208 : vector<16xi32>
      %add3A_1210 = arith.constant 16 : i32
      %add3A_1211 = vector.broadcast %add3A_1210 : i32 to vector<16xi32>
      %add3A_1212 = arith.addi %xor3A_1179, %add3A_1211 : vector<16xi32>
      %select_n3A_1213 = arith.select %lt3A_1209, %add3A_1212, %xor3A_1179 : vector<16xi1>, vector<16xi32>
      %broadcast_in_dim3A_1214 = vector.shape_cast %select_n3A_1213 : vector<16xi32> to vector<16x1xi32>
      %gather3A_1215 = vector.shape_cast %broadcast_in_dim3A_1214 : vector<16x1xi32> to vector<16xi32>
      %gather3A_1216 = tpu.dynamic_gather %select_n3A_1176[%gather3A_1215] in [0] : vector<16xi32>, vector<16xi32> -> vector<16xi32>
      %select_n3A_1217 = arith.select %or3A_1204, %gather3A_1216, %select_n3A_1176 : vector<16xi1>, vector<16xi32>
      %xor3A_1218 = arith.constant 8 : i32
      %xor3A_1219 = vector.broadcast %xor3A_1218 : i32 to vector<16xi32>
      %xor3A_1220 = arith.xori %iota3A, %xor3A_1219 : vector<16xi32>
      %lt3A_1221 = arith.constant 0 : i32
      %lt3A_1222 = vector.broadcast %lt3A_1221 : i32 to vector<16xi32>
      %lt3A_1223 = arith.cmpi slt, %xor3A_1220, %lt3A_1222 : vector<16xi32>
      %add3A_1224 = arith.constant 16 : i32
      %add3A_1225 = vector.broadcast %add3A_1224 : i32 to vector<16xi32>
      %add3A_1226 = arith.addi %xor3A_1220, %add3A_1225 : vector<16xi32>
      %select_n3A_1227 = arith.select %lt3A_1223, %add3A_1226, %xor3A_1220 : vector<16xi1>, vector<16xi32>
      %broadcast_in_dim3A_1228 = vector.shape_cast %select_n3A_1227 : vector<16xi32> to vector<16x1xi32>
      %gather3A_1229 = vector.shape_cast %broadcast_in_dim3A_1228 : vector<16x1xi32> to vector<16xi32>
      %gather3A_1230 = tpu.dynamic_gather %select_n3A_1205[%gather3A_1229] in [0] : vector<16xf32>, vector<16xi32> -> vector<16xf32>
      %lt3A_1231 = arith.constant 0 : i32
      %lt3A_1232 = vector.broadcast %lt3A_1231 : i32 to vector<16xi32>
      %lt3A_1233 = arith.cmpi slt, %xor3A_1220, %lt3A_1232 : vector<16xi32>
      %add3A_1234 = arith.constant 16 : i32
      %add3A_1235 = vector.broadcast %add3A_1234 : i32 to vector<16xi32>
      %add3A_1236 = arith.addi %xor3A_1220, %add3A_1235 : vector<16xi32>
      %select_n3A_1237 = arith.select %lt3A_1233, %add3A_1236, %xor3A_1220 : vector<16xi1>, vector<16xi32>
      %broadcast_in_dim3A_1238 = vector.shape_cast %select_n3A_1237 : vector<16xi32> to vector<16x1xi32>
      %gather3A_1239 = vector.shape_cast %broadcast_in_dim3A_1238 : vector<16x1xi32> to vector<16xi32>
      %gather3A_1240 = tpu.dynamic_gather %select_n3A_1206[%gather3A_1239] in [0] : vector<16xf32>, vector<16xi32> -> vector<16xf32>
      %gt3A_1241 = arith.cmpf ogt, %gather3A_1230, %select_n3A_1205 : vector<16xf32>
      %eq3A_1242 = arith.cmpf oeq, %gather3A_1230, %select_n3A_1205 : vector<16xf32>
      %lt3A_1243 = arith.cmpf olt, %gather3A_1240, %select_n3A_1206 : vector<16xf32>
      %and3A_1244 = arith.andi %eq3A_1242, %lt3A_1243 : vector<16xi1>
      %or3A_1245 = arith.ori %gt3A_1241, %and3A_1244 : vector<16xi1>
      %select_n3A_1246 = arith.select %or3A_1245, %gather3A_1230, %select_n3A_1205 : vector<16xi1>, vector<16xf32>
      %select_n3A_1247 = arith.select %or3A_1245, %gather3A_1240, %select_n3A_1206 : vector<16xi1>, vector<16xf32>
      %lt3A_1248 = arith.constant 0 : i32
      %lt3A_1249 = vector.broadcast %lt3A_1248 : i32 to vector<16xi32>
      %lt3A_1250 = arith.cmpi slt, %xor3A_1220, %lt3A_1249 : vector<16xi32>
      %add3A_1251 = arith.constant 16 : i32
      %add3A_1252 = vector.broadcast %add3A_1251 : i32 to vector<16xi32>
      %add3A_1253 = arith.addi %xor3A_1220, %add3A_1252 : vector<16xi32>
      %select_n3A_1254 = arith.select %lt3A_1250, %add3A_1253, %xor3A_1220 : vector<16xi1>, vector<16xi32>
      %broadcast_in_dim3A_1255 = vector.shape_cast %select_n3A_1254 : vector<16xi32> to vector<16x1xi32>
      %gather3A_1256 = vector.shape_cast %broadcast_in_dim3A_1255 : vector<16x1xi32> to vector<16xi32>
      %gather3A_1257 = tpu.dynamic_gather %select_n3A_1217[%gather3A_1256] in [0] : vector<16xi32>, vector<16xi32> -> vector<16xi32>
      %select_n3A_1258 = arith.select %or3A_1245, %gather3A_1257, %select_n3A_1217 : vector<16xi1>, vector<16xi32>
      %mul3A_1259 = arith.constant 8 : i32
      %mul3A_1260 = vector.broadcast %mul3A_1259 : i32 to vector<16xi32>
      %mul3A_1261 = arith.muli %select_n3A_1258, %mul3A_1260 : vector<16xi32>
      %add3A_1262 = arith.constant 2 : i32
      %add3A_1263 = vector.broadcast %add3A_1262 : i32 to vector<16xi32>
      %add3A_1264 = arith.addi %mul3A_1261, %add3A_1263 : vector<16xi32>
      %gather3A_1265 = tpu.vector_load_idx %arg22[%add3A_1264] : memref<128xf32, #tpu.memory_space<vmem>>[vector<16xi32>], vector<16xf32>,
      %add3A_1266 = arith.constant 3 : i32
      %add3A_1267 = vector.broadcast %add3A_1266 : i32 to vector<16xi32>
      %add3A_1268 = arith.addi %mul3A_1261, %add3A_1267 : vector<16xi32>
      %gather3A_1269 = tpu.vector_load_idx %arg22[%add3A_1268] : memref<128xf32, #tpu.memory_space<vmem>>[vector<16xi32>], vector<16xf32>,
      %add3A_1270 = arith.constant 4 : i32
      %add3A_1271 = vector.broadcast %add3A_1270 : i32 to vector<16xi32>
      %add3A_1272 = arith.addi %mul3A_1261, %add3A_1271 : vector<16xi32>
      %gather3A_1273 = tpu.vector_load_idx %arg22[%add3A_1272] : memref<128xf32, #tpu.memory_space<vmem>>[vector<16xi32>], vector<16xf32>,
      %add3A_1274 = arith.constant 5 : i32
      %add3A_1275 = vector.broadcast %add3A_1274 : i32 to vector<16xi32>
      %add3A_1276 = arith.addi %mul3A_1261, %add3A_1275 : vector<16xi32>
      %gather3A_1277 = tpu.vector_load_idx %arg22[%add3A_1276] : memref<128xf32, #tpu.memory_space<vmem>>[vector<16xi32>], vector<16xf32>,
      %add3A_1278 = arith.constant 6 : i32
      %add3A_1279 = vector.broadcast %add3A_1278 : i32 to vector<16xi32>
      %add3A_1280 = arith.addi %mul3A_1261, %add3A_1279 : vector<16xi32>
      %gather3A_1281 = tpu.vector_load_idx %arg22[%add3A_1280] : memref<128xf32, #tpu.memory_space<vmem>>[vector<16xi32>], vector<16xf32>,
      %sub3A_1282 = arith.subf %gather3A_1273, %gather3A_1265 : vector<16xf32>
      %sub3A_1283 = arith.subf %gather3A_1277, %gather3A_1269 : vector<16xf32>
      %mul3A_1284 = arith.mulf %sub3A_1282, %sub3A_1283 : vector<16xf32>
      %convert_element_type3A_1285 = arith.fptosi %gather3A_1281 : vector<16xf32> to vector<16xi32>
      %mul3A_1286 = arith.constant 2.049000e+03 : f32
      %mul3A_1287 = vector.broadcast %mul3A_1286 : f32 to vector<16xf32>
      %mul3A_1288 = arith.mulf %gather3A_1281, %mul3A_1287 : vector<16xf32>
      %sub3A_1289 = arith.subf %gather3A_1265, %mul3A_1288 : vector<16xf32>
      %sub3A_1290 = arith.subf %gather3A_1269, %mul3A_1288 : vector<16xf32>
      %sub3A_1291 = arith.subf %gather3A_1273, %mul3A_1288 : vector<16xf32>
      %sub3A_1292 = arith.subf %gather3A_1277, %mul3A_1288 : vector<16xf32>
      %convert_element_type3A_1293 = arith.fptosi %sub3A_1292 : vector<16xf32> to vector<16xi32>
      %convert_element_type3A_1294 = arith.fptosi %sub3A_1290 : vector<16xf32> to vector<16xi32>
      %sub3A_1295 = arith.subi %convert_element_type3A_1293, %convert_element_type3A_1294 : vector<16xi32>
      %lt3A_1296 = arith.constant 1 : i32
      %lt3A_1297 = vector.broadcast %lt3A_1296 : i32 to vector<16xi32>
      %lt3A_1298 = arith.cmpi slt, %sub3A_1295, %lt3A_1297 : vector<16xi32>
      %convert_element_type3A_1299 = arith.fptosi %sub3A_1291 : vector<16xf32> to vector<16xi32>
      %convert_element_type3A_1300 = arith.fptosi %sub3A_1289 : vector<16xf32> to vector<16xi32>
      %sub3A_1301 = arith.subi %convert_element_type3A_1299, %convert_element_type3A_1300 : vector<16xi32>
      %lt3A_1302 = arith.constant 1 : i32
      %lt3A_1303 = vector.broadcast %lt3A_1302 : i32 to vector<16xi32>
      %lt3A_1304 = arith.cmpi slt, %sub3A_1301, %lt3A_1303 : vector<16xi32>
      %or3A_1305 = arith.ori %lt3A_1298, %lt3A_1304 : vector<16xi1>
      %lt3A_1306 = arith.constant 0.000000e+00 : f32
      %lt3A_1307 = vector.broadcast %lt3A_1306 : f32 to vector<16xf32>
      %lt3A_1308 = arith.cmpf olt, %select_n3A_1246, %lt3A_1307 : vector<16xf32>
      %or3A_1309 = arith.ori %or3A_1305, %lt3A_1308 : vector<16xi1>
      %eq3A_1310 = arith.constant 0 : i32
      %eq3A_1311 = vector.broadcast %eq3A_1310 : i32 to vector<16xi32>
      %eq3A_1312 = arith.cmpi eq, %and3A_32, %eq3A_1311 : vector<16xi32>
      %eq3A_1313 = arith.constant 1 : i32
      %eq3A_1314 = vector.broadcast %eq3A_1313 : i32 to vector<16xi32>
      %eq3A_1315 = arith.cmpi eq, %and3A_32, %eq3A_1314 : vector<16xi32>
      %eq3A_1316 = arith.constant 2 : i32
      %eq3A_1317 = vector.broadcast %eq3A_1316 : i32 to vector<16xi32>
      %eq3A_1318 = arith.cmpi eq, %and3A_32, %eq3A_1317 : vector<16xi32>
      %select_n3A_1319 = arith.select %eq3A_1318, %sub3A_1291, %sub3A_1292 : vector<16xi1>, vector<16xf32>
      %select_n3A_1320 = arith.select %eq3A_1315, %sub3A_1290, %select_n3A_1319 : vector<16xi1>, vector<16xf32>
      %select_n3A_1321 = arith.select %eq3A_1312, %sub3A_1289, %select_n3A_1320 : vector<16xi1>, vector<16xf32>
      %select_n3A_1322 = arith.select %or3A_1309, %select_n3A_45, %select_n3A_1321 : vector<16xi1>, vector<16xf32>
      %eq3A_1323 = arith.constant 2 : i32
      %eq3A_1324 = vector.broadcast %eq3A_1323 : i32 to vector<16xi32>
      %eq3A_1325 = arith.cmpi eq, %shift_right_logical3A_34, %eq3A_1324 : vector<16xi32>
      %select_n3A_1326 = arith.select %eq3A_1325, %select_n3A_1322, %select_n3A_891 : vector<16xi1>, vector<16xf32>
      %eq3A_1327 = arith.constant 2 : i32
      %eq3A_1328 = vector.broadcast %eq3A_1327 : i32 to vector<16xi32>
      %eq3A_1329 = arith.cmpi eq, %iota3A, %eq3A_1328 : vector<16xi32>
      %lt3A_1330 = arith.constant 0.000000e+00 : f32
      %lt3A_1331 = vector.broadcast %lt3A_1330 : f32 to vector<16xf32>
      %lt3A_1332 = arith.cmpf olt, %select_n3A_1246, %lt3A_1331 : vector<16xf32>
      %jit3A_1333 = arith.constant 0.000000e+00 : f32
      %broadcast_in_dim3A_1334 = vector.broadcast %jit3A_1333 : f32 to vector<16xf32>
      %select_n3A_1335 = arith.select %lt3A_1332, %broadcast_in_dim3A_1334, %select_n3A_1246 : vector<16xi1>, vector<16xf32>
      %select_n3A_1336 = arith.select %eq3A_1329, %select_n3A_1335, %select_n3A_901 : vector<16xi1>, vector<16xf32>
      %eq3A_1337 = arith.constant 2 : i32
      %eq3A_1338 = vector.broadcast %eq3A_1337 : i32 to vector<16xi32>
      %eq3A_1339 = arith.cmpi eq, %iota3A, %eq3A_1338 : vector<16xi32>
      %jit3A_1340 = arith.constant 0 : i32
      %broadcast_in_dim3A_1341 = vector.broadcast %jit3A_1340 : i32 to vector<16xi32>
      %select_n3A_1342 = arith.select %or3A_1309, %broadcast_in_dim3A_1341, %convert_element_type3A_1285 : vector<16xi1>, vector<16xi32>
      %select_n3A_1343 = arith.select %eq3A_1339, %select_n3A_1342, %select_n3A_908 : vector<16xi1>, vector<16xi32>
      %parallel_loop3A_1344 = arith.constant 0 : i32
      %parallel_loop3A_1345 = arith.constant 320 : i32
      %parallel_loop3A_1346 = arith.constant 16 : i32
      %parallel_loop3A_1347:2 = scf.for %parallel_loop3A_1784 = %parallel_loop3A_1344 to %parallel_loop3A_1345 step %parallel_loop3A_1346 iter_args(%parallel_loop3A_1785 = %broadcast_in_dim3A_25, %parallel_loop3A_1786 = %broadcast_in_dim3A_27) -> (vector<16xf32>, vector<16xi32>)  : i32 {
        %parallel_loop3A_1787 = arith.index_cast %parallel_loop3A_1784 : i32 to index
        %parallel_loop3A_1788 = tpu.vector_load %arg16[%parallel_loop3A_1787] {strides = array<i32>} : memref<320xf32, #tpu.memory_space<vmem>>, vector<16xf32>,
        %parallel_loop3A_1789 = arith.index_cast %parallel_loop3A_1784 : i32 to index
        %parallel_loop3A_1790 = tpu.vector_load %arg17[%parallel_loop3A_1789] {strides = array<i32>} : memref<320xf32, #tpu.memory_space<vmem>>, vector<16xf32>,
        %parallel_loop3A_1791 = arith.index_cast %parallel_loop3A_1784 : i32 to index
        %parallel_loop3A_1792 = tpu.vector_load %arg18[%parallel_loop3A_1791] {strides = array<i32>} : memref<320xf32, #tpu.memory_space<vmem>>, vector<16xf32>,
        %parallel_loop3A_1793 = arith.index_cast %parallel_loop3A_1784 : i32 to index
        %parallel_loop3A_1794 = tpu.vector_load %arg19[%parallel_loop3A_1793] {strides = array<i32>} : memref<320xf32, #tpu.memory_space<vmem>>, vector<16xf32>,
        %parallel_loop3A_1795 = arith.maximumf %gather3A_1265, %parallel_loop3A_1788 : vector<16xf32>
        %parallel_loop3A_1796 = arith.maximumf %gather3A_1269, %parallel_loop3A_1790 : vector<16xf32>
        %parallel_loop3A_1797 = arith.minimumf %gather3A_1273, %parallel_loop3A_1792 : vector<16xf32>
        %parallel_loop3A_1798 = arith.minimumf %gather3A_1277, %parallel_loop3A_1794 : vector<16xf32>
        %parallel_loop3A_1799 = arith.subf %parallel_loop3A_1797, %parallel_loop3A_1795 : vector<16xf32>
        %parallel_loop3A_1800 = arith.constant 0.000000e+00 : f32
        %parallel_loop3A_1801 = vector.broadcast %parallel_loop3A_1800 : f32 to vector<16xf32>
        %parallel_loop3A_1802 = arith.maximumf %parallel_loop3A_1799, %parallel_loop3A_1801 : vector<16xf32>
        %parallel_loop3A_1803 = arith.subf %parallel_loop3A_1798, %parallel_loop3A_1796 : vector<16xf32>
        %parallel_loop3A_1804 = arith.constant 0.000000e+00 : f32
        %parallel_loop3A_1805 = vector.broadcast %parallel_loop3A_1804 : f32 to vector<16xf32>
        %parallel_loop3A_1806 = arith.maximumf %parallel_loop3A_1803, %parallel_loop3A_1805 : vector<16xf32>
        %parallel_loop3A_1807 = arith.mulf %parallel_loop3A_1802, %parallel_loop3A_1806 : vector<16xf32>
        %parallel_loop3A_1808 = arith.subf %parallel_loop3A_1792, %parallel_loop3A_1788 : vector<16xf32>
        %parallel_loop3A_1809 = arith.subf %parallel_loop3A_1794, %parallel_loop3A_1790 : vector<16xf32>
        %parallel_loop3A_1810 = arith.mulf %parallel_loop3A_1808, %parallel_loop3A_1809 : vector<16xf32>
        %parallel_loop3A_1811 = arith.addf %mul3A_1284, %parallel_loop3A_1810 : vector<16xf32>
        %parallel_loop3A_1812 = arith.subf %parallel_loop3A_1811, %parallel_loop3A_1807 : vector<16xf32>
        %parallel_loop3A_1813 = arith.constant 9.99999971E-10 : f32
        %parallel_loop3A_1814 = vector.broadcast %parallel_loop3A_1813 : f32 to vector<16xf32>
        %parallel_loop3A_1815 = arith.maximumf %parallel_loop3A_1812, %parallel_loop3A_1814 : vector<16xf32>
        %parallel_loop3A_1816 = arith.constant 5.000000e-01 : f32
        %parallel_loop3A_1817 = vector.broadcast %parallel_loop3A_1816 : f32 to vector<16xf32>
        %parallel_loop3A_1818 = arith.mulf %parallel_loop3A_1817, %parallel_loop3A_1815 : vector<16xf32>
        %parallel_loop3A_1819 = arith.cmpf ogt, %parallel_loop3A_1807, %parallel_loop3A_1818 : vector<16xf32>
        %parallel_loop3A_1820 = arith.index_cast %parallel_loop3A_1784 : i32 to index
        %parallel_loop3A_1821 = tpu.vector_load %arg20[%parallel_loop3A_1820] {strides = array<i32>} : memref<320xf32, #tpu.memory_space<vmem>>, vector<16xf32>,
        %parallel_loop3A_1822 = arith.constant -1.000000e+00 : f32
        %parallel_loop3A_1823 = vector.broadcast %parallel_loop3A_1822 : f32 to vector<16xf32>
        %parallel_loop3A_1824 = arith.select %parallel_loop3A_1819, %parallel_loop3A_1823, %parallel_loop3A_1821 : vector<16xi1>, vector<16xf32>
        %parallel_loop3A_1825 = arith.index_cast %parallel_loop3A_1784 : i32 to index
        %parallel_loop3A_1826 = tpu.vector_load %arg20[%parallel_loop3A_1825] {strides = array<i32>} : memref<320xf32, #tpu.memory_space<vmem>>, vector<16xf32>,
        tpu.vector_store %arg20[%parallel_loop3A_1825], %parallel_loop3A_1824 {strides = array<i32>} : memref<320xf32, #tpu.memory_space<vmem>>, vector<16xf32>,
        %parallel_loop3A_1827 = arith.cmpf ogt, %parallel_loop3A_1824, %parallel_loop3A_1785 : vector<16xf32>
        %parallel_loop3A_1828 = arith.select %parallel_loop3A_1827, %parallel_loop3A_1824, %parallel_loop3A_1785 : vector<16xi1>, vector<16xf32>
        %parallel_loop3A_1829 = vector.broadcast %parallel_loop3A_1784 : i32 to vector<16xi32>
        %parallel_loop3A_1830 = arith.addi %iota3A, %parallel_loop3A_1829 : vector<16xi32>
        %parallel_loop3A_1831 = arith.select %parallel_loop3A_1827, %parallel_loop3A_1830, %parallel_loop3A_1786 : vector<16xi1>, vector<16xi32>
        scf.yield %parallel_loop3A_1828, %parallel_loop3A_1831 : vector<16xf32>, vector<16xi32>
      } {sc.loop_unroll_factor = 4 : i64, sc.parallel_access}
      %xor3A_1348 = arith.constant 1 : i32
      %xor3A_1349 = vector.broadcast %xor3A_1348 : i32 to vector<16xi32>
      %xor3A_1350 = arith.xori %iota3A, %xor3A_1349 : vector<16xi32>
      %lt3A_1351 = arith.constant 0 : i32
      %lt3A_1352 = vector.broadcast %lt3A_1351 : i32 to vector<16xi32>
      %lt3A_1353 = arith.cmpi slt, %xor3A_1350, %lt3A_1352 : vector<16xi32>
      %add3A_1354 = arith.constant 16 : i32
      %add3A_1355 = vector.broadcast %add3A_1354 : i32 to vector<16xi32>
      %add3A_1356 = arith.addi %xor3A_1350, %add3A_1355 : vector<16xi32>
      %select_n3A_1357 = arith.select %lt3A_1353, %add3A_1356, %xor3A_1350 : vector<16xi1>, vector<16xi32>
      %broadcast_in_dim3A_1358 = vector.shape_cast %select_n3A_1357 : vector<16xi32> to vector<16x1xi32>
      %gather3A_1359 = vector.shape_cast %broadcast_in_dim3A_1358 : vector<16x1xi32> to vector<16xi32>
      %gather3A_1360 = tpu.dynamic_gather %parallel_loop3A_1347#0[%gather3A_1359] in [0] : vector<16xf32>, vector<16xi32> -> vector<16xf32>
      %lt3A_1361 = arith.constant 0 : i32
      %lt3A_1362 = vector.broadcast %lt3A_1361 : i32 to vector<16xi32>
      %lt3A_1363 = arith.cmpi slt, %xor3A_1350, %lt3A_1362 : vector<16xi32>
      %add3A_1364 = arith.constant 16 : i32
      %add3A_1365 = vector.broadcast %add3A_1364 : i32 to vector<16xi32>
      %add3A_1366 = arith.addi %xor3A_1350, %add3A_1365 : vector<16xi32>
      %select_n3A_1367 = arith.select %lt3A_1363, %add3A_1366, %xor3A_1350 : vector<16xi1>, vector<16xi32>
      %broadcast_in_dim3A_1368 = vector.shape_cast %select_n3A_1367 : vector<16xi32> to vector<16x1xi32>
      %gather3A_1369 = vector.shape_cast %broadcast_in_dim3A_1368 : vector<16x1xi32> to vector<16xi32>
      %gather3A_1370 = tpu.dynamic_gather %parallel_loop3A_1347#1[%gather3A_1369] in [0] : vector<16xi32>, vector<16xi32> -> vector<16xi32>
      %gt3A_1371 = arith.cmpf ogt, %gather3A_1360, %parallel_loop3A_1347#0 : vector<16xf32>
      %eq3A_1372 = arith.cmpf oeq, %gather3A_1360, %parallel_loop3A_1347#0 : vector<16xf32>
      %lt3A_1373 = arith.cmpi slt, %gather3A_1370, %parallel_loop3A_1347#1 : vector<16xi32>
      %and3A_1374 = arith.andi %eq3A_1372, %lt3A_1373 : vector<16xi1>
      %or3A_1375 = arith.ori %gt3A_1371, %and3A_1374 : vector<16xi1>
      %select_n3A_1376 = arith.select %or3A_1375, %gather3A_1360, %parallel_loop3A_1347#0 : vector<16xi1>, vector<16xf32>
      %select_n3A_1377 = arith.select %or3A_1375, %gather3A_1370, %parallel_loop3A_1347#1 : vector<16xi1>, vector<16xi32>
      %xor3A_1378 = arith.constant 2 : i32
      %xor3A_1379 = vector.broadcast %xor3A_1378 : i32 to vector<16xi32>
      %xor3A_1380 = arith.xori %iota3A, %xor3A_1379 : vector<16xi32>
      %lt3A_1381 = arith.constant 0 : i32
      %lt3A_1382 = vector.broadcast %lt3A_1381 : i32 to vector<16xi32>
      %lt3A_1383 = arith.cmpi slt, %xor3A_1380, %lt3A_1382 : vector<16xi32>
      %add3A_1384 = arith.constant 16 : i32
      %add3A_1385 = vector.broadcast %add3A_1384 : i32 to vector<16xi32>
      %add3A_1386 = arith.addi %xor3A_1380, %add3A_1385 : vector<16xi32>
      %select_n3A_1387 = arith.select %lt3A_1383, %add3A_1386, %xor3A_1380 : vector<16xi1>, vector<16xi32>
      %broadcast_in_dim3A_1388 = vector.shape_cast %select_n3A_1387 : vector<16xi32> to vector<16x1xi32>
      %gather3A_1389 = vector.shape_cast %broadcast_in_dim3A_1388 : vector<16x1xi32> to vector<16xi32>
      %gather3A_1390 = tpu.dynamic_gather %select_n3A_1376[%gather3A_1389] in [0] : vector<16xf32>, vector<16xi32> -> vector<16xf32>
      %lt3A_1391 = arith.constant 0 : i32
      %lt3A_1392 = vector.broadcast %lt3A_1391 : i32 to vector<16xi32>
      %lt3A_1393 = arith.cmpi slt, %xor3A_1380, %lt3A_1392 : vector<16xi32>
      %add3A_1394 = arith.constant 16 : i32
      %add3A_1395 = vector.broadcast %add3A_1394 : i32 to vector<16xi32>
      %add3A_1396 = arith.addi %xor3A_1380, %add3A_1395 : vector<16xi32>
      %select_n3A_1397 = arith.select %lt3A_1393, %add3A_1396, %xor3A_1380 : vector<16xi1>, vector<16xi32>
      %broadcast_in_dim3A_1398 = vector.shape_cast %select_n3A_1397 : vector<16xi32> to vector<16x1xi32>
      %gather3A_1399 = vector.shape_cast %broadcast_in_dim3A_1398 : vector<16x1xi32> to vector<16xi32>
      %gather3A_1400 = tpu.dynamic_gather %select_n3A_1377[%gather3A_1399] in [0] : vector<16xi32>, vector<16xi32> -> vector<16xi32>
      %gt3A_1401 = arith.cmpf ogt, %gather3A_1390, %select_n3A_1376 : vector<16xf32>
      %eq3A_1402 = arith.cmpf oeq, %gather3A_1390, %select_n3A_1376 : vector<16xf32>
      %lt3A_1403 = arith.cmpi slt, %gather3A_1400, %select_n3A_1377 : vector<16xi32>
      %and3A_1404 = arith.andi %eq3A_1402, %lt3A_1403 : vector<16xi1>
      %or3A_1405 = arith.ori %gt3A_1401, %and3A_1404 : vector<16xi1>
      %select_n3A_1406 = arith.select %or3A_1405, %gather3A_1390, %select_n3A_1376 : vector<16xi1>, vector<16xf32>
      %select_n3A_1407 = arith.select %or3A_1405, %gather3A_1400, %select_n3A_1377 : vector<16xi1>, vector<16xi32>
      %xor3A_1408 = arith.constant 4 : i32
      %xor3A_1409 = vector.broadcast %xor3A_1408 : i32 to vector<16xi32>
      %xor3A_1410 = arith.xori %iota3A, %xor3A_1409 : vector<16xi32>
      %lt3A_1411 = arith.constant 0 : i32
      %lt3A_1412 = vector.broadcast %lt3A_1411 : i32 to vector<16xi32>
      %lt3A_1413 = arith.cmpi slt, %xor3A_1410, %lt3A_1412 : vector<16xi32>
      %add3A_1414 = arith.constant 16 : i32
      %add3A_1415 = vector.broadcast %add3A_1414 : i32 to vector<16xi32>
      %add3A_1416 = arith.addi %xor3A_1410, %add3A_1415 : vector<16xi32>
      %select_n3A_1417 = arith.select %lt3A_1413, %add3A_1416, %xor3A_1410 : vector<16xi1>, vector<16xi32>
      %broadcast_in_dim3A_1418 = vector.shape_cast %select_n3A_1417 : vector<16xi32> to vector<16x1xi32>
      %gather3A_1419 = vector.shape_cast %broadcast_in_dim3A_1418 : vector<16x1xi32> to vector<16xi32>
      %gather3A_1420 = tpu.dynamic_gather %select_n3A_1406[%gather3A_1419] in [0] : vector<16xf32>, vector<16xi32> -> vector<16xf32>
      %lt3A_1421 = arith.constant 0 : i32
      %lt3A_1422 = vector.broadcast %lt3A_1421 : i32 to vector<16xi32>
      %lt3A_1423 = arith.cmpi slt, %xor3A_1410, %lt3A_1422 : vector<16xi32>
      %add3A_1424 = arith.constant 16 : i32
      %add3A_1425 = vector.broadcast %add3A_1424 : i32 to vector<16xi32>
      %add3A_1426 = arith.addi %xor3A_1410, %add3A_1425 : vector<16xi32>
      %select_n3A_1427 = arith.select %lt3A_1423, %add3A_1426, %xor3A_1410 : vector<16xi1>, vector<16xi32>
      %broadcast_in_dim3A_1428 = vector.shape_cast %select_n3A_1427 : vector<16xi32> to vector<16x1xi32>
      %gather3A_1429 = vector.shape_cast %broadcast_in_dim3A_1428 : vector<16x1xi32> to vector<16xi32>
      %gather3A_1430 = tpu.dynamic_gather %select_n3A_1407[%gather3A_1429] in [0] : vector<16xi32>, vector<16xi32> -> vector<16xi32>
      %gt3A_1431 = arith.cmpf ogt, %gather3A_1420, %select_n3A_1406 : vector<16xf32>
      %eq3A_1432 = arith.cmpf oeq, %gather3A_1420, %select_n3A_1406 : vector<16xf32>
      %lt3A_1433 = arith.cmpi slt, %gather3A_1430, %select_n3A_1407 : vector<16xi32>
      %and3A_1434 = arith.andi %eq3A_1432, %lt3A_1433 : vector<16xi1>
      %or3A_1435 = arith.ori %gt3A_1431, %and3A_1434 : vector<16xi1>
      %select_n3A_1436 = arith.select %or3A_1435, %gather3A_1420, %select_n3A_1406 : vector<16xi1>, vector<16xf32>
      %select_n3A_1437 = arith.select %or3A_1435, %gather3A_1430, %select_n3A_1407 : vector<16xi1>, vector<16xi32>
      %xor3A_1438 = arith.constant 8 : i32
      %xor3A_1439 = vector.broadcast %xor3A_1438 : i32 to vector<16xi32>
      %xor3A_1440 = arith.xori %iota3A, %xor3A_1439 : vector<16xi32>
      %lt3A_1441 = arith.constant 0 : i32
      %lt3A_1442 = vector.broadcast %lt3A_1441 : i32 to vector<16xi32>
      %lt3A_1443 = arith.cmpi slt, %xor3A_1440, %lt3A_1442 : vector<16xi32>
      %add3A_1444 = arith.constant 16 : i32
      %add3A_1445 = vector.broadcast %add3A_1444 : i32 to vector<16xi32>
      %add3A_1446 = arith.addi %xor3A_1440, %add3A_1445 : vector<16xi32>
      %select_n3A_1447 = arith.select %lt3A_1443, %add3A_1446, %xor3A_1440 : vector<16xi1>, vector<16xi32>
      %broadcast_in_dim3A_1448 = vector.shape_cast %select_n3A_1447 : vector<16xi32> to vector<16x1xi32>
      %gather3A_1449 = vector.shape_cast %broadcast_in_dim3A_1448 : vector<16x1xi32> to vector<16xi32>
      %gather3A_1450 = tpu.dynamic_gather %select_n3A_1436[%gather3A_1449] in [0] : vector<16xf32>, vector<16xi32> -> vector<16xf32>
      %lt3A_1451 = arith.constant 0 : i32
      %lt3A_1452 = vector.broadcast %lt3A_1451 : i32 to vector<16xi32>
      %lt3A_1453 = arith.cmpi slt, %xor3A_1440, %lt3A_1452 : vector<16xi32>
      %add3A_1454 = arith.constant 16 : i32
      %add3A_1455 = vector.broadcast %add3A_1454 : i32 to vector<16xi32>
      %add3A_1456 = arith.addi %xor3A_1440, %add3A_1455 : vector<16xi32>
      %select_n3A_1457 = arith.select %lt3A_1453, %add3A_1456, %xor3A_1440 : vector<16xi1>, vector<16xi32>
      %broadcast_in_dim3A_1458 = vector.shape_cast %select_n3A_1457 : vector<16xi32> to vector<16x1xi32>
      %gather3A_1459 = vector.shape_cast %broadcast_in_dim3A_1458 : vector<16x1xi32> to vector<16xi32>
      %gather3A_1460 = tpu.dynamic_gather %select_n3A_1437[%gather3A_1459] in [0] : vector<16xi32>, vector<16xi32> -> vector<16xi32>
      %gt3A_1461 = arith.cmpf ogt, %gather3A_1450, %select_n3A_1436 : vector<16xf32>
      %eq3A_1462 = arith.cmpf oeq, %gather3A_1450, %select_n3A_1436 : vector<16xf32>
      %lt3A_1463 = arith.cmpi slt, %gather3A_1460, %select_n3A_1437 : vector<16xi32>
      %and3A_1464 = arith.andi %eq3A_1462, %lt3A_1463 : vector<16xi1>
      %or3A_1465 = arith.ori %gt3A_1461, %and3A_1464 : vector<16xi1>
      %select_n3A_1466 = arith.select %or3A_1465, %gather3A_1450, %select_n3A_1436 : vector<16xi1>, vector<16xf32>
      %select_n3A_1467 = arith.select %or3A_1465, %gather3A_1460, %select_n3A_1437 : vector<16xi1>, vector<16xi32>
      %mul3A_1468 = arith.constant 312 : i32
      %mul3A_1469 = arith.muli %arg1, %mul3A_1468 : i32
      %add3A_1470 = vector.broadcast %mul3A_1469 : i32 to vector<16xi32>
      %add3A_1471 = arith.addi %select_n3A_1467, %add3A_1470 : vector<16xi32>
      %convert_element_type3A_1472 = arith.sitofp %add3A_1471 : vector<16xi32> to vector<16xf32>
      %gather3A_1473 = tpu.vector_load_idx %arg16[%select_n3A_1467] : memref<320xf32, #tpu.memory_space<vmem>>[vector<16xi32>], vector<16xf32>,
      %gather3A_1474 = tpu.vector_load_idx %arg17[%select_n3A_1467] : memref<320xf32, #tpu.memory_space<vmem>>[vector<16xi32>], vector<16xf32>,
      %gather3A_1475 = tpu.vector_load_idx %arg18[%select_n3A_1467] : memref<320xf32, #tpu.memory_space<vmem>>[vector<16xi32>], vector<16xf32>,
      %gather3A_1476 = tpu.vector_load_idx %arg19[%select_n3A_1467] : memref<320xf32, #tpu.memory_space<vmem>>[vector<16xi32>], vector<16xf32>,
      %gather3A_1477 = tpu.vector_load_idx %arg15[%select_n3A_1467] : memref<320xi32, #tpu.memory_space<vmem>>[vector<16xi32>], vector<16xi32>,
      %convert_element_type3A_1478 = arith.sitofp %gather3A_1477 : vector<16xi32> to vector<16xf32>
      %eq3A_1479 = arith.constant 0 : i32
      %eq3A_1480 = vector.broadcast %eq3A_1479 : i32 to vector<16xi32>
      %eq3A_1481 = arith.cmpi eq, %iota3A, %eq3A_1480 : vector<16xi32>
      %eq3A_1482 = arith.constant 1 : i32
      %eq3A_1483 = vector.broadcast %eq3A_1482 : i32 to vector<16xi32>
      %eq3A_1484 = arith.cmpi eq, %iota3A, %eq3A_1483 : vector<16xi32>
      %eq3A_1485 = arith.constant 2 : i32
      %eq3A_1486 = vector.broadcast %eq3A_1485 : i32 to vector<16xi32>
      %eq3A_1487 = arith.cmpi eq, %iota3A, %eq3A_1486 : vector<16xi32>
      %eq3A_1488 = arith.constant 3 : i32
      %eq3A_1489 = vector.broadcast %eq3A_1488 : i32 to vector<16xi32>
      %eq3A_1490 = arith.cmpi eq, %iota3A, %eq3A_1489 : vector<16xi32>
      %eq3A_1491 = arith.constant 4 : i32
      %eq3A_1492 = vector.broadcast %eq3A_1491 : i32 to vector<16xi32>
      %eq3A_1493 = arith.cmpi eq, %iota3A, %eq3A_1492 : vector<16xi32>
      %eq3A_1494 = arith.constant 5 : i32
      %eq3A_1495 = vector.broadcast %eq3A_1494 : i32 to vector<16xi32>
      %eq3A_1496 = arith.cmpi eq, %iota3A, %eq3A_1495 : vector<16xi32>
      %eq3A_1497 = arith.constant 6 : i32
      %eq3A_1498 = vector.broadcast %eq3A_1497 : i32 to vector<16xi32>
      %eq3A_1499 = arith.cmpi eq, %iota3A, %eq3A_1498 : vector<16xi32>
      %jit3A_1500 = arith.constant 0.000000e+00 : f32
      %broadcast_in_dim3A_1501 = vector.broadcast %jit3A_1500 : f32 to vector<16xf32>
      %select_n3A_1502 = arith.select %eq3A_1499, %convert_element_type3A_1478, %broadcast_in_dim3A_1501 : vector<16xi1>, vector<16xf32>
      %select_n3A_1503 = arith.select %eq3A_1496, %gather3A_1476, %select_n3A_1502 : vector<16xi1>, vector<16xf32>
      %select_n3A_1504 = arith.select %eq3A_1493, %gather3A_1475, %select_n3A_1503 : vector<16xi1>, vector<16xf32>
      %select_n3A_1505 = arith.select %eq3A_1490, %gather3A_1474, %select_n3A_1504 : vector<16xi1>, vector<16xf32>
      %select_n3A_1506 = arith.select %eq3A_1487, %gather3A_1473, %select_n3A_1505 : vector<16xi1>, vector<16xf32>
      %select_n3A_1507 = arith.select %eq3A_1484, %convert_element_type3A_1472, %select_n3A_1506 : vector<16xi1>, vector<16xf32>
      %select_n3A_1508 = arith.select %eq3A_1481, %select_n3A_1466, %select_n3A_1507 : vector<16xi1>, vector<16xf32>
      %swap3A_1509 = arith.constant 0 : index
      %swap3A_1510 = tpu.vector_load %arg21[%swap3A_1509] {strides = array<i32>} : memref<16xf32, #tpu.memory_space<vmem>>, vector<16xf32>,
      tpu.vector_store %arg21[%swap3A_1509], %select_n3A_1508 {strides = array<i32>} : memref<16xf32, #tpu.memory_space<vmem>>, vector<16xf32>,
      %mul3A_1511 = arith.constant 8 : i32
      %mul3A_1512 = arith.muli %arg1, %mul3A_1511 : i32
      %add3A_1513 = arith.constant 128 : i32
      %add3A_1514 = arith.addi %add3A_1513, %mul3A_1512 : i32
      "tpu.region"() ({
        %run_scoped3A = tpu.sem_alloc : memref<!tpu.dma_semaphore, #tpu.memory_space<semaphore_mem>>
        %dma_start3A_1784 = arith.constant 0 : i32
        %dma_start3A_1785 = tpu.memref_slice %arg21[%dma_start3A_1784] : memref<16xf32, #tpu.memory_space<vmem>> -> memref<8xf32, #tpu.memory_space<vmem>>
        %dma_start3A_1786 = tpu.memref_slice %arg26[%add3A_1514] : memref<256xf32, #tpu.memory_space<vmem_shared>> -> memref<8xf32, #tpu.memory_space<vmem_shared>>
        %dma_start3A_1787 = tpu.memref_slice %arg26[%add3A_1514] : memref<256xf32, #tpu.memory_space<vmem_shared>> -> memref<8xf32, #tpu.memory_space<vmem_shared>>
        %dma_start3A_1788 = arith.constant 0 : i32
        %dma_start3A_1789 = tpu.memref_slice %arg21[%dma_start3A_1788] : memref<16xf32, #tpu.memory_space<vmem>> -> memref<8xf32, #tpu.memory_space<vmem>>
        tpu.enqueue_dma source(%dma_start3A_1789 : memref<8xf32, #tpu.memory_space<vmem>>) target(%dma_start3A_1787 : memref<8xf32, #tpu.memory_space<vmem_shared>>) target_semaphore(%run_scoped3A : memref<!tpu.dma_semaphore, #tpu.memory_space<semaphore_mem>>)
        %dma_wait3A_1790 = arith.constant 0 : i32
        %dma_wait3A_1791 = tpu.memref_slice %arg21[%dma_wait3A_1790] : memref<16xf32, #tpu.memory_space<vmem>> -> memref<8xf32, #tpu.memory_space<vmem>>
        %dma_wait3A_1792 = tpu.memref_slice %arg26[%add3A_1514] : memref<256xf32, #tpu.memory_space<vmem_shared>> -> memref<8xf32, #tpu.memory_space<vmem_shared>>
        %dma_wait3A_1793 = tpu.memref_slice %arg26[%add3A_1514] : memref<256xf32, #tpu.memory_space<vmem_shared>> -> memref<8xf32, #tpu.memory_space<vmem_shared>>
        %dma_wait3A_1794 = arith.constant 0 : i32
        %dma_wait3A_1795 = tpu.memref_slice %arg21[%dma_wait3A_1794] : memref<16xf32, #tpu.memory_space<vmem>> -> memref<8xf32, #tpu.memory_space<vmem>>
        tpu.wait_dma2 semaphore(%run_scoped3A : memref<!tpu.dma_semaphore, #tpu.memory_space<semaphore_mem>>) src(%dma_wait3A_1795 : memref<8xf32, #tpu.memory_space<vmem>>) dst(%dma_wait3A_1793 : memref<8xf32, #tpu.memory_space<vmem_shared>>)
        tpu.yield
      }) : () -> ()
      %barrier3A_1515 = arith.constant 0 : index
      tpu.barrier barrier_id(%barrier3A_1515)
      "tpu.region"() ({
        %run_scoped3A = tpu.sem_alloc : memref<!tpu.dma_semaphore, #tpu.memory_space<semaphore_mem>>
        %dma_start3A_1784 = arith.constant 128 : i32
        %dma_start3A_1785 = tpu.memref_slice %arg26[%dma_start3A_1784] : memref<256xf32, #tpu.memory_space<vmem_shared>> -> memref<128xf32, #tpu.memory_space<vmem_shared>>
        %dma_start3A_1786 = arith.constant 128 : i32
        %dma_start3A_1787 = tpu.memref_slice %arg26[%dma_start3A_1786] : memref<256xf32, #tpu.memory_space<vmem_shared>> -> memref<128xf32, #tpu.memory_space<vmem_shared>>
        tpu.enqueue_dma source(%dma_start3A_1787 : memref<128xf32, #tpu.memory_space<vmem_shared>>) target(%arg22 : memref<128xf32, #tpu.memory_space<vmem>>) target_semaphore(%run_scoped3A : memref<!tpu.dma_semaphore, #tpu.memory_space<semaphore_mem>>)
        %dma_wait3A_1788 = arith.constant 128 : i32
        %dma_wait3A_1789 = tpu.memref_slice %arg26[%dma_wait3A_1788] : memref<256xf32, #tpu.memory_space<vmem_shared>> -> memref<128xf32, #tpu.memory_space<vmem_shared>>
        %dma_wait3A_1790 = arith.constant 128 : i32
        %dma_wait3A_1791 = tpu.memref_slice %arg26[%dma_wait3A_1790] : memref<256xf32, #tpu.memory_space<vmem_shared>> -> memref<128xf32, #tpu.memory_space<vmem_shared>>
        tpu.wait_dma2 semaphore(%run_scoped3A : memref<!tpu.dma_semaphore, #tpu.memory_space<semaphore_mem>>) src(%dma_wait3A_1791 : memref<128xf32, #tpu.memory_space<vmem_shared>>) dst(%arg22 : memref<128xf32, #tpu.memory_space<vmem>>)
        tpu.yield
      }) : () -> ()
      %mul3A_1516 = arith.constant 8 : i32
      %mul3A_1517 = vector.broadcast %mul3A_1516 : i32 to vector<16xi32>
      %mul3A_1518 = arith.muli %iota3A, %mul3A_1517 : vector<16xi32>
      %add3A_1519 = arith.constant 0 : i32
      %add3A_1520 = vector.broadcast %add3A_1519 : i32 to vector<16xi32>
      %add3A_1521 = arith.addi %mul3A_1518, %add3A_1520 : vector<16xi32>
      %gather3A_1522 = tpu.vector_load_idx %arg22[%add3A_1521] : memref<128xf32, #tpu.memory_space<vmem>>[vector<16xi32>], vector<16xf32>,
      %mul3A_1523 = arith.constant 8 : i32
      %mul3A_1524 = vector.broadcast %mul3A_1523 : i32 to vector<16xi32>
      %mul3A_1525 = arith.muli %iota3A, %mul3A_1524 : vector<16xi32>
      %add3A_1526 = arith.constant 1 : i32
      %add3A_1527 = vector.broadcast %add3A_1526 : i32 to vector<16xi32>
      %add3A_1528 = arith.addi %mul3A_1525, %add3A_1527 : vector<16xi32>
      %gather3A_1529 = tpu.vector_load_idx %arg22[%add3A_1528] : memref<128xf32, #tpu.memory_space<vmem>>[vector<16xi32>], vector<16xf32>,
      %xor3A_1530 = arith.constant 1 : i32
      %xor3A_1531 = vector.broadcast %xor3A_1530 : i32 to vector<16xi32>
      %xor3A_1532 = arith.xori %iota3A, %xor3A_1531 : vector<16xi32>
      %lt3A_1533 = arith.constant 0 : i32
      %lt3A_1534 = vector.broadcast %lt3A_1533 : i32 to vector<16xi32>
      %lt3A_1535 = arith.cmpi slt, %xor3A_1532, %lt3A_1534 : vector<16xi32>
      %add3A_1536 = arith.constant 16 : i32
      %add3A_1537 = vector.broadcast %add3A_1536 : i32 to vector<16xi32>
      %add3A_1538 = arith.addi %xor3A_1532, %add3A_1537 : vector<16xi32>
      %select_n3A_1539 = arith.select %lt3A_1535, %add3A_1538, %xor3A_1532 : vector<16xi1>, vector<16xi32>
      %broadcast_in_dim3A_1540 = vector.shape_cast %select_n3A_1539 : vector<16xi32> to vector<16x1xi32>
      %gather3A_1541 = vector.shape_cast %broadcast_in_dim3A_1540 : vector<16x1xi32> to vector<16xi32>
      %gather3A_1542 = tpu.dynamic_gather %gather3A_1522[%gather3A_1541] in [0] : vector<16xf32>, vector<16xi32> -> vector<16xf32>
      %lt3A_1543 = arith.constant 0 : i32
      %lt3A_1544 = vector.broadcast %lt3A_1543 : i32 to vector<16xi32>
      %lt3A_1545 = arith.cmpi slt, %xor3A_1532, %lt3A_1544 : vector<16xi32>
      %add3A_1546 = arith.constant 16 : i32
      %add3A_1547 = vector.broadcast %add3A_1546 : i32 to vector<16xi32>
      %add3A_1548 = arith.addi %xor3A_1532, %add3A_1547 : vector<16xi32>
      %select_n3A_1549 = arith.select %lt3A_1545, %add3A_1548, %xor3A_1532 : vector<16xi1>, vector<16xi32>
      %broadcast_in_dim3A_1550 = vector.shape_cast %select_n3A_1549 : vector<16xi32> to vector<16x1xi32>
      %gather3A_1551 = vector.shape_cast %broadcast_in_dim3A_1550 : vector<16x1xi32> to vector<16xi32>
      %gather3A_1552 = tpu.dynamic_gather %gather3A_1529[%gather3A_1551] in [0] : vector<16xf32>, vector<16xi32> -> vector<16xf32>
      %gt3A_1553 = arith.cmpf ogt, %gather3A_1542, %gather3A_1522 : vector<16xf32>
      %eq3A_1554 = arith.cmpf oeq, %gather3A_1542, %gather3A_1522 : vector<16xf32>
      %lt3A_1555 = arith.cmpf olt, %gather3A_1552, %gather3A_1529 : vector<16xf32>
      %and3A_1556 = arith.andi %eq3A_1554, %lt3A_1555 : vector<16xi1>
      %or3A_1557 = arith.ori %gt3A_1553, %and3A_1556 : vector<16xi1>
      %select_n3A_1558 = arith.select %or3A_1557, %gather3A_1542, %gather3A_1522 : vector<16xi1>, vector<16xf32>
      %select_n3A_1559 = arith.select %or3A_1557, %gather3A_1552, %gather3A_1529 : vector<16xi1>, vector<16xf32>
      %lt3A_1560 = arith.constant 0 : i32
      %lt3A_1561 = vector.broadcast %lt3A_1560 : i32 to vector<16xi32>
      %lt3A_1562 = arith.cmpi slt, %xor3A_1532, %lt3A_1561 : vector<16xi32>
      %add3A_1563 = arith.constant 16 : i32
      %add3A_1564 = vector.broadcast %add3A_1563 : i32 to vector<16xi32>
      %add3A_1565 = arith.addi %xor3A_1532, %add3A_1564 : vector<16xi32>
      %select_n3A_1566 = arith.select %lt3A_1562, %add3A_1565, %xor3A_1532 : vector<16xi1>, vector<16xi32>
      %broadcast_in_dim3A_1567 = vector.shape_cast %select_n3A_1566 : vector<16xi32> to vector<16x1xi32>
      %gather3A_1568 = vector.shape_cast %broadcast_in_dim3A_1567 : vector<16x1xi32> to vector<16xi32>
      %gather3A_1569 = tpu.dynamic_gather %iota3A[%gather3A_1568] in [0] : vector<16xi32>, vector<16xi32> -> vector<16xi32>
      %select_n3A_1570 = arith.select %or3A_1557, %gather3A_1569, %iota3A : vector<16xi1>, vector<16xi32>
      %xor3A_1571 = arith.constant 2 : i32
      %xor3A_1572 = vector.broadcast %xor3A_1571 : i32 to vector<16xi32>
      %xor3A_1573 = arith.xori %iota3A, %xor3A_1572 : vector<16xi32>
      %lt3A_1574 = arith.constant 0 : i32
      %lt3A_1575 = vector.broadcast %lt3A_1574 : i32 to vector<16xi32>
      %lt3A_1576 = arith.cmpi slt, %xor3A_1573, %lt3A_1575 : vector<16xi32>
      %add3A_1577 = arith.constant 16 : i32
      %add3A_1578 = vector.broadcast %add3A_1577 : i32 to vector<16xi32>
      %add3A_1579 = arith.addi %xor3A_1573, %add3A_1578 : vector<16xi32>
      %select_n3A_1580 = arith.select %lt3A_1576, %add3A_1579, %xor3A_1573 : vector<16xi1>, vector<16xi32>
      %broadcast_in_dim3A_1581 = vector.shape_cast %select_n3A_1580 : vector<16xi32> to vector<16x1xi32>
      %gather3A_1582 = vector.shape_cast %broadcast_in_dim3A_1581 : vector<16x1xi32> to vector<16xi32>
      %gather3A_1583 = tpu.dynamic_gather %select_n3A_1558[%gather3A_1582] in [0] : vector<16xf32>, vector<16xi32> -> vector<16xf32>
      %lt3A_1584 = arith.constant 0 : i32
      %lt3A_1585 = vector.broadcast %lt3A_1584 : i32 to vector<16xi32>
      %lt3A_1586 = arith.cmpi slt, %xor3A_1573, %lt3A_1585 : vector<16xi32>
      %add3A_1587 = arith.constant 16 : i32
      %add3A_1588 = vector.broadcast %add3A_1587 : i32 to vector<16xi32>
      %add3A_1589 = arith.addi %xor3A_1573, %add3A_1588 : vector<16xi32>
      %select_n3A_1590 = arith.select %lt3A_1586, %add3A_1589, %xor3A_1573 : vector<16xi1>, vector<16xi32>
      %broadcast_in_dim3A_1591 = vector.shape_cast %select_n3A_1590 : vector<16xi32> to vector<16x1xi32>
      %gather3A_1592 = vector.shape_cast %broadcast_in_dim3A_1591 : vector<16x1xi32> to vector<16xi32>
      %gather3A_1593 = tpu.dynamic_gather %select_n3A_1559[%gather3A_1592] in [0] : vector<16xf32>, vector<16xi32> -> vector<16xf32>
      %gt3A_1594 = arith.cmpf ogt, %gather3A_1583, %select_n3A_1558 : vector<16xf32>
      %eq3A_1595 = arith.cmpf oeq, %gather3A_1583, %select_n3A_1558 : vector<16xf32>
      %lt3A_1596 = arith.cmpf olt, %gather3A_1593, %select_n3A_1559 : vector<16xf32>
      %and3A_1597 = arith.andi %eq3A_1595, %lt3A_1596 : vector<16xi1>
      %or3A_1598 = arith.ori %gt3A_1594, %and3A_1597 : vector<16xi1>
      %select_n3A_1599 = arith.select %or3A_1598, %gather3A_1583, %select_n3A_1558 : vector<16xi1>, vector<16xf32>
      %select_n3A_1600 = arith.select %or3A_1598, %gather3A_1593, %select_n3A_1559 : vector<16xi1>, vector<16xf32>
      %lt3A_1601 = arith.constant 0 : i32
      %lt3A_1602 = vector.broadcast %lt3A_1601 : i32 to vector<16xi32>
      %lt3A_1603 = arith.cmpi slt, %xor3A_1573, %lt3A_1602 : vector<16xi32>
      %add3A_1604 = arith.constant 16 : i32
      %add3A_1605 = vector.broadcast %add3A_1604 : i32 to vector<16xi32>
      %add3A_1606 = arith.addi %xor3A_1573, %add3A_1605 : vector<16xi32>
      %select_n3A_1607 = arith.select %lt3A_1603, %add3A_1606, %xor3A_1573 : vector<16xi1>, vector<16xi32>
      %broadcast_in_dim3A_1608 = vector.shape_cast %select_n3A_1607 : vector<16xi32> to vector<16x1xi32>
      %gather3A_1609 = vector.shape_cast %broadcast_in_dim3A_1608 : vector<16x1xi32> to vector<16xi32>
      %gather3A_1610 = tpu.dynamic_gather %select_n3A_1570[%gather3A_1609] in [0] : vector<16xi32>, vector<16xi32> -> vector<16xi32>
      %select_n3A_1611 = arith.select %or3A_1598, %gather3A_1610, %select_n3A_1570 : vector<16xi1>, vector<16xi32>
      %xor3A_1612 = arith.constant 4 : i32
      %xor3A_1613 = vector.broadcast %xor3A_1612 : i32 to vector<16xi32>
      %xor3A_1614 = arith.xori %iota3A, %xor3A_1613 : vector<16xi32>
      %lt3A_1615 = arith.constant 0 : i32
      %lt3A_1616 = vector.broadcast %lt3A_1615 : i32 to vector<16xi32>
      %lt3A_1617 = arith.cmpi slt, %xor3A_1614, %lt3A_1616 : vector<16xi32>
      %add3A_1618 = arith.constant 16 : i32
      %add3A_1619 = vector.broadcast %add3A_1618 : i32 to vector<16xi32>
      %add3A_1620 = arith.addi %xor3A_1614, %add3A_1619 : vector<16xi32>
      %select_n3A_1621 = arith.select %lt3A_1617, %add3A_1620, %xor3A_1614 : vector<16xi1>, vector<16xi32>
      %broadcast_in_dim3A_1622 = vector.shape_cast %select_n3A_1621 : vector<16xi32> to vector<16x1xi32>
      %gather3A_1623 = vector.shape_cast %broadcast_in_dim3A_1622 : vector<16x1xi32> to vector<16xi32>
      %gather3A_1624 = tpu.dynamic_gather %select_n3A_1599[%gather3A_1623] in [0] : vector<16xf32>, vector<16xi32> -> vector<16xf32>
      %lt3A_1625 = arith.constant 0 : i32
      %lt3A_1626 = vector.broadcast %lt3A_1625 : i32 to vector<16xi32>
      %lt3A_1627 = arith.cmpi slt, %xor3A_1614, %lt3A_1626 : vector<16xi32>
      %add3A_1628 = arith.constant 16 : i32
      %add3A_1629 = vector.broadcast %add3A_1628 : i32 to vector<16xi32>
      %add3A_1630 = arith.addi %xor3A_1614, %add3A_1629 : vector<16xi32>
      %select_n3A_1631 = arith.select %lt3A_1627, %add3A_1630, %xor3A_1614 : vector<16xi1>, vector<16xi32>
      %broadcast_in_dim3A_1632 = vector.shape_cast %select_n3A_1631 : vector<16xi32> to vector<16x1xi32>
      %gather3A_1633 = vector.shape_cast %broadcast_in_dim3A_1632 : vector<16x1xi32> to vector<16xi32>
      %gather3A_1634 = tpu.dynamic_gather %select_n3A_1600[%gather3A_1633] in [0] : vector<16xf32>, vector<16xi32> -> vector<16xf32>
      %gt3A_1635 = arith.cmpf ogt, %gather3A_1624, %select_n3A_1599 : vector<16xf32>
      %eq3A_1636 = arith.cmpf oeq, %gather3A_1624, %select_n3A_1599 : vector<16xf32>
      %lt3A_1637 = arith.cmpf olt, %gather3A_1634, %select_n3A_1600 : vector<16xf32>
      %and3A_1638 = arith.andi %eq3A_1636, %lt3A_1637 : vector<16xi1>
      %or3A_1639 = arith.ori %gt3A_1635, %and3A_1638 : vector<16xi1>
      %select_n3A_1640 = arith.select %or3A_1639, %gather3A_1624, %select_n3A_1599 : vector<16xi1>, vector<16xf32>
      %select_n3A_1641 = arith.select %or3A_1639, %gather3A_1634, %select_n3A_1600 : vector<16xi1>, vector<16xf32>
      %lt3A_1642 = arith.constant 0 : i32
      %lt3A_1643 = vector.broadcast %lt3A_1642 : i32 to vector<16xi32>
      %lt3A_1644 = arith.cmpi slt, %xor3A_1614, %lt3A_1643 : vector<16xi32>
      %add3A_1645 = arith.constant 16 : i32
      %add3A_1646 = vector.broadcast %add3A_1645 : i32 to vector<16xi32>
      %add3A_1647 = arith.addi %xor3A_1614, %add3A_1646 : vector<16xi32>
      %select_n3A_1648 = arith.select %lt3A_1644, %add3A_1647, %xor3A_1614 : vector<16xi1>, vector<16xi32>
      %broadcast_in_dim3A_1649 = vector.shape_cast %select_n3A_1648 : vector<16xi32> to vector<16x1xi32>
      %gather3A_1650 = vector.shape_cast %broadcast_in_dim3A_1649 : vector<16x1xi32> to vector<16xi32>
      %gather3A_1651 = tpu.dynamic_gather %select_n3A_1611[%gather3A_1650] in [0] : vector<16xi32>, vector<16xi32> -> vector<16xi32>
      %select_n3A_1652 = arith.select %or3A_1639, %gather3A_1651, %select_n3A_1611 : vector<16xi1>, vector<16xi32>
      %xor3A_1653 = arith.constant 8 : i32
      %xor3A_1654 = vector.broadcast %xor3A_1653 : i32 to vector<16xi32>
      %xor3A_1655 = arith.xori %iota3A, %xor3A_1654 : vector<16xi32>
      %lt3A_1656 = arith.constant 0 : i32
      %lt3A_1657 = vector.broadcast %lt3A_1656 : i32 to vector<16xi32>
      %lt3A_1658 = arith.cmpi slt, %xor3A_1655, %lt3A_1657 : vector<16xi32>
      %add3A_1659 = arith.constant 16 : i32
      %add3A_1660 = vector.broadcast %add3A_1659 : i32 to vector<16xi32>
      %add3A_1661 = arith.addi %xor3A_1655, %add3A_1660 : vector<16xi32>
      %select_n3A_1662 = arith.select %lt3A_1658, %add3A_1661, %xor3A_1655 : vector<16xi1>, vector<16xi32>
      %broadcast_in_dim3A_1663 = vector.shape_cast %select_n3A_1662 : vector<16xi32> to vector<16x1xi32>
      %gather3A_1664 = vector.shape_cast %broadcast_in_dim3A_1663 : vector<16x1xi32> to vector<16xi32>
      %gather3A_1665 = tpu.dynamic_gather %select_n3A_1640[%gather3A_1664] in [0] : vector<16xf32>, vector<16xi32> -> vector<16xf32>
      %lt3A_1666 = arith.constant 0 : i32
      %lt3A_1667 = vector.broadcast %lt3A_1666 : i32 to vector<16xi32>
      %lt3A_1668 = arith.cmpi slt, %xor3A_1655, %lt3A_1667 : vector<16xi32>
      %add3A_1669 = arith.constant 16 : i32
      %add3A_1670 = vector.broadcast %add3A_1669 : i32 to vector<16xi32>
      %add3A_1671 = arith.addi %xor3A_1655, %add3A_1670 : vector<16xi32>
      %select_n3A_1672 = arith.select %lt3A_1668, %add3A_1671, %xor3A_1655 : vector<16xi1>, vector<16xi32>
      %broadcast_in_dim3A_1673 = vector.shape_cast %select_n3A_1672 : vector<16xi32> to vector<16x1xi32>
      %gather3A_1674 = vector.shape_cast %broadcast_in_dim3A_1673 : vector<16x1xi32> to vector<16xi32>
      %gather3A_1675 = tpu.dynamic_gather %select_n3A_1641[%gather3A_1674] in [0] : vector<16xf32>, vector<16xi32> -> vector<16xf32>
      %gt3A_1676 = arith.cmpf ogt, %gather3A_1665, %select_n3A_1640 : vector<16xf32>
      %eq3A_1677 = arith.cmpf oeq, %gather3A_1665, %select_n3A_1640 : vector<16xf32>
      %lt3A_1678 = arith.cmpf olt, %gather3A_1675, %select_n3A_1641 : vector<16xf32>
      %and3A_1679 = arith.andi %eq3A_1677, %lt3A_1678 : vector<16xi1>
      %or3A_1680 = arith.ori %gt3A_1676, %and3A_1679 : vector<16xi1>
      %select_n3A_1681 = arith.select %or3A_1680, %gather3A_1665, %select_n3A_1640 : vector<16xi1>, vector<16xf32>
      %select_n3A_1682 = arith.select %or3A_1680, %gather3A_1675, %select_n3A_1641 : vector<16xi1>, vector<16xf32>
      %lt3A_1683 = arith.constant 0 : i32
      %lt3A_1684 = vector.broadcast %lt3A_1683 : i32 to vector<16xi32>
      %lt3A_1685 = arith.cmpi slt, %xor3A_1655, %lt3A_1684 : vector<16xi32>
      %add3A_1686 = arith.constant 16 : i32
      %add3A_1687 = vector.broadcast %add3A_1686 : i32 to vector<16xi32>
      %add3A_1688 = arith.addi %xor3A_1655, %add3A_1687 : vector<16xi32>
      %select_n3A_1689 = arith.select %lt3A_1685, %add3A_1688, %xor3A_1655 : vector<16xi1>, vector<16xi32>
      %broadcast_in_dim3A_1690 = vector.shape_cast %select_n3A_1689 : vector<16xi32> to vector<16x1xi32>
      %gather3A_1691 = vector.shape_cast %broadcast_in_dim3A_1690 : vector<16x1xi32> to vector<16xi32>
      %gather3A_1692 = tpu.dynamic_gather %select_n3A_1652[%gather3A_1691] in [0] : vector<16xi32>, vector<16xi32> -> vector<16xi32>
      %select_n3A_1693 = arith.select %or3A_1680, %gather3A_1692, %select_n3A_1652 : vector<16xi1>, vector<16xi32>
      %mul3A_1694 = arith.constant 8 : i32
      %mul3A_1695 = vector.broadcast %mul3A_1694 : i32 to vector<16xi32>
      %mul3A_1696 = arith.muli %select_n3A_1693, %mul3A_1695 : vector<16xi32>
      %add3A_1697 = arith.constant 2 : i32
      %add3A_1698 = vector.broadcast %add3A_1697 : i32 to vector<16xi32>
      %add3A_1699 = arith.addi %mul3A_1696, %add3A_1698 : vector<16xi32>
      %gather3A_1700 = tpu.vector_load_idx %arg22[%add3A_1699] : memref<128xf32, #tpu.memory_space<vmem>>[vector<16xi32>], vector<16xf32>,
      %add3A_1701 = arith.constant 3 : i32
      %add3A_1702 = vector.broadcast %add3A_1701 : i32 to vector<16xi32>
      %add3A_1703 = arith.addi %mul3A_1696, %add3A_1702 : vector<16xi32>
      %gather3A_1704 = tpu.vector_load_idx %arg22[%add3A_1703] : memref<128xf32, #tpu.memory_space<vmem>>[vector<16xi32>], vector<16xf32>,
      %add3A_1705 = arith.constant 4 : i32
      %add3A_1706 = vector.broadcast %add3A_1705 : i32 to vector<16xi32>
      %add3A_1707 = arith.addi %mul3A_1696, %add3A_1706 : vector<16xi32>
      %gather3A_1708 = tpu.vector_load_idx %arg22[%add3A_1707] : memref<128xf32, #tpu.memory_space<vmem>>[vector<16xi32>], vector<16xf32>,
      %add3A_1709 = arith.constant 5 : i32
      %add3A_1710 = vector.broadcast %add3A_1709 : i32 to vector<16xi32>
      %add3A_1711 = arith.addi %mul3A_1696, %add3A_1710 : vector<16xi32>
      %gather3A_1712 = tpu.vector_load_idx %arg22[%add3A_1711] : memref<128xf32, #tpu.memory_space<vmem>>[vector<16xi32>], vector<16xf32>,
      %add3A_1713 = arith.constant 6 : i32
      %add3A_1714 = vector.broadcast %add3A_1713 : i32 to vector<16xi32>
      %add3A_1715 = arith.addi %mul3A_1696, %add3A_1714 : vector<16xi32>
      %gather3A_1716 = tpu.vector_load_idx %arg22[%add3A_1715] : memref<128xf32, #tpu.memory_space<vmem>>[vector<16xi32>], vector<16xf32>,
      %sub3A_1717 = arith.subf %gather3A_1708, %gather3A_1700 : vector<16xf32>
      %sub3A_1718 = arith.subf %gather3A_1712, %gather3A_1704 : vector<16xf32>
      %mul3A_1719 = arith.mulf %sub3A_1717, %sub3A_1718 : vector<16xf32>
      %convert_element_type3A_1720 = arith.fptosi %gather3A_1716 : vector<16xf32> to vector<16xi32>
      %mul3A_1721 = arith.constant 2.049000e+03 : f32
      %mul3A_1722 = vector.broadcast %mul3A_1721 : f32 to vector<16xf32>
      %mul3A_1723 = arith.mulf %gather3A_1716, %mul3A_1722 : vector<16xf32>
      %sub3A_1724 = arith.subf %gather3A_1700, %mul3A_1723 : vector<16xf32>
      %sub3A_1725 = arith.subf %gather3A_1704, %mul3A_1723 : vector<16xf32>
      %sub3A_1726 = arith.subf %gather3A_1708, %mul3A_1723 : vector<16xf32>
      %sub3A_1727 = arith.subf %gather3A_1712, %mul3A_1723 : vector<16xf32>
      %convert_element_type3A_1728 = arith.fptosi %sub3A_1727 : vector<16xf32> to vector<16xi32>
      %convert_element_type3A_1729 = arith.fptosi %sub3A_1725 : vector<16xf32> to vector<16xi32>
      %sub3A_1730 = arith.subi %convert_element_type3A_1728, %convert_element_type3A_1729 : vector<16xi32>
      %lt3A_1731 = arith.constant 1 : i32
      %lt3A_1732 = vector.broadcast %lt3A_1731 : i32 to vector<16xi32>
      %lt3A_1733 = arith.cmpi slt, %sub3A_1730, %lt3A_1732 : vector<16xi32>
      %convert_element_type3A_1734 = arith.fptosi %sub3A_1726 : vector<16xf32> to vector<16xi32>
      %convert_element_type3A_1735 = arith.fptosi %sub3A_1724 : vector<16xf32> to vector<16xi32>
      %sub3A_1736 = arith.subi %convert_element_type3A_1734, %convert_element_type3A_1735 : vector<16xi32>
      %lt3A_1737 = arith.constant 1 : i32
      %lt3A_1738 = vector.broadcast %lt3A_1737 : i32 to vector<16xi32>
      %lt3A_1739 = arith.cmpi slt, %sub3A_1736, %lt3A_1738 : vector<16xi32>
      %or3A_1740 = arith.ori %lt3A_1733, %lt3A_1739 : vector<16xi1>
      %lt3A_1741 = arith.constant 0.000000e+00 : f32
      %lt3A_1742 = vector.broadcast %lt3A_1741 : f32 to vector<16xf32>
      %lt3A_1743 = arith.cmpf olt, %select_n3A_1681, %lt3A_1742 : vector<16xf32>
      %or3A_1744 = arith.ori %or3A_1740, %lt3A_1743 : vector<16xi1>
      %eq3A_1745 = arith.constant 0 : i32
      %eq3A_1746 = vector.broadcast %eq3A_1745 : i32 to vector<16xi32>
      %eq3A_1747 = arith.cmpi eq, %and3A_32, %eq3A_1746 : vector<16xi32>
      %eq3A_1748 = arith.constant 1 : i32
      %eq3A_1749 = vector.broadcast %eq3A_1748 : i32 to vector<16xi32>
      %eq3A_1750 = arith.cmpi eq, %and3A_32, %eq3A_1749 : vector<16xi32>
      %eq3A_1751 = arith.constant 2 : i32
      %eq3A_1752 = vector.broadcast %eq3A_1751 : i32 to vector<16xi32>
      %eq3A_1753 = arith.cmpi eq, %and3A_32, %eq3A_1752 : vector<16xi32>
      %select_n3A_1754 = arith.select %eq3A_1753, %sub3A_1726, %sub3A_1727 : vector<16xi1>, vector<16xf32>
      %select_n3A_1755 = arith.select %eq3A_1750, %sub3A_1725, %select_n3A_1754 : vector<16xi1>, vector<16xf32>
      %select_n3A_1756 = arith.select %eq3A_1747, %sub3A_1724, %select_n3A_1755 : vector<16xi1>, vector<16xf32>
      %select_n3A_1757 = arith.select %or3A_1744, %select_n3A_45, %select_n3A_1756 : vector<16xi1>, vector<16xf32>
      %eq3A_1758 = arith.constant 3 : i32
      %eq3A_1759 = vector.broadcast %eq3A_1758 : i32 to vector<16xi32>
      %eq3A_1760 = arith.cmpi eq, %shift_right_logical3A_34, %eq3A_1759 : vector<16xi32>
      %select_n3A_1761 = arith.select %eq3A_1760, %select_n3A_1757, %select_n3A_1326 : vector<16xi1>, vector<16xf32>
      %eq3A_1762 = arith.constant 3 : i32
      %eq3A_1763 = vector.broadcast %eq3A_1762 : i32 to vector<16xi32>
      %eq3A_1764 = arith.cmpi eq, %iota3A, %eq3A_1763 : vector<16xi32>
      %lt3A_1765 = arith.constant 0.000000e+00 : f32
      %lt3A_1766 = vector.broadcast %lt3A_1765 : f32 to vector<16xf32>
      %lt3A_1767 = arith.cmpf olt, %select_n3A_1681, %lt3A_1766 : vector<16xf32>
      %jit3A_1768 = arith.constant 0.000000e+00 : f32
      %broadcast_in_dim3A_1769 = vector.broadcast %jit3A_1768 : f32 to vector<16xf32>
      %select_n3A_1770 = arith.select %lt3A_1767, %broadcast_in_dim3A_1769, %select_n3A_1681 : vector<16xi1>, vector<16xf32>
      %select_n3A_1771 = arith.select %eq3A_1764, %select_n3A_1770, %select_n3A_1336 : vector<16xi1>, vector<16xf32>
      %eq3A_1772 = arith.constant 3 : i32
      %eq3A_1773 = vector.broadcast %eq3A_1772 : i32 to vector<16xi32>
      %eq3A_1774 = arith.cmpi eq, %iota3A, %eq3A_1773 : vector<16xi32>
      %jit3A_1775 = arith.constant 0 : i32
      %broadcast_in_dim3A_1776 = vector.broadcast %jit3A_1775 : i32 to vector<16xi32>
      %select_n3A_1777 = arith.select %or3A_1744, %broadcast_in_dim3A_1776, %convert_element_type3A_1720 : vector<16xi1>, vector<16xi32>
      %select_n3A_1778 = arith.select %eq3A_1774, %select_n3A_1777, %select_n3A_1343 : vector<16xi1>, vector<16xi32>
      %eq3A_1779 = arith.constant 0 : i32
      %eq3A_1780 = arith.cmpi eq, %arg1, %eq3A_1779 : i32
      %convert_element_type3A_1781 = arith.extui %eq3A_1780 : i1 to i32
      %cond3A_1782 = arith.constant 0 : i32
      %cond3A_1783 = arith.cmpi ne, %convert_element_type3A_1781, %cond3A_1782 : i32
      scf.if %cond3A_1783 {
        %swap3A_1784 = arith.constant 0 : index
        %swap3A_1785 = tpu.vector_load %arg23[%swap3A_1784] {strides = array<i32>} : memref<16xf32, #tpu.memory_space<vmem>>, vector<16xf32>,
        tpu.vector_store %arg23[%swap3A_1784], %select_n3A_1761 {strides = array<i32>} : memref<16xf32, #tpu.memory_space<vmem>>, vector<16xf32>,
        %swap3A_1786 = arith.constant 0 : index
        %swap3A_1787 = tpu.vector_load %arg24[%swap3A_1786] {strides = array<i32>} : memref<16xf32, #tpu.memory_space<vmem>>, vector<16xf32>,
        tpu.vector_store %arg24[%swap3A_1786], %select_n3A_1771 {strides = array<i32>} : memref<16xf32, #tpu.memory_space<vmem>>, vector<16xf32>,
        %swap3A_1788 = arith.constant 0 : index
        %swap3A_1789 = tpu.vector_load %arg25[%swap3A_1788] {strides = array<i32>} : memref<16xi32, #tpu.memory_space<vmem>>, vector<16xi32>,
        tpu.vector_store %arg25[%swap3A_1788], %select_n3A_1778 {strides = array<i32>} : memref<16xi32, #tpu.memory_space<vmem>>, vector<16xi32>,
        tpu.enqueue_dma source(%arg23 : memref<16xf32, #tpu.memory_space<vmem>>) target(%arg8 : memref<16xf32, #tpu.memory_space<hbm>>) target_semaphore(%arg27 : memref<!tpu.dma_semaphore, #tpu.memory_space<semaphore_mem>>)
        %dma_start3A_1790 = arith.constant 0 : i32
        %dma_start3A_1791 = tpu.memref_slice %arg24[%dma_start3A_1790] : memref<16xf32, #tpu.memory_space<vmem>> -> memref<4xf32, #tpu.memory_space<vmem>>
        %dma_start3A_1792 = arith.constant 0 : i32
        %dma_start3A_1793 = tpu.memref_slice %arg24[%dma_start3A_1792] : memref<16xf32, #tpu.memory_space<vmem>> -> memref<4xf32, #tpu.memory_space<vmem>>
        tpu.enqueue_dma source(%dma_start3A_1793 : memref<4xf32, #tpu.memory_space<vmem>>) target(%arg9 : memref<4xf32, #tpu.memory_space<hbm>>) target_semaphore(%arg27 : memref<!tpu.dma_semaphore, #tpu.memory_space<semaphore_mem>>)
        %dma_start3A_1794 = arith.constant 0 : i32
        %dma_start3A_1795 = tpu.memref_slice %arg25[%dma_start3A_1794] : memref<16xi32, #tpu.memory_space<vmem>> -> memref<4xi32, #tpu.memory_space<vmem>>
        %dma_start3A_1796 = arith.constant 0 : i32
        %dma_start3A_1797 = tpu.memref_slice %arg25[%dma_start3A_1796] : memref<16xi32, #tpu.memory_space<vmem>> -> memref<4xi32, #tpu.memory_space<vmem>>
        tpu.enqueue_dma source(%dma_start3A_1797 : memref<4xi32, #tpu.memory_space<vmem>>) target(%arg10 : memref<4xi32, #tpu.memory_space<hbm>>) target_semaphore(%arg27 : memref<!tpu.dma_semaphore, #tpu.memory_space<semaphore_mem>>)
        tpu.wait_dma2 semaphore(%arg27 : memref<!tpu.dma_semaphore, #tpu.memory_space<semaphore_mem>>) src(%arg23 : memref<16xf32, #tpu.memory_space<vmem>>) dst(%arg8 : memref<16xf32, #tpu.memory_space<hbm>>)
        %dma_wait3A_1798 = arith.constant 0 : i32
        %dma_wait3A_1799 = tpu.memref_slice %arg24[%dma_wait3A_1798] : memref<16xf32, #tpu.memory_space<vmem>> -> memref<4xf32, #tpu.memory_space<vmem>>
        %dma_wait3A_1800 = arith.constant 0 : i32
        %dma_wait3A_1801 = tpu.memref_slice %arg24[%dma_wait3A_1800] : memref<16xf32, #tpu.memory_space<vmem>> -> memref<4xf32, #tpu.memory_space<vmem>>
        tpu.wait_dma2 semaphore(%arg27 : memref<!tpu.dma_semaphore, #tpu.memory_space<semaphore_mem>>) src(%dma_wait3A_1801 : memref<4xf32, #tpu.memory_space<vmem>>) dst(%arg9 : memref<4xf32, #tpu.memory_space<hbm>>)
        %dma_wait3A_1802 = arith.constant 0 : i32
        %dma_wait3A_1803 = tpu.memref_slice %arg25[%dma_wait3A_1802] : memref<16xi32, #tpu.memory_space<vmem>> -> memref<4xi32, #tpu.memory_space<vmem>>
        %dma_wait3A_1804 = arith.constant 0 : i32
        %dma_wait3A_1805 = tpu.memref_slice %arg25[%dma_wait3A_1804] : memref<16xi32, #tpu.memory_space<vmem>> -> memref<4xi32, #tpu.memory_space<vmem>>
        tpu.wait_dma2 semaphore(%arg27 : memref<!tpu.dma_semaphore, #tpu.memory_space<semaphore_mem>>) src(%dma_wait3A_1805 : memref<4xi32, #tpu.memory_space<vmem>>) dst(%arg10 : memref<4xi32, #tpu.memory_space<hbm>>)
      } else {
      }
    } else {
    }
    return
  }
}

</mosaic_0001>

<sc_bundles>
// kernel: kernel.3.cloned.1.call-start
scs
__scs_entry_jumppad:
0x0: {  	(pc) =	sbr.rel $0x88, $3  }
0x1: {  	(tag) =	ssettag $0x0;
	lr =	simm.s32 $0x1  }
0x2: {  	[smem:$0x3F9E] =	sst lr;
	_ =	strace $0xD0000000  }
0x3: {  	_ = 	snop  }
0x4: {  	_ = 	snop  }
0x5: {  	_ = 	snop  }
0x6: {  	_ = 	snop  }
0x7: {  	_ = 	snop  }
__scs_overlays_trampoline_lowered:
0x8: {  	[smem:$0x3FAD] =	sst s0  }
0x9: {  	[smem:$0x3FAE] =	sst s1  }
0xa: {  	[smem:$0x3FAF] =	sst s2  }
0xb: {  	[smem:$0x3FB0] =	sst s3  }
0xc: {  	[smem:$0x3FB1] =	sst s4  }
0xd: {  	[smem:$0x3FB2] =	sst s5  }
0xe: {  	[smem:$0x3FB3] =	sst s6  }
0xf: {  	[smem:$0x3FB4] =	sst s7  }
0x10: {  	[smem:$0x3FB5] =	sst s8  }
0x11: {  	[smem:$0x3FB6] =	sst s9;
	s0 =	simm.s32 @!p0 $0x0  }
0x12: {  	s1 =	sld [smem:$0x3F9C];
	s0 =	simm.s32 @p0 $0x1  }
0x13: {  	[smem:$0x3FB7] =	sst s0;
	s0 =	simm.s32 @!p1 $0x0  }
0x14: {  	s2 =	sld [smem:$0x3F9B];
	s0 =	simm.s32 @p1 $0x1  }
0x15: {  	[smem:$0x3FB8] =	sst s0;
	s0 =	simm.s32 @!p2 $0x0  }
0x16: {  	s3 =	sld [smem:$0x3FDB];
	s0 =	simm.s32 @p2 $0x1  }
0x17: {  	s4 =	simm.s32 $0x1BF5;
	[smem:$0x3FBA] =	sst s0  }
0x18: {  	s0 =	sld [smem:$0x3F9D];
	_ =	swait.ge [sflag:s4], $0x0  }
0x19: {  	s7 =	sld [smem:$0x3F9E]  }
0x1a: {  	s8 =	sadd.s32 $0xFFFFE003, lr  }
0x1b: {  	s9 =	sadd.s32 $0xFFFFFEF7, lr;
	s5 =	simm.s32 $0xFFFFFFFF;
	p2 =	slt.u32 s8, $0xFFFFF086  }
0x1c: {  	p1 =	slt.u32 s9, $0xF7A;
	s5 =	simm.s32 @!p2 $0x0  }
0x1d: {  	s5 =	simm.s32 @p1 $0x1;
	p0 =	seq.s32 s7, s2  }
0x1e: {  	s7 =	smul.u32 @!p0 $0xF7A, s2;
	p2 =	seq.s32 @!p0 s5, $0x0  }
0x1f: {  	s9 =	smul.u32 $0xF7A, s1;
	s8 =	simm.s32 @!p0 $0x1BF5;
	p2 =	por !p2, p0  }
0x20: {  	[sflag:s8] =	ssyncset.s32 @!p0 $0xFFFFF086;
	s6 =	sadd.s32 @!p0 s3, s7;
	s7 =	simm.s32 @!p0 $0x108  }
0x21: {  	s3 =	sadd.s32 s3, s9;
	s6 =	sadd.s32 @!p0 $0x88, s6;
	s7 =	simm.s32 @p2 $0x1082  }
0x22: {  	[simem:s7], [sflag:s8] =	dma.local @!p0 [hbm:s6], $0xF7A  }
0x23: {  	s9 =	sor.u32 $0xD0000000, s2;
	s6 =	simm.s32 $0x108;
	_ =	swait.ge @!p0 [sflag:s8], $0x0  }
0x24: {  	s3 =	sadd.s32 $0x88, s3;
	s6 =	simm.s32 @!p1 $0x1082;
	[sflag:s4] =	ssyncset.s32 $0xFFFFF086  }
0x25: {  	[simem:s6], [sflag:s4] =	dma.local [hbm:s3], $0xF7A  }
0x26: {  	[smem:$0x3F9E] =	sst s1;
	(tag) =	ssettag s2;
	_ =	strace s9  }
0x27: {  	s1 =	sld [smem:$0x3FAE]  }
0x28: {  	s2 =	sld [smem:$0x3FAF]  }
0x29: {  	s4 =	sld [smem:$0x3FB1]  }
0x2a: {  	p0 =	seq.s32 s5, $0x0;
	s5 =	sld [smem:$0x3FB2]  }
0x2b: {  	s6 =	sld [smem:$0x3FB3]  }
0x2c: {  	s7 =	sld [smem:$0x3FB4]  }
0x2d: {  	s3 =	simm.s32 $0x108;
	s8 =	sld [smem:$0x3FB5]  }
0x2e: {  	s3 =	simm.s32 @!p0 $0x1082;
	s9 =	sld [smem:$0x3FB6]  }
0x2f: {  	lr =	sadd.s32 s0, s3;
	s0 =	sld [smem:$0x3FAD]  }
0x30: {  	s3 =	sld [smem:$0x3FB0]  }
0x31: {  	[smem:$0x3FB9] =	sst s10  }
0x32: {  	s10 =	sld [smem:$0x3FB7];
	_ =	sdelay $0x3  }
0x33: {  	p0 =	seq.s32 s10, $0x1;
	s10 =	sld [smem:$0x3FB9];
	_ =	sdelay $0x3  }
0x34: {  	[smem:$0x3FB9] =	sst s10  }
0x35: {  	s10 =	sld [smem:$0x3FB8];
	_ =	sdelay $0x3  }
0x36: {  	p1 =	seq.s32 s10, $0x1;
	s10 =	sld [smem:$0x3FB9];
	_ =	sdelay $0x3  }
0x37: {  	[smem:$0x3FB9] =	sst s10  }
0x38: {  	s10 =	sld [smem:$0x3FBA]  }
0x39: {  	_ = 	snop;
	(pc) =	sbr.ind lr, $3  }
0x3a: {  	_ = 	snop  }
0x3b: {  	_ = 	snop  }
0x3c: {  	p2 =	seq.s32 s10, $0x1;
	s10 =	sld [smem:$0x3FB9]  }
0x3d: {  	_ =	shalt  }
0x3e: {  	_ =	shalt  }
0x3f: {  	_ =	shalt  }
0x40: {  	_ =	shalt  }
0x41: {  	_ =	shalt  }
0x42: {  	_ =	shalt  }
0x43: {  	_ =	shalt  }
0x44: {  	_ =	shalt  }
0x45: {  	_ =	shalt  }
0x46: {  	_ =	shalt  }
0x47: {  	_ =	shalt  }
0x48: {  	_ =	shalt  }
0x49: {  	_ =	shalt  }
0x4a: {  	_ =	shalt  }
0x4b: {  	_ =	shalt  }
0x4c: {  	_ =	shalt  }
0x4d: {  	_ =	shalt  }
0x4e: {  	_ =	shalt  }
0x4f: {  	_ =	shalt  }
0x50: {  	_ =	shalt  }
0x51: {  	_ =	shalt  }
0x52: {  	_ =	shalt  }
0x53: {  	_ =	shalt  }
0x54: {  	_ =	shalt  }
0x55: {  	_ =	shalt  }
0x56: {  	_ =	shalt  }
0x57: {  	_ =	shalt  }
0x58: {  	_ =	shalt  }
0x59: {  	_ =	shalt  }
0x5a: {  	_ =	shalt  }
0x5b: {  	_ =	shalt  }
0x5c: {  	_ =	shalt  }
0x5d: {  	_ =	shalt  }
0x5e: {  	_ =	shalt  }
0x5f: {  	_ =	shalt  }
0x60: {  	_ =	shalt  }
0x61: {  	_ =	shalt  }
0x62: {  	_ =	shalt  }
0x63: {  	_ =	shalt  }
0x64: {  	_ =	shalt  }
0x65: {  	_ =	shalt  }
0x66: {  	_ =	shalt  }
0x67: {  	_ =	shalt  }
0x68: {  	_ =	shalt  }
0x69: {  	_ =	shalt  }
0x6a: {  	_ =	shalt  }
0x6b: {  	_ =	shalt  }
0x6c: {  	_ =	shalt  }
0x6d: {  	_ =	shalt  }
0x6e: {  	_ =	shalt  }
0x6f: {  	_ =	shalt  }
0x70: {  	_ =	shalt  }
0x71: {  	_ =	shalt  }
0x72: {  	_ =	shalt  }
0x73: {  	_ =	shalt  }
0x74: {  	_ =	shalt  }
0x75: {  	_ =	shalt  }
0x76: {  	_ =	shalt  }
0x77: {  	_ =	shalt  }
0x78: {  	_ =	shalt  }
0x79: {  	_ =	shalt  }
0x7a: {  	_ =	shalt  }
0x7b: {  	_ =	shalt  }
0x7c: {  	_ =	shalt  }
0x7d: {  	_ =	shalt  }
0x7e: {  	_ =	shalt  }
0x7f: {  	_ =	shalt  }
0x80: {  	_ =	shalt  }
0x81: {  	_ =	shalt  }
0x82: {  	_ =	shalt  }
0x83: {  	_ =	shalt  }
0x84: {  	_ =	shalt  }
0x85: {  	_ =	shalt  }
0x86: {  	_ =	shalt  }
0x87: {  	_ =	shalt  }
.Lfunc_end0:
.L_simem_size_0:
called_computation_lowered:
.L_overlay_start_0:
0x88: {  	s2 =	sld [smem:$0x3FD9]  }
0x89: {  	s3 =	sld [smem:$0x3FFE];
	_ =	sdelay $0x1  }
0x8a: {  	s1 =	srdreg.scid  }
0x8b: {  	s0 =	sand.u32 $0x1, s1  }
0x8c: {  	s14 =	sshll.u32 s0, $0xA;
	s2 =	sadd.s32 s3, s2  }
0x8d: {  	s2 =	sadd.s32 s2, s14  }
0x8e: {  	[smem:$0x3FC5] =	sst s2  }
0x8f: {  	_ = 	snop  }
0x90: {  	s2 =	sld [smem:$0x3FD0];
	_ =	sdelay $0x1  }
0x91: {  	s15 =	sld [smem:$0x3FC8]  }
0x92: {  	s5 =	simm.s32 $0xA;
	s6 =	simm.s32 $0x10;
	s4 =	sld [smem:$0x3FC7]  }
0x93: {  	[smem:s6], [sflag:s5] =	dma.local [hbm:s2], $0x1  }
0x94: {  	_ =	swait.eq [sflag:s5], $0x1  }
0x95: {  	s16 =	sld [smem:$0x10];
	[sflag:s5] =	ssyncset.done $0x0  }
0x96: {  	s17 =	sld [smem:$0x11];
	[sflag:s5] =	ssyncadd.s32 $0xFFFFFFFF  }
0x97: {  	s18 =	sld [smem:$0x12];
	(tm) =	ssettm $0x1  }
0x98: {  	s7 =	sld [smem:$0x3FFB];
	_ =	sdelay $0x3  }
0x99: {  	_ =	strace s7  }
0x9a: {  	s7 =	sld [smem:$0x3FFC];
	_ =	sdelay $0x3  }
0x9b: {  	_ =	strace s7  }
0x9c: {  	s7 =	sld [smem:$0x3FFD];
	_ =	sdelay $0x3  }
0x9d: {  	_ =	strace s7  }
0x9e: {  	_ =	strace $0x8FFFFFFF  }
0x9f: {  	s19 =	sld [smem:$0x3FDB];
	_ =	sdelay $0x1  }
0xa0: {  	s8 =	simm.s32 $_scs_section_size  }
0xa1: {  	s9 =	simm.s32 $_size__tile_overlayer_lowered;
	s10 =	simm.s32 $_tile_overlayer_lowered  }
0xa2: {  	s22 =	simm.s32 $0x1BFF;
	s21 =	sshll.u32 s10, $0x1;
	s7 =	sadd.s32 s8, s19  }
0xa3: {  	s11 =	simm.s32 $0x0;
	s20 =	sshll.u32 s9, $0x1;
	s9 =	sadd.s32 s21, s7  }
0xa4: {  	[timem:s11], [sflag:s22] =	dma.local [hbm:s9], s20  }
0xa5: {  	_ =	swait.ge [sflag:s22], s20  }
0xa6: {  	s8 =	ssub.s32 $0x0, s20;
	[sflag:s22] =	ssyncset.done $0x0  }
0xa7: {  	[sflag:s22] =	ssyncadd.s32 s8;
	_ =	sdelay $0x1  }
0xa8: {  	s23 =	simm.s32 $0x1B8B  }
0xa9: {  	_ =	swait.ge [sflag:s23], $0x1  }
0xaa: {  	[sflag:s23] =	ssyncset.done $0x0  }
0xab: {  	s25 =	simm.s32 $0x1B8E;
	s24 =	sld [smem:$0x3FFE];
	[sflag:s23] =	ssyncadd.s32 $0xFFFFFFFF  }
0xac: {  	s26 =	simm.s32 $execute0_lowered;
	[smem:$0x3FD2] =	sst s25  }
0xad: {  	s9 =	sshll.u32 s26, $0x1;
	_ =	strace $0x80000046;
	[dreg:$0x1] =	wrdreg $0xFFFFFFFF  }
0xae: {  	s28 =	simm.s32 $_size_execute0_lowered;
	s7 =	sadd.s32 s7, s9;
	[dreg:$0x0] =	wrdreg $0x0  }
0xaf: {  	s9 =	sshll.u32 s28, $0x1;
	[dreg:$0x2] =	wrdreg s7  }
0xb0: {  	[dreg:$0x3] =	wrdreg s9  }
0xb1: {  	[dreg:$0x4] =	wrdreg $0xC0  }
0xb2: {  	_ =	task [dreg:s11], $0x5FFFF  }
0xb3: {  	[dreg:$0x1] =	wrdreg $0xFFFFFFFF  }
0xb4: {  	[dreg:$0x0] =	wrdreg $0x60  }
0xb5: {  	[dreg:$0x2] =	wrdreg s24  }
0xb6: {  	[dreg:$0x3] =	wrdreg s15  }
0xb7: {  	[dreg:$0x4] =	wrdreg s4  }
0xb8: {  	[dreg:$0x5] =	wrdreg s16  }
0xb9: {  	[dreg:$0x6] =	wrdreg s17  }
0xba: {  	[dreg:$0x7] =	wrdreg s18  }
0xbb: {  	[dreg:$0x8] =	wrdreg $0x11800  }
0xbc: {  	[dreg:$0x9] =	wrdreg $0x9  }
0xbd: {  	_ =	task.clear_ibuf [dreg:s11], $0xAFFFF;
	_ =	strace $0x90000046  }
0xbe: {  	s29 =	simm.s32 $0x9;
	_ =	strace $0x80000048  }
0xbf: {  	_ =	swait.ge [sflag:s29], $0x1  }
0xc0: {  	[sflag:s29] =	ssyncadd.s32 $0xFFFFFFFF  }
0xc1: {  	_ =	strace $0x90000048  }
0xc2: {  	_ =	sfence  }
0xc3: {  	s30 =	sld [smem:$0x0];
	_ =	sdelay $0x2  }
0xc4: {  	s31 =	sshll.u32 s1, $0xD;
	s1 =	sshrl.u32 s1, $0x2  }
0xc5: {  	s3 =	sand.u32 $0x4000, s31;
	s1 =	sadd.s32 s1, s30  }
0xc6: {  	s0 =	sor.u32 s3, s0;
	s1 =	sshll.u32 s1, $0x11  }
0xc7: {  	s0 =	sor.u32 s1, s0  }
0xc8: {  	s0 =	sadd.s32 $0x8F2B, s0  }
0xc9: {  	[sflag:s0] =	ssyncadd.remote.s32 $0x1  }
0xca: {  	_ =	sfence.sel $0xFFFF  }
0xcb: {  	[dreg:$0x0] =	wrdreg $0xFFFFFFFF;
	(pc) =	sbr.abs _section_cstart, $3  }
0xcc: {  	[dreg:$0x1] =	wrdreg $0xFFFFFFFF  }
0xcd: {  	_ =	task.clear_ibuf [dreg:s11], $0x2FFFF;
	_ =	strace $0x9FFFFFFF  }
0xce: {  	(tm) =	ssettm $0x7FFFFFFF  }
0xcf: {  	_ =	shalt  }
tec
execute0_lowered:
.L_overlay_start_1:
0x0: {  	(tag) =	ssettag $0x1  }
0x1: {  	s9 =	rddreg [dreg:$0x0]  }
0x2: {  	s6 =	rddreg [dreg:$0x1];
	s1 =	srdreg.scid  }
0x3: {  	s5 =	rddreg [dreg:$0x2];
	s1 =	sand.u32 $0x1, s1  }
0x4: {  	s4 =	rddreg [dreg:$0x3];
	p0 =	seq.s32 s1, $0x1  }
.Ltmp0:
0x5: {  	s3 =	rddreg [dreg:$0x4];
	(pc) =	sbr.rel @p0 .LBB2_11-.Ltmp0, $4  }
0x6: {  	s2 =	rddreg [dreg:$0x5]  }
0x7: {  	s7 =	rddreg [dreg:$0x6];
	s8 =	simm.s32 $0x0  }
0x8: {  	[smem:$0x7FF] =	sst s8  }
0x9: {  	s0 =	rddreg [dreg:$0x7];
	_ =	strace $0x80000047;
	s1 =	stileid.u32  }
0xa: {  	s10 =	smul.u32 $0x138, s1;
	_ =	sdelay $0x1  }
0xb: {  	s11 =	sadd.s32 $0x1800, s9;
	s12 =	sshrl.u32 s10, $0x3  }
0xc: {  	s13 =	sadd.s32 $0x1400, s9;
	s11 =	sadd.s32 s11, s12  }
0xd: {  	[tilespmem:s8], [sflag:$0x1] =	stream.linear.gather [hbm4b:s11+s8], $0x140, $0x38;
	[tilespmem:$0x1190] =	vst v63  }
0xe: {  	s21 =	sadd.s32 $0x1000, s9;
	s14 =	simm.s32 $0x180;
	s13 =	sadd.s32 s13, s12  }
0xf: {  	[tilespmem:s14], [sflag:$0x1] =	stream.linear.gather [hbm4b:s13+s8], $0x140, $0x38;
	[tilespmem:$0x1190] =	vst v63  }
0x10: {  	s22 =	sadd.s32 $0xC00, s9;
	s23 =	simm.s32 $0x300;
	s11 =	sadd.s32 s21, s12  }
0x11: {  	[tilespmem:s23], [sflag:$0x1] =	stream.linear.gather [hbm4b:s11+s8], $0x140, $0x38;
	[tilespmem:$0x1190] =	vst v63  }
0x12: {  	s24 =	simm.s32 $0x480;
	s9 =	sadd.s32 s22, s12  }
0x13: {  	[tilespmem:s24], [sflag:$0x1] =	stream.linear.gather [hbm4b:s9+s8], $0x140, $0x38;
	[tilespmem:$0x1190] =	vst v63  }
0x14: {  	s25 =	simm.s32 $0xD80;
	s6 =	sadd.s32 s6, s12  }
0x15: {  	[tilespmem:s25], [sflag:$0x1] =	stream.linear.gather [hbm4b:s6+s8], $0x140, $0x38;
	[tilespmem:$0x1190] =	vst v63  }
0x16: {  	s26 =	simm.s32 $0x600;
	s28 =	simm.s32 $0x1;
	s5 =	sadd.s32 s5, s12  }
0x17: {  	[tilespmem:s26], [sflag:$0x1] =	stream.linear.gather [hbm4b:s5+s8], $0x140, $0x38;
	[tilespmem:$0x1190] =	vst v63  }
0x18: {  	_ =	swait.ge [sflag:s28], $0x140  }
0x19: {  	[sflag:s28] =	ssyncset.done $0x0  }
0x1a: {  	[sflag:s28] =	ssyncadd.s32 $0xFFFFFEC0  }
0x1b: {  	_ =	swait.ge [sflag:s28], $0x140  }
0x1c: {  	[sflag:s28] =	ssyncset.done $0x0  }
0x1d: {  	[sflag:s28] =	ssyncadd.s32 $0xFFFFFEC0  }
0x1e: {  	_ =	swait.ge [sflag:s28], $0x140  }
0x1f: {  	[sflag:s28] =	ssyncset.done $0x0  }
0x20: {  	[sflag:s28] =	ssyncadd.s32 $0xFFFFFEC0  }
0x21: {  	_ =	swait.ge [sflag:s28], $0x140  }
0x22: {  	[sflag:s28] =	ssyncset.done $0x0  }
0x23: {  	[sflag:s28] =	ssyncadd.s32 $0xFFFFFEC0  }
0x24: {  	_ =	swait.ge [sflag:s28], $0x140  }
0x25: {  	[sflag:s28] =	ssyncset.done $0x0  }
0x26: {  	[sflag:s28] =	ssyncadd.s32 $0xFFFFFEC0  }
0x27: {  	_ =	swait.ge [sflag:s28], $0x140  }
0x28: {  	[sflag:s28] =	ssyncset.done $0x0  }
0x29: {  	s9 =	simm.s32 $0x0;
	[sflag:s28] =	ssyncadd.s32 $0xFFFFFEC0  }
0x2a: {  	v1 =	vld [tilespmem:s9+$0x480]  }
0x2b: {  	v2 =	vld [tilespmem:s9+$0x490]  }
0x2c: {  	v3 =	vld [tilespmem:s9+$0x1B0]  }
0x2d: {  	v4 =	vld [tilespmem:s9+$0x190]  }
0x2e: {  	v5 =	vld [tilespmem:s9+$0x330]  }
0x2f: {  	v8 =	vld [tilespmem:s9+$0x0]  }
0x30: {  	v9 =	vld [tilespmem:s9+$0x4A0]  }
0x31: {  	v11 =	vld [tilespmem:s9+$0x180]  }
0x32: {  	v13 =	vld [tilespmem:s9+$0x30]  }
0x33: {  	v14 =	vld [tilespmem:s9+$0x300]  }
0x34: {  	v20 =	vld [tilespmem:s9+$0xDB0]  }
0x35: {  	v18 =	vimm.f32 $-2.000000000e+00;
	v6 =	vlaneseq.u32;
	s29 =	simm.s32 $0x10;
	v26 =	vld [tilespmem:s9+$0xD80]  }
0x36: {  	v17 =	vimm.s32 $0x0;
	v10 =	vor.u32 s29, v6;
	v0 =	vmov s10;
	s10 =	simm.s32 $0x0;
	v27 =	vld [tilespmem:s9+$0xDA0]  }
0x37: {  	v12 =	vor.u32 s10, v6;
	v22 =	vld [tilespmem:s9+$0x310];
	v1 =	vmax.f32 v1, $0.0e+00;
	v15 =	vmax.f32 v2, $0.0e+00  }
0x38: {  	v24 =	vld [tilespmem:s9+$0x620];
	v7 =	vmax.f32 v5, $0.0e+00;
	v25 =	vmax.f32 v4, $0.0e+00;
	v16 =	vmax.f32 v9, $0.0e+00  }
0x39: {  	s30 =	simm.s32 $0x30;
	v5 =	vld [tilespmem:s9+$0x10];
	v19 =	vmax.f32 v13, $0.0e+00;
	v2 =	vmax.f32 v8, $0.0e+00;
	v4 =	vmax.f32 v14, $0.0e+00  }
0x3a: {  	v30 =	vld [tilespmem:s9+$0x1A0];
	v21 =	vmax.f32 v3, $0.0e+00;
	v11 =	vmax.f32 v11, $0.0e+00;
	v13 =	vor.u32 s30, v6  }
0x3b: {  	v8 =	vld [tilespmem:s9+$0x20];
	vm0 =	vgt.f32 v26, $5.000000070e-02;
	vm1 =	vgt.f32 v20, $5.000000070e-02;
	vm2 =	vgt.f32 v27, $5.000000070e-02  }
0x3c: {  	v29 =	vld [tilespmem:s9+$0x320];
	v1 =	vmin.f32 v1, $2.048000000e+03;
	v2 =	vmin.f32 v2, $2.048000000e+03;
	v3 =	vmin.f32 v4, $2.048000000e+03  }
0x3d: {  	v31 =	vld [tilespmem:s9+$0x610];
	v4 =	vmax.f32 v22, $0.0e+00;
	v14 =	vmin.f32 v25, $2.048000000e+03;
	v28 =	vnsel vm0, $0xBF800000, v26  }
0x3e: {  	v9 =	vmin.f32 v4, $2.048000000e+03;
	v23 =	vmax.f32 v5, $0.0e+00;
	v5 =	vcvt.s32.f32 v24  }
0x3f: {  	v4 =	vmin.f32 v11, $2.048000000e+03;
	v11 =	vnsel vm1, $0xBF800000, v20;
	v20 =	vnsel vm2, $0xBF800000, v27;
	v27 =	vld [tilespmem:s9+$0x630]  }
0x40: {  	s31 =	sshll.u32 s1, $0x3;
	v25 =	vmax.f32 v30, $0.0e+00;
	v24 =	vmax.f32 v8, $0.0e+00;
	v5 =	vmul.f32 $2.049000000e+03, v5  }
0x41: {  	s12 =	simm.s32 $0x100;
	s8 =	sadd.s32 s31, s7;
	v22 =	vld [tilespmem:s9+$0xD90];
	vm0 =	vgt.f32 v28, v18;
	[tilespmem:s9+$0xD80] =	vst v28;
	v26 =	vmin.f32 v25, $2.048000000e+03;
	v24 =	vmin.f32 v24, $2.048000000e+03  }
0x42: {  	s11 =	simm.s32 $0xFFFFFFC0;
	s5 =	sadd.s32 $0x80, s7;
	s6 =	sadd.s32 $0x80, s8;
	v25 =	vld [tilespmem:s9+$0x4B0];
	[tilespmem:s9+$0xDA0] =	vst v20;
	v8 =	vmax.f32 v29, $0.0e+00;
	v29 =	vcvt.s32.f32 v31;
	v24 =	vadd.f32 v5, v24  }
.LBB2_2:
0x43: {  	s13 =	sshra.s32 s12, $0x2;
	v30 =	vld [tilespmem:s9+$0x600];
	v18 =	vsel vm0, v28, v18;
	v28 =	vmin.f32 v15, $2.048000000e+03;
	v21 =	vmin.f32 v21, $2.048000000e+03;
	[tilespmem:s9+$0xDB0] =	vst v11;
	s14 =	smov.u32 s10;
	s10 =	sadd.s32 $0x40, s10  }
0x44: {  	v19 =	vmin.f32 v19, $2.048000000e+03;
	v15 =	vld [tilespmem:s13+$0x480];
	p0 =	slt.u32 s10, $0x100;
	v29 =	vmul.f32 $2.049000000e+03, v29;
	[tilespmem:s9+$0x7A0] =	vst v24;
	v24 =	vcvt.s32.f32 v27  }
0x45: {  	v23 =	vmin.f32 v23, $2.048000000e+03;
	v16 =	vmin.f32 v16, $2.048000000e+03;
	v26 =	vadd.f32 v5, v26;
	v27 =	vld [tilespmem:s13+$0x490]  }
0x46: {  	v17 =	vsel vm0, v12, v17;
	v12 =	vadd.f32 v5, v16;
	v31 =	vld [tilespmem:s13+$0x1B0];
	v16 =	vmul.f32 $2.049000000e+03, v24  }
0x47: {  	vm0 =	vgt.f32 v22, $5.000000070e-02;
	v7 =	vmin.f32 v7, $2.048000000e+03;
	v24 =	vld [tilespmem:s13+$0x190];
	[tilespmem:s9+$0x920] =	vst v26;
	v25 =	vmax.f32 v25, $0.0e+00  }
0x48: {  	v22 =	vnsel vm0, $0xBF800000, v22;
	v26 =	vld [tilespmem:s13+$0x330];
	[tilespmem:s9+$0xC20] =	vst v12;
	v12 =	vmin.f32 v25, $2.048000000e+03;
	v25 =	vadd.f32 v16, v7  }
0x49: {  	v7 =	vadd.f32 v16, v19;
	v32 =	vld [tilespmem:s13+$0x0];
	v33 =	vmax.f32 v15, $0.0e+00;
	[tilespmem:s9+$0xD90] =	vst v22;
	v12 =	vadd.f32 v16, v12  }
0x4a: {  	vm0 =	vgt.f32 v22, v18;
	v14 =	vadd.f32 v29, v14;
	v15 =	vmax.f32 v27, $0.0e+00;
	v19 =	vld [tilespmem:s13+$0x4A0]  }
0x4b: {  	v9 =	vadd.f32 v29, v9;
	v18 =	vsel vm0, v22, v18;
	v16 =	vadd.f32 v16, v21;
	v27 =	vld [tilespmem:s13+$0x180];
	[tilespmem:s9+$0xC30] =	vst v12  }
0x4c: {  	s15 =	sadd.s32 $0x60, s11;
	s11 =	smov.u32 s14;
	v17 =	vsel vm0, v10, v17;
	vm0 =	vgt.f32 v20, v18;
	v12 =	vor.u32 s10, v6;
	v21 =	vld [tilespmem:s13+$0x30];
	[tilespmem:s9+$0x7B0] =	vst v7  }
0x4d: {  	s14 =	sadd.s32 $0x50, s11;
	v22 =	vld [tilespmem:s13+$0x300];
	v7 =	vmax.f32 v26, $0.0e+00;
	[tilespmem:s9+$0xA90] =	vst v9;
	v9 =	vsel vm0, v20, v18;
	v18 =	vor.u32 s15, v6  }
0x4e: {  	v10 =	vor.u32 s14, v6;
	v20 =	vld [tilespmem:s13+$0xDB0];
	[tilespmem:s9+$0x910] =	vst v14;
	v14 =	vsel vm0, v18, v17;
	vm0 =	vgt.f32 v11, v9  }
0x4f: {  	v28 =	vadd.f32 v29, v28;
	v24 =	vmax.f32 v24, $0.0e+00;
	v17 =	vcvt.s32.f32 v30;
	v26 =	vld [tilespmem:s13+$0x310];
	[tilespmem:s9+$0xAB0] =	vst v25  }
0x50: {  	v8 =	vmin.f32 v8, $2.048000000e+03;
	v23 =	vadd.f32 v29, v23;
	v18 =	vsel vm0, v11, v9;
	v25 =	vld [tilespmem:s13+$0x620];
	[tilespmem:s9+$0x930] =	vst v16  }
0x51: {  	v11 =	vmin.f32 v33, $2.048000000e+03;
	v16 =	vmax.f32 v19, $0.0e+00;
	v29 =	vld [tilespmem:s13+$0xDA0];
	v19 =	vmax.f32 v21, $0.0e+00;
	[tilespmem:s9+$0xC10] =	vst v28  }
0x52: {  	v30 =	vmul.f32 $2.049000000e+03, v17;
	v21 =	vmax.f32 v31, $0.0e+00;
	v9 =	vmax.f32 v22, $0.0e+00;
	v28 =	vld [tilespmem:s13+$0x10];
	[tilespmem:s9+$0x790] =	vst v23  }
0x53: {  	v5 =	vadd.f32 v5, v8;
	v17 =	vsel vm0, v13, v14;
	v22 =	vmax.f32 v32, $0.0e+00;
	v31 =	vld [tilespmem:s13+$0xD80]  }
0x54: {  	v8 =	vmin.f32 v22, $2.048000000e+03;
	v13 =	vmin.f32 v9, $2.048000000e+03;
	v9 =	vmax.f32 v26, $0.0e+00;
	v26 =	vld [tilespmem:s13+$0x20]  }
0x55: {  	v32 =	vadd.f32 v30, v4;
	v14 =	vadd.f32 v30, v3;
	v3 =	vmovc v13;
	v9 =	vmin.f32 v9, $2.048000000e+03;
	v22 =	vld [tilespmem:s13+$0xD90];
	[tilespmem:s9+$0xAA0] =	vst v5  }
0x56: {  	s14 =	sadd.s32 $0x70, s11;
	v4 =	vmax.f32 v27, $0.0e+00;
	v27 =	vadd.f32 v30, v1;
	v1 =	vmov v11;
	v5 =	vld [tilespmem:s13+$0x320]  }
0x57: {  	v4 =	vmin.f32 v4, $2.048000000e+03;
	v13 =	vor.u32 s14, v6;
	v23 =	vmax.f32 v28, $0.0e+00;
	v33 =	vld [tilespmem:s13+$0x1A0]  }
0x58: {  	vm1 =	vgt.f32 v20, $5.000000070e-02;
	v28 =	vadd.f32 v30, v2;
	v2 =	vmovc v8;
	vm0 =	vgt.f32 v31, $5.000000070e-02;
	v34 =	vld [tilespmem:s13+$0x610];
	[tilespmem:s9+$0xC00] =	vst v27  }
.Ltmp1:
0x59: {  	v11 =	vnsel vm1, $0xBF800000, v20;
	v25 =	vcvt.s32.f32 v25;
	vm2 =	vgt.f32 v29, $5.000000070e-02;
	[tilespmem:s9+$0xA80] =	vst v14;
	(pc) =	sbr.rel @p0 .LBB2_2-.Ltmp1, $4  }
0x5a: {  	v20 =	vnsel vm2, $0xBF800000, v29;
	v14 =	vmin.f32 v24, $2.048000000e+03;
	v24 =	vmax.f32 v26, $0.0e+00;
	v27 =	vld [tilespmem:s13+$0x630];
	[tilespmem:s9+$0x780] =	vst v28  }
0x5b: {  	v28 =	vnsel vm0, $0xBF800000, v31;
	v8 =	vmax.f32 v5, $0.0e+00;
	v5 =	vmul.f32 $2.049000000e+03, v25;
	[tilespmem:s13+$0xDA0] =	vst v20  }
0x5c: {  	v24 =	vmin.f32 v24, $2.048000000e+03;
	vm0 =	vgt.f32 v28, v18;
	v25 =	vmax.f32 v33, $0.0e+00;
	[tilespmem:s9+$0x900] =	vst v32;
	s9 =	smov.u32 s13  }
0x5d: {  	s12 =	sadd.s32 $0x100, s12;
	[tilespmem:s9+$0xD80] =	vst v28;
	v29 =	vcvt.s32.f32 v34;
	v26 =	vmin.f32 v25, $2.048000000e+03;
	v24 =	vadd.f32 v5, v24;
	v25 =	vld [tilespmem:s9+$0x4B0]  }
0x5e: {  	v18 =	vsel vm0, v28, v18  }
0x5f: {  	v15 =	vmin.f32 v15, $2.048000000e+03;
	v21 =	vmin.f32 v21, $2.048000000e+03;
	vm1 =	vgt.f32 v22, $5.000000070e-02  }
0x60: {  	v19 =	vmin.f32 v19, $2.048000000e+03;
	v30 =	vimm.s32 $0x67452301;
	v12 =	vsel vm0, v12, v17  }
0x61: {  	v16 =	vmin.f32 v16, $2.048000000e+03;
	v26 =	vadd.f32 v5, v26;
	v22 =	vnsel vm1, $0xBF800000, v22  }
0x62: {  	v28 =	vmul.f32 $2.049000000e+03, v29;
	v29 =	vimm.s32 $0xEFCDAB89;
	vm1 =	vgt.f32 v22, v18  }
0x63: {  	v30 =	vunpack.c.l.s4.s8 v30;
	v29 =	vunpack.c.l.s4.s8 v29;
	v18 =	vsel vm1, v22, v18  }
0x64: {  	v7 =	vmin.f32 v7, $2.048000000e+03;
	v27 =	vcvt.s32.f32 v27;
	vm0 =	vgt.f32 v20, v18  }
0x65: {  	s10 =	sadd.s32 $0x60, s11;
	v17 =	vsel vm0, v20, v18;
	v18 =	vunpack.c.0.s8.s32 v29;
	v20 =	vunpack.c.0.s8.s32 v30  }
0x66: {  	v6 =	vor.u32 s10, v6;
	v10 =	vsel vm1, v10, v12;
	vm1 =	vgt.f32 v11, v17  }
0x67: {  	v6 =	vsel vm0, v6, v10;
	v10 =	vsel vm1, v11, v17;
	v12 =	vcombine.low v20, v18  }
0x68: {  	v13 =	vsel vm1, v13, v6;
	v17 =	vimm.s32 $0xDCFE98BA;
	v18 =	vimm.s32 $0x54761032  }
0x69: {  	v6 =	vand.u32 $0xF, v12;
	v12 =	vunpack.c.l.s4.s8 v17;
	v17 =	vunpack.c.l.s4.s8 v18  }
0x6a: {  	v8 =	vmin.f32 v8, $2.048000000e+03;
	v18 =	vperm.xlane v10, v6;
	v20 =	vperm.xlane v13, v6  }
0x6b: {  	v16 =	vadd.f32 v5, v16;
	v12 =	vunpack.c.0.s8.s32 v12;
	v17 =	vunpack.c.0.s8.s32 v17  }
0x6c: {  	v5 =	vadd.f32 v5, v8;
	vm0 =	veq.f32 v18, v10;
	vm1 =	vlt.s32 v20, v13  }
0x6d: {  	vm2 =	vgt.f32 v18, v10;
	vm0 =	vmand vm0, vm1;
	v12 =	vcombine.low v17, v12  }
0x6e: {  	v17 =	vmul.f32 $2.049000000e+03, v27;
	v27 =	vimm.s32 $0x32107654;
	vm0 =	vmor vm2, vm0  }
0x6f: {  	v9 =	vadd.f32 v28, v9;
	v27 =	vunpack.c.l.s4.s8 v27;
	v18 =	vsel vm0, v18, v10  }
0x70: {  	v13 =	vsel vm0, v20, v13;
	v10 =	vand.u32 $0xF, v12;
	v20 =	vimm.s32 $0xBA98FEDC  }
0x71: {  	v12 =	vperm.xlane v18, v10;
	v29 =	vperm.xlane v13, v10;
	v20 =	vunpack.c.l.s4.s8 v20  }
0x72: {  	v14 =	vadd.f32 v28, v14;
	v15 =	vadd.f32 v28, v15;
	v27 =	vunpack.c.0.s8.s32 v27  }
0x73: {  	vm0 =	veq.f32 v12, v18;
	vm1 =	vlt.s32 v29, v13;
	v20 =	vunpack.c.0.s8.s32 v20  }
0x74: {  	v25 =	vmax.f32 v25, $0.0e+00;
	vm2 =	vgt.f32 v12, v18;
	vm0 =	vmand vm0, vm1  }
0x75: {  	v30 =	vadd.f32 v17, v7;
	vm0 =	vmor vm2, vm0;
	v7 =	vcombine.low v27, v20  }
0x76: {  	[tilespmem:s9+$0xDB0] =	vst v11;
	v11 =	vsel vm0, v12, v18;
	v12 =	vsel vm0, v29, v13;
	v13 =	vimm.s32 $0xFEDCBA98  }
0x77: {  	[tilespmem:s9+$0x7A0] =	vst v24;
	v18 =	vimm.s32 $0x76543210;
	v7 =	vand.u32 $0xF, v7;
	v13 =	vunpack.c.l.s4.s8 v13  }
0x78: {  	[tilespmem:s9+$0x920] =	vst v26;
	v20 =	vld [tilespmem:s9+$0x600];
	v18 =	vunpack.c.l.s4.s8 v18;
	v24 =	vperm.xlane v11, v7;
	v26 =	vperm.xlane v12, v7  }
0x79: {  	[tilespmem:s9+$0xD90] =	vst v22;
	v25 =	vmin.f32 v25, $2.048000000e+03;
	v19 =	vadd.f32 v17, v19;
	v13 =	vunpack.c.0.s8.s32 v13  }
0x7a: {  	[tilespmem:s9+$0xC20] =	vst v16;
	v18 =	vunpack.c.0.s8.s32 v18;
	vm0 =	veq.f32 v24, v11;
	vm1 =	vlt.s32 v26, v12  }
0x7b: {  	[tilespmem:s9+$0xAA0] =	vst v5;
	vm2 =	vgt.f32 v24, v11;
	vm0 =	vmand vm0, vm1;
	v13 =	vand.u32 $0xF, v13  }
0x7c: {  	[tilespmem:s9+$0xA90] =	vst v9;
	v16 =	vadd.f32 v17, v25;
	vm0 =	vmor vm2, vm0;
	v13 =	vcombine.low v13, v18  }
0x7d: {  	[tilespmem:s9+$0x910] =	vst v14;
	v9 =	vcvt.s32.f32 v20;
	v11 =	vsel vm0, v24, v11;
	v12 =	vsel vm0, v26, v12  }
0x7e: {  	[tilespmem:s9+$0xC30] =	vst v16;
	v16 =	vadd.f32 v17, v21;
	v14 =	vperm.xlane v11, v13;
	v17 =	vperm.xlane v12, v13  }
0x7f: {  	v23 =	vmin.f32 v23, $2.048000000e+03;
	[tilespmem:s9+$0xC10] =	vst v15  }
0x80: {  	[tilespmem:s9+$0x7B0] =	vst v19;
	v9 =	vmul.f32 $2.049000000e+03, v9;
	vm0 =	veq.f32 v14, v11;
	vm1 =	vlt.s32 v17, v12  }
0x81: {  	[tilespmem:s9+$0xAB0] =	vst v30;
	v18 =	vadd.f32 v28, v23;
	vm2 =	vgt.f32 v14, v11;
	vm0 =	vmand vm0, vm1  }
0x82: {  	[tilespmem:s9+$0x930] =	vst v16;
	v1 =	vadd.f32 v9, v1;
	vm2 =	vmor vm2, vm0  }
0x83: {  	[tilespmem:s9+$0x790] =	vst v18;
	v3 =	vadd.f32 v9, v3;
	v5 =	vsel vm2, v17, v12  }
0x84: {  	v2 =	vadd.f32 v9, v2;
	[tilespmem:s9+$0xC00] =	vst v1  }
0x85: {  	v1 =	vadd.f32 v9, v4;
	[tilespmem:s9+$0xA80] =	vst v3  }
0x86: {  	[tilespmem:s9+$0x780] =	vst v2  }
0x87: {  	s17 =	simm.s32 $0x600;
	[tilespmem:s9+$0x900] =	vst v1  }
0x88: {  	v1 =	vld.idx.msk [tilespmem:v5+s17+$0x0], $0xffff;
	_ =	sdelay $0x1  }
0x89: {  	s18 =	simm.s32 $0xC00  }
0x8a: {  	s19 =	simm.s32 $0xA80;
	v2 =	vld.idx.msk [tilespmem:v5+s18+$0x0], $0xffff  }
0x8b: {  	s20 =	simm.s32 $0x900;
	v3 =	vld.idx.msk [tilespmem:v5+s19+$0x0], $0xffff  }
0x8c: {  	s21 =	simm.s32 $0x780;
	v4 =	vld.idx.msk [tilespmem:v5+s20+$0x0], $0xffff;
	v1 =	vcvt.s32.f32 v1  }
0x8d: {  	vm4 =	vcmask $0x3F1C;
	v8 =	vld.idx.msk [tilespmem:v5+s21+$0x0], $0xffff  }
0x8e: {  	vm0 =	vcmask $0x3F18;
	v1 =	vsel vm4, $0x0, v1  }
0x8f: {  	vm5 =	vcmask $0x3F14;
	v1 =	vsel vm0, v1, v2  }
0x90: {  	vm6 =	vcmask $0x3F10;
	v2 =	vadd.s32 v0, v5;
	v1 =	vsel vm5, v1, v3  }
0x91: {  	vm7 =	vcmask $0x3F0C;
	v2 =	vcvt.s32.f32 v2;
	v1 =	vsel vm6, v1, v4  }
0x92: {  	vm1 =	vcmask $0x3F08;
	v1 =	vsel vm7, v1, v8  }
0x93: {  	v3 =	vsel vm2, v14, v11;
	vm2 =	vmmov $0x1;
	v1 =	vsel vm1, v1, v2  }
0x94: {  	v1 =	vsel vm2, v3, v1  }
0x95: {  	s22 =	simm.s32 $0xF00;
	s23 =	simm.s32 $0x2;
	[tilespmem:$0xF00] =	vst v1  }
0x96: {  	[spmem:s8] =	stream.linear.scatter [tilespmem:s22], [sflag:$0x2], $0x8, $0x38;
	[tilespmem:$0x1190] =	vst v63  }
0x97: {  	_ =	swait.ge [sflag:s23], $0x8  }
0x98: {  	v9 =	vlaneseq.u32;
	[sflag:s23] =	ssyncset.done $0x0  }
0x99: {  	v1 =	vmul.u32 $0x8, v9;
	[sflag:s23] =	ssyncadd.s32 $0xFFFFFFF8  }
0x9a: {  	s24 =	simm.s32 $0xF80;
	[bflag:$0x0] =	sbarrier.arrive $0xFFFF  }
0x9b: {  	v2 =	vor.u32 $0x1, v1;
	[tilespmem:s24], [sflag:$0x2] =	stream.linear.gather [spmem:s7], $0x80, $0x38;
	[tilespmem:$0x1190] =	vst v63  }
0x9c: {  	_ =	swait.ge [sflag:s23], $0x80  }
0x9d: {  	[sflag:s23] =	ssyncset.done $0x0  }
0x9e: {  	[sflag:s23] =	ssyncadd.s32 $0xFFFFFF80  }
0x9f: {  	v1 =	vld.idx.msk [tilespmem:v1+s24+$0x0], $0xffff  }
0xa0: {  	v2 =	vld.idx.msk [tilespmem:v2+s24+$0x0], $0xffff;
	_ =	sdelay $0x4  }
0xa1: {  	v3 =	vperm.xlane v1, v6;
	v4 =	vperm.xlane v2, v6;
	_ =	sdelay $0x1  }
0xa2: {  	vm3 =	veq.f32 v3, v1;
	vm8 =	vlt.f32 v4, v2  }
0xa3: {  	vm9 =	vgt.f32 v3, v1;
	vm3 =	vmand vm3, vm8  }
0xa4: {  	vm3 =	vmor vm9, vm3  }
0xa5: {  	v1 =	vsel vm3, v3, v1;
	v2 =	vsel vm3, v4, v2  }
0xa6: {  	v4 =	vperm.xlane v1, v10;
	v5 =	vperm.xlane v2, v10;
	_ =	sdelay $0x1  }
0xa7: {  	vm8 =	veq.f32 v4, v1;
	vm12 =	vlt.f32 v5, v2  }
0xa8: {  	vm13 =	vgt.f32 v4, v1;
	vm8 =	vmand vm8, vm12  }
0xa9: {  	vm8 =	vmor vm13, vm8  }
0xaa: {  	v3 =	vperm.xlane v9, v6;
	v1 =	vsel vm8, v4, v1;
	v2 =	vsel vm8, v5, v2  }
0xab: {  	v4 =	vperm.xlane v1, v7;
	v5 =	vperm.xlane v2, v7  }
0xac: {  	v6 =	vsel vm3, v3, v9  }
0xad: {  	v8 =	vperm.xlane v6, v10;
	vm3 =	veq.f32 v4, v1;
	vm14 =	vlt.f32 v5, v2  }
0xae: {  	vm15 =	vgt.f32 v4, v1;
	vm3 =	vmand vm3, vm14  }
0xaf: {  	v6 =	vsel vm8, v8, v6;
	vm3 =	vmor vm15, vm3  }
0xb0: {  	v1 =	vsel vm3, v4, v1;
	v4 =	vsel vm3, v5, v2;
	v5 =	vperm.xlane v6, v7  }
0xb1: {  	v2 =	vperm.xlane v1, v13;
	v7 =	vperm.xlane v4, v13;
	_ =	sdelay $0x1  }
0xb2: {  	v5 =	vsel vm3, v5, v6;
	vm3 =	veq.f32 v2, v1;
	vm8 =	vlt.f32 v7, v4  }
0xb3: {  	s25 =	simm.s32 $0x7A0;
	vm12 =	vgt.f32 v2, v1;
	v4 =	vperm.xlane v5, v13;
	vm3 =	vmand vm3, vm8  }
0xb4: {  	s26 =	simm.s32 $0x920;
	v11 =	vld [tilespmem:s25+$0x10];
	vm3 =	vmor vm12, vm3  }
0xb5: {  	s13 =	simm.s32 $0xC20;
	v12 =	vld [tilespmem:s26+$0x10];
	v4 =	vsel vm3, v4, v5  }
0xb6: {  	v14 =	vld [tilespmem:s13+$0x10];
	v8 =	vshll.u32 v4, $0x3  }
0xb7: {  	v15 =	vld [tilespmem:s25+$0x0];
	v4 =	vor.u32 $0x2, v8  }
0xb8: {  	s12 =	simm.s32 $0xAA0;
	v16 =	vld [tilespmem:s26+$0x0];
	v5 =	vor.u32 $0x3, v8  }
0xb9: {  	v17 =	vld [tilespmem:s12+$0x0];
	v7 =	vor.u32 $0x4, v8  }
0xba: {  	v18 =	vld [tilespmem:s13+$0x0];
	v10 =	vor.u32 $0x5, v8  }
0xbb: {  	v19 =	vld [tilespmem:s25+$0xFFFFFFF0]  }
0xbc: {  	v4 =	vld.idx.msk [tilespmem:v4+s24+$0x0], $0xffff  }
0xbd: {  	v6 =	vld.idx.msk [tilespmem:v5+s24+$0x0], $0xffff  }
0xbe: {  	v5 =	vld.idx.msk [tilespmem:v7+s24+$0x0], $0xffff  }
0xbf: {  	v7 =	vld.idx.msk [tilespmem:v10+s24+$0x0], $0xffff  }
0xc0: {  	v13 =	vld [tilespmem:s12+$0x10]  }
0xc1: {  	v20 =	vld [tilespmem:s26+$0xFFFFFFF0]  }
0xc2: {  	v21 =	vld [tilespmem:s12+$0xFFFFFFF0]  }
0xc3: {  	v23 =	vld [tilespmem:s13+$0xFFFFFFF0]  }
0xc4: {  	v24 =	vld [tilespmem:s25+$0xFFFFFFE0];
	v8 =	vor.u32 $0x6, v8;
	v10 =	vsub.f32 v5, v4;
	v22 =	vsub.f32 v7, v6  }
0xc5: {  	v26 =	vld [tilespmem:s12+$0xFFFFFFE0];
	v25 =	vmax.f32 v4, v11;
	v27 =	vmax.f32 v6, v12;
	v28 =	vmin.f32 v5, v13  }
0xc6: {  	v29 =	vmin.f32 v7, v14;
	v31 =	vmax.f32 v4, v15;
	v11 =	vsub.f32 v13, v11  }
0xc7: {  	v12 =	vsub.f32 v14, v12;
	v13 =	vmax.f32 v6, v16;
	v14 =	vmin.f32 v5, v17  }
0xc8: {  	v32 =	vmin.f32 v7, v18;
	v33 =	vmax.f32 v4, v19;
	v15 =	vsub.f32 v17, v15  }
0xc9: {  	v30 =	vld [tilespmem:s13+$0xFFFFFFE0];
	v16 =	vsub.f32 v18, v16;
	v17 =	vmax.f32 v6, v20;
	v18 =	vmin.f32 v5, v21  }
0xca: {  	v19 =	vsub.f32 v21, v19;
	v21 =	vsub.f32 v26, v24;
	v34 =	vmin.f32 v7, v23  }
0xcb: {  	v20 =	vsub.f32 v23, v20;
	v25 =	vsub.f32 v28, v25;
	v10 =	vmul.f32 v22, v10;
	v22 =	vld [tilespmem:s26+$0xFFFFFFE0]  }
0xcc: {  	v23 =	vmax.f32 v4, v24;
	v14 =	vsub.f32 v14, v31;
	v27 =	vsub.f32 v29, v27  }
0xcd: {  	v26 =	vmin.f32 v5, v26;
	v18 =	vsub.f32 v18, v33;
	v13 =	vsub.f32 v32, v13  }
0xce: {  	v28 =	vmin.f32 v7, v30;
	v23 =	vsub.f32 v26, v23;
	v15 =	vmul.f32 v16, v15  }
0xcf: {  	v17 =	vsub.f32 v34, v17;
	v11 =	vmul.f32 v12, v11;
	v16 =	vmul.f32 v20, v19  }
0xd0: {  	s14 =	simm.s32 $0xC60;
	v19 =	vmax.f32 v25, $0.0e+00;
	v24 =	vsub.f32 v30, v22;
	v22 =	vmax.f32 v6, v22  }
0xd1: {  	s13 =	simm.s32 $0xAE0;
	v35 =	vld [tilespmem:s14+$0x0];
	v20 =	vmax.f32 v23, $0.0e+00;
	v14 =	vmax.f32 v14, $0.0e+00;
	v22 =	vsub.f32 v28, v22  }
0xd2: {  	s11 =	simm.s32 $0x7E0;
	v62 =	vld [tilespmem:s13+$0x0];
	v18 =	vmax.f32 v18, $0.0e+00;
	v17 =	vmax.f32 v17, $0.0e+00;
	v12 =	vmul.f32 v24, v21  }
0xd3: {  	v36 =	vld [tilespmem:s11+$0xFFFFFFF0];
	v13 =	vmax.f32 v13, $0.0e+00;
	v16 =	vadd.f32 v16, v10;
	v21 =	vmax.f32 v22, $0.0e+00  }
0xd4: {  	v38 =	vld [tilespmem:s13+$0xFFFFFFF0];
	v22 =	vmax.f32 v27, $0.0e+00;
	v20 =	vmul.f32 v21, v20;
	v12 =	vadd.f32 v12, v10  }
0xd5: {  	s12 =	simm.s32 $0x960;
	v8 =	vld.idx.msk [tilespmem:v8+s24+$0x0], $0xffff;
	v13 =	vmul.f32 v13, v14;
	v11 =	vadd.f32 v11, v10;
	v14 =	vmul.f32 v22, v19  }
0xd6: {  	s9 =	simm.s32 $0xDA0;
	v26 =	vld [tilespmem:s12+$0x10];
	v17 =	vmul.f32 v17, v18;
	v15 =	vadd.f32 v15, v10;
	v12 =	vsub.f32 v12, v20  }
0xd7: {  	v32 =	vmin.f32 v5, v62;
	v18 =	vld [tilespmem:s9+$0xFFFFFFE0];
	v11 =	vsub.f32 v11, v14  }
0xd8: {  	v31 =	vld [tilespmem:s11+$0x0];
	v16 =	vsub.f32 v16, v17;
	v15 =	vsub.f32 v15, v13;
	v12 =	vmax.f32 v12, $9.999999710e-10  }
0xd9: {  	v23 =	vimm.s32 $0x0;
	v24 =	vld [tilespmem:s9+$0xFFFFFFF0];
	v11 =	vmax.f32 v11, $9.999999710e-10;
	v12 =	vmul.f32 $5.000000000e-01, v12  }
0xda: {  	s28 =	simm.s32 $0x0;
	v16 =	vmax.f32 v16, $9.999999710e-10;
	v15 =	vmax.f32 v15, $9.999999710e-10;
	v21 =	vld [tilespmem:s9+$0x10];
	v11 =	vmul.f32 $5.000000000e-01, v11  }
0xdb: {  	v27 =	vor.u32 s28, v9;
	v19 =	vld [tilespmem:s9+$0x0];
	vm8 =	vgt.f32 v20, v12;
	v12 =	vmul.f32 $5.000000000e-01, v16  }
0xdc: {  	v25 =	vld [tilespmem:s11+$0x10];
	v22 =	vimm.f32 $-2.000000000e+00;
	vm15 =	vgt.f32 v14, v11;
	v29 =	vsel vm8, $0xBF800000, v18  }
0xdd: {  	v30 =	vld [tilespmem:s14+$0x10];
	vm8 =	vgt.f32 v29, v22;
	vm13 =	vgt.f32 v17, v12;
	v12 =	vmul.f32 $5.000000000e-01, v15  }
0xde: {  	v28 =	vld [tilespmem:s13+$0x10];
	v15 =	vsel vm8, v29, v22;
	v16 =	vsel vm8, v27, v23;
	v23 =	vsel vm13, $0xBF800000, v24  }
0xdf: {  	s29 =	simm.s32 $0x10;
	v37 =	vsel vm15, $0xBF800000, v21;
	v21 =	vld [tilespmem:s12+$0xFFFFFFE0];
	vm8 =	vgt.f32 v23, v15;
	vm14 =	vgt.f32 v13, v12  }
0xe0: {  	v27 =	vld [tilespmem:s12+$0x0];
	v12 =	vor.u32 s29, v9;
	v13 =	vsel vm8, v23, v15;
	v63 =	vsel vm14, $0xBF800000, v19  }
0xe1: {  	s30 =	simm.s32 $0x20;
	v33 =	vmax.f32 v4, v36;
	v12 =	vsel vm8, v12, v16;
	v16 =	vld [tilespmem:s14+$0xFFFFFFF0];
	vm8 =	vgt.f32 v63, v13  }
0xe2: {  	v34 =	vmin.f32 v5, v38;
	v11 =	vor.u32 s30, v9;
	v19 =	vld [tilespmem:s11+$0xFFFFFFE0];
	v14 =	vsel vm8, v63, v13  }
0xe3: {  	v20 =	vmin.f32 v7, v30;
	v13 =	vld [tilespmem:s12+$0xFFFFFFF0];
	v11 =	vsel vm8, v11, v12;
	vm8 =	vgt.f32 v37, v14  }
0xe4: {  	v17 =	vmax.f32 v4, v25;
	v22 =	vmin.f32 v5, v28;
	[tilespmem:s9+$0xFFFFFFF0] =	vst v23;
	v23 =	vld [tilespmem:s13+$0xFFFFFFE0];
	v12 =	vsel vm8, v37, v14  }
0xe5: {  	s31 =	simm.s32 $0x30;
	v14 =	vsub.f32 v28, v25;
	v25 =	vmax.f32 v6, v27;
	v28 =	vsub.f32 v35, v27;
	v27 =	vld [tilespmem:s14+$0xFFFFFFE0]  }
0xe6: {  	v18 =	vmax.f32 v6, v26;
	[tilespmem:s9+$0xFFFFFFE0] =	vst v29;
	v24 =	vmax.f32 v4, v31;
	v15 =	vor.u32 s31, v9  }
0xe7: {  	[tilespmem:s9+$0x10] =	vst v37;
	v29 =	vmin.f32 v7, v35;
	v11 =	vsel vm8, v15, v11;
	v15 =	vsub.f32 v30, v26  }
0xe8: {  	s15 =	simm.s32 $0x80;
	s10 =	simm.s32 $0x40;
	[tilespmem:s9+$0x0] =	vst v63;
	v26 =	vsub.f32 v62, v31;
	v30 =	vsub.f32 v38, v36;
	v31 =	vmax.f32 v6, v13  }
.LBB2_4:
0xe9: {  	p0 =	slt.u32 s15, $0x100;
	v35 =	vsub.f32 v23, v19;
	v36 =	vmin.f32 v7, v16;
	v13 =	vsub.f32 v16, v13  }
0xea: {  	v16 =	vmax.f32 v4, v19;
	v17 =	vsub.f32 v22, v17;
	v19 =	vsub.f32 v27, v21  }
0xeb: {  	v22 =	vsub.f32 v32, v24;
	v18 =	vsub.f32 v20, v18;
	v21 =	vmax.f32 v6, v21  }
0xec: {  	v20 =	vmin.f32 v5, v23;
	v23 =	vsub.f32 v34, v33;
	v24 =	vsub.f32 v29, v25  }
0xed: {  	v25 =	vmin.f32 v7, v27;
	v16 =	vsub.f32 v20, v16;
	v20 =	vsub.f32 v36, v31  }
0xee: {  	v14 =	vmul.f32 v15, v14;
	v21 =	vsub.f32 v25, v21;
	v25 =	vmul.f32 v28, v26  }
0xef: {  	s9 =	sadd.s32 $0x40, s9;
	v13 =	vmul.f32 v13, v30;
	v17 =	vmax.f32 v17, $0.0e+00;
	v15 =	vmul.f32 v19, v35  }
0xf0: {  	v18 =	vmax.f32 v18, $0.0e+00;
	v16 =	vmax.f32 v16, $0.0e+00;
	v19 =	vmax.f32 v21, $0.0e+00;
	v21 =	vld [tilespmem:s9+$0x10]  }
0xf1: {  	v16 =	vmul.f32 v19, v16;
	v15 =	vadd.f32 v15, v10;
	v19 =	vmax.f32 v22, $0.0e+00;
	v22 =	vld [tilespmem:s9+$0x0]  }
0xf2: {  	v23 =	vmax.f32 v23, $0.0e+00;
	v24 =	vmax.f32 v24, $0.0e+00;
	v20 =	vmax.f32 v20, $0.0e+00;
	v26 =	vld [tilespmem:s9+$0xFFFFFFF0]  }
0xf3: {  	s11 =	sadd.s32 $0x40, s11;
	v20 =	vmul.f32 v20, v23;
	v13 =	vadd.f32 v13, v10;
	v15 =	vsub.f32 v15, v16;
	v27 =	vld [tilespmem:s9+$0xFFFFFFE0]  }
0xf4: {  	s12 =	sadd.s32 $0x40, s12;
	v14 =	vadd.f32 v14, v10;
	v17 =	vmul.f32 v18, v17;
	v19 =	vmul.f32 v24, v19;
	v28 =	vld [tilespmem:s11+$0x10]  }
0xf5: {  	s13 =	sadd.s32 $0x40, s13;
	v18 =	vadd.f32 v25, v10;
	v13 =	vsub.f32 v13, v20;
	v15 =	vmax.f32 v15, $9.999999710e-10;
	v29 =	vld [tilespmem:s12+$0x10]  }
0xf6: {  	s14 =	sadd.s32 $0x40, s14;
	v23 =	vor.u32 s10, v9;
	v15 =	vmul.f32 $5.000000000e-01, v15;
	v25 =	vld [tilespmem:s13+$0x10]  }
0xf7: {  	s16 =	sadd.s32 $0x10, s10;
	v14 =	vsub.f32 v14, v17;
	v13 =	vmax.f32 v13, $9.999999710e-10;
	v18 =	vsub.f32 v18, v19;
	v30 =	vld [tilespmem:s14+$0x10]  }
0xf8: {  	v13 =	vmul.f32 $5.000000000e-01, v13;
	vm8 =	vgt.f32 v16, v15;
	v15 =	vor.u32 s16, v9;
	v31 =	vld [tilespmem:s11+$0x0]  }
0xf9: {  	v14 =	vmax.f32 v14, $9.999999710e-10;
	v18 =	vmax.f32 v18, $9.999999710e-10;
	v16 =	vsel vm8, $0xBF800000, v27;
	v34 =	vld [tilespmem:s12+$0x0]  }
0xfa: {  	vm9 =	vgt.f32 v20, v13;
	v13 =	vmul.f32 $5.000000000e-01, v18;
	vm8 =	vgt.f32 v16, v12;
	v35 =	vld [tilespmem:s13+$0x0];
	[tilespmem:s9+$0xFFFFFFE0] =	vst v16  }
0xfb: {  	v12 =	vsel vm8, v16, v12;
	v11 =	vsel vm8, v23, v11;
	v16 =	vsel vm9, $0xBF800000, v26;
	v36 =	vld [tilespmem:s14+$0x0]  }
0xfc: {  	v14 =	vmul.f32 $5.000000000e-01, v14;
	vm9 =	vgt.f32 v19, v13;
	vm8 =	vgt.f32 v16, v12;
	v37 =	vld [tilespmem:s11+$0xFFFFFFF0];
	[tilespmem:s9+$0xFFFFFFF0] =	vst v16  }
0xfd: {  	s16 =	sadd.s32 $0x20, s10;
	v12 =	vsel vm8, v16, v12;
	v11 =	vsel vm8, v15, v11;
	v15 =	vsel vm9, $0xBF800000, v22;
	v13 =	vld [tilespmem:s12+$0xFFFFFFF0]  }
0xfe: {  	v18 =	vor.u32 s16, v9;
	vm9 =	vgt.f32 v17, v14;
	vm8 =	vgt.f32 v15, v12;
	v38 =	vld [tilespmem:s13+$0xFFFFFFF0];
	[tilespmem:s9+$0x0] =	vst v15  }
0xff: {  	s16 =	sadd.s32 $0x30, s10;
	s10 =	smov.u32 s15;
	v14 =	vsel vm9, $0xBF800000, v21;
	v12 =	vsel vm8, v15, v12;
	v11 =	vsel vm8, v18, v11;
	v16 =	vld [tilespmem:s14+$0xFFFFFFF0]  }
0x100: {  	v15 =	vor.u32 s16, v9;
	vm8 =	vgt.f32 v14, v12;
	v19 =	vld [tilespmem:s11+$0xFFFFFFE0];
	[tilespmem:s9+$0x10] =	vst v14  }
0x101: {  	v17 =	vmax.f32 v4, v28;
	v12 =	vsel vm8, v14, v12;
	v11 =	vsel vm8, v15, v11;
	v21 =	vld [tilespmem:s12+$0xFFFFFFE0]  }
.Ltmp2:
0x102: {  	v22 =	vmin.f32 v5, v25;
	v20 =	vmin.f32 v7, v30;
	v18 =	vmax.f32 v6, v29;
	v23 =	vld [tilespmem:s13+$0xFFFFFFE0];
	(pc) =	sbr.rel @p0 .LBB2_4-.Ltmp2, $4  }
0x103: {  	v24 =	vmax.f32 v4, v31;
	v14 =	vsub.f32 v25, v28;
	v15 =	vsub.f32 v30, v29;
	v27 =	vld [tilespmem:s14+$0xFFFFFFE0]  }
0x104: {  	v32 =	vmin.f32 v5, v35;
	v25 =	vmax.f32 v6, v34;
	v29 =	vmin.f32 v7, v36  }
0x105: {  	v26 =	vsub.f32 v35, v31;
	v28 =	vsub.f32 v36, v34;
	v33 =	vmax.f32 v4, v37  }
0x106: {  	s15 =	sadd.s32 $0x40, s15;
	v31 =	vmax.f32 v6, v13;
	v34 =	vmin.f32 v5, v38;
	v30 =	vsub.f32 v38, v37  }
0x107: {  	v35 =	vsub.f32 v23, v19;
	v36 =	vmin.f32 v7, v16;
	v13 =	vsub.f32 v16, v13  }
0x108: {  	v16 =	vmax.f32 v4, v19;
	v17 =	vsub.f32 v22, v17;
	v22 =	vsub.f32 v32, v24  }
0x109: {  	v18 =	vsub.f32 v20, v18;
	v20 =	vmin.f32 v5, v23;
	v23 =	vsub.f32 v34, v33  }
0x10a: {  	v24 =	vsub.f32 v29, v25;
	v14 =	vmul.f32 v15, v14;
	v19 =	vsub.f32 v27, v21  }
0x10b: {  	v21 =	vmax.f32 v6, v21;
	v25 =	vmin.f32 v7, v27;
	v16 =	vsub.f32 v20, v16  }
0x10c: {  	v20 =	vsub.f32 v25, v21;
	v21 =	vmul.f32 v28, v26;
	v25 =	vsub.f32 v36, v31  }
0x10d: {  	v13 =	vmul.f32 v13, v30;
	v17 =	vmax.f32 v17, $0.0e+00;
	v18 =	vmax.f32 v18, $0.0e+00  }
0x10e: {  	v15 =	vmul.f32 v19, v35;
	v16 =	vmax.f32 v16, $0.0e+00;
	v19 =	vmax.f32 v20, $0.0e+00  }
0x10f: {  	v17 =	vmul.f32 v18, v17;
	v20 =	vmax.f32 v23, $0.0e+00;
	v16 =	vmul.f32 v19, v16  }
0x110: {  	v15 =	vadd.f32 v15, v10;
	v19 =	vmax.f32 v22, $0.0e+00;
	v22 =	vmax.f32 v25, $0.0e+00  }
0x111: {  	v13 =	vadd.f32 v13, v10;
	v21 =	vadd.f32 v21, v10;
	v20 =	vmul.f32 v22, v20  }
0x112: {  	s9 =	sadd.s32 $0x40, s9;
	v23 =	vmax.f32 v24, $0.0e+00;
	v10 =	vadd.f32 v14, v10;
	v15 =	vsub.f32 v15, v16  }
0x113: {  	v22 =	vld [tilespmem:s9+$0xFFFFFFE0];
	v19 =	vmul.f32 v23, v19;
	v13 =	vsub.f32 v13, v20  }
0x114: {  	v23 =	vld [tilespmem:s9+$0xFFFFFFF0];
	v10 =	vsub.f32 v10, v17;
	v15 =	vmax.f32 v15, $9.999999710e-10  }
0x115: {  	v18 =	vsub.f32 v21, v19;
	v14 =	vmul.f32 $5.000000000e-01, v15;
	v13 =	vmax.f32 v13, $9.999999710e-10  }
0x116: {  	v10 =	vmax.f32 v10, $9.999999710e-10;
	v15 =	vor.u32 s10, v9;
	v13 =	vmul.f32 $5.000000000e-01, v13  }
0x117: {  	s11 =	sadd.s32 $0x10, s10;
	v18 =	vmax.f32 v18, $9.999999710e-10;
	v10 =	vmul.f32 $5.000000000e-01, v10;
	vm8 =	vgt.f32 v16, v14;
	v14 =	vld [tilespmem:s9+$0x0]  }
0x118: {  	v16 =	vor.u32 s11, v9;
	v21 =	vsel vm8, $0xBF800000, v22;
	vm9 =	vgt.f32 v20, v13  }
0x119: {  	v13 =	vmul.f32 $5.000000000e-01, v18;
	vm8 =	vgt.f32 v21, v12;
	v18 =	vsel vm9, $0xBF800000, v23  }
0x11a: {  	v20 =	vld [tilespmem:s9+$0x10];
	v12 =	vsel vm8, v21, v12;
	v11 =	vsel vm8, v15, v11;
	v15 =	vimm.s32 $0x67452301  }
0x11b: {  	vm9 =	vgt.f32 v19, v13;
	vm8 =	vgt.f32 v18, v12;
	v15 =	vunpack.c.l.s4.s8 v15  }
0x11c: {  	s15 =	sadd.s32 $0x20, s10;
	v12 =	vsel vm8, v18, v12;
	v13 =	vsel vm9, $0xBF800000, v14;
	v14 =	vimm.s32 $0xEFCDAB89  }
0x11d: {  	v11 =	vsel vm8, v16, v11;
	v16 =	vor.u32 s15, v9;
	v14 =	vunpack.c.l.s4.s8 v14  }
0x11e: {  	vm9 =	vgt.f32 v17, v10;
	vm8 =	vgt.f32 v13, v12;
	v15 =	vunpack.c.0.s8.s32 v15  }
0x11f: {  	v10 =	vsel vm8, v13, v12;
	v12 =	vsel vm9, $0xBF800000, v20;
	v14 =	vunpack.c.0.s8.s32 v14  }
0x120: {  	s16 =	sadd.s32 $0x30, s10;
	v11 =	vsel vm8, v16, v11;
	vm8 =	vgt.f32 v12, v10  }
0x121: {  	v9 =	vor.u32 s16, v9;
	v10 =	vsel vm8, v12, v10;
	v14 =	vcombine.low v15, v14  }
0x122: {  	v9 =	vsel vm8, v9, v11;
	v11 =	vimm.s32 $0xDCFE98BA;
	v15 =	vimm.s32 $0x54761032  }
0x123: {  	v11 =	vunpack.c.l.s4.s8 v11;
	v15 =	vunpack.c.l.s4.s8 v15;
	v14 =	vand.u32 $0xF, v14  }
0x124: {  	v16 =	vperm.xlane v10, v14;
	v17 =	vperm.xlane v9, v14  }
0x125: {  	v11 =	vunpack.c.0.s8.s32 v11;
	v15 =	vunpack.c.0.s8.s32 v15  }
0x126: {  	vm8 =	veq.f32 v16, v10;
	vm9 =	vlt.s32 v17, v9  }
0x127: {  	vm10 =	vgt.f32 v16, v10;
	v11 =	vcombine.low v15, v11;
	vm8 =	vmand vm8, vm9  }
0x128: {  	vm8 =	vmor vm10, vm8  }
0x129: {  	v11 =	vand.u32 $0xF, v11;
	v10 =	vsel vm8, v16, v10;
	v9 =	vsel vm8, v17, v9  }
0x12a: {  	v16 =	vimm.s32 $0xBA98FEDC;
	v17 =	vimm.s32 $0x32107654;
	v15 =	vperm.xlane v10, v11  }
0x12b: {  	v19 =	vperm.xlane v9, v11;
	v16 =	vunpack.c.l.s4.s8 v16;
	v17 =	vunpack.c.l.s4.s8 v17  }
0x12c: {  	vm8 =	veq.f32 v15, v10  }
0x12d: {  	vm9 =	vlt.s32 v19, v9;
	v16 =	vunpack.c.0.s8.s32 v16;
	v17 =	vunpack.c.0.s8.s32 v17  }
0x12e: {  	vm10 =	vgt.f32 v15, v10;
	vm8 =	vmand vm8, vm9  }
0x12f: {  	vm8 =	vmor vm10, vm8;
	v16 =	vcombine.low v17, v16  }
0x130: {  	v10 =	vsel vm8, v15, v10;
	v9 =	vsel vm8, v19, v9;
	v15 =	vimm.s32 $0xFEDCBA98  }
0x131: {  	v17 =	vand.u32 $0xF, v16;
	v16 =	vimm.s32 $0x76543210;
	v15 =	vunpack.c.l.s4.s8 v15  }
0x132: {  	v19 =	vperm.xlane v10, v17;
	v20 =	vperm.xlane v9, v17;
	v16 =	vunpack.c.l.s4.s8 v16  }
0x133: {  	v15 =	vunpack.c.0.s8.s32 v15  }
0x134: {  	vm8 =	veq.f32 v19, v10;
	vm9 =	vlt.s32 v20, v9;
	v16 =	vunpack.c.0.s8.s32 v16  }
0x135: {  	vm10 =	vgt.f32 v19, v10;
	vm8 =	vmand vm8, vm9;
	v15 =	vand.u32 $0xF, v15  }
0x136: {  	vm8 =	vmor vm10, vm8;
	v15 =	vcombine.low v15, v16  }
0x137: {  	v10 =	vsel vm8, v19, v10;
	v9 =	vsel vm8, v20, v9  }
0x138: {  	v16 =	vperm.xlane v10, v15;
	v19 =	vperm.xlane v9, v15;
	_ =	sdelay $0x1  }
0x139: {  	vm8 =	veq.f32 v16, v10;
	vm9 =	vlt.s32 v19, v9  }
0x13a: {  	vm10 =	vgt.f32 v16, v10;
	vm8 =	vmand vm8, vm9  }
0x13b: {  	vm8 =	vmor vm10, vm8  }
0x13c: {  	v9 =	vsel vm8, v19, v9  }
0x13d: {  	[tilespmem:s9+$0xFFFFFFE0] =	vst v21  }
0x13e: {  	[tilespmem:s9+$0xFFFFFFF0] =	vst v18  }
0x13f: {  	[tilespmem:s9+$0x0] =	vst v13  }
0x140: {  	s17 =	simm.s32 $0x600;
	[tilespmem:s9+$0x10] =	vst v12  }
0x141: {  	v12 =	vld.idx.msk [tilespmem:v9+s17+$0x0], $0xffff;
	_ =	sdelay $0x1  }
0x142: {  	s18 =	simm.s32 $0xC00  }
0x143: {  	s19 =	simm.s32 $0xA80;
	v13 =	vld.idx.msk [tilespmem:v9+s18+$0x0], $0xffff  }
0x144: {  	s20 =	simm.s32 $0x900;
	v18 =	vld.idx.msk [tilespmem:v9+s19+$0x0], $0xffff  }
0x145: {  	s21 =	simm.s32 $0x780;
	v19 =	vld.idx.msk [tilespmem:v9+s20+$0x0], $0xffff;
	v12 =	vcvt.s32.f32 v12  }
0x146: {  	v20 =	vld.idx.msk [tilespmem:v9+s21+$0x0], $0xffff  }
0x147: {  	v12 =	vsel vm4, $0x0, v12  }
0x148: {  	v12 =	vsel vm0, v12, v13  }
0x149: {  	v9 =	vadd.s32 v0, v9;
	v12 =	vsel vm5, v12, v18  }
0x14a: {  	v9 =	vcvt.s32.f32 v9;
	v12 =	vsel vm6, v12, v19  }
0x14b: {  	v12 =	vsel vm7, v12, v20  }
0x14c: {  	v10 =	vsel vm8, v16, v10;
	v9 =	vsel vm1, v12, v9  }
0x14d: {  	v9 =	vsel vm2, v10, v9  }
0x14e: {  	s22 =	simm.s32 $0xF00;
	s23 =	simm.s32 $0x2;
	[tilespmem:$0xF00] =	vst v9  }
0x14f: {  	[spmem:s6] =	stream.linear.scatter [tilespmem:s22], [sflag:$0x2], $0x8, $0x38;
	[tilespmem:$0x1190] =	vst v63  }
0x150: {  	_ =	swait.ge [sflag:s23], $0x8  }
0x151: {  	v16 =	vlaneseq.u32;
	[sflag:s23] =	ssyncset.done $0x0  }
0x152: {  	v9 =	vmul.u32 $0x8, v16;
	[sflag:s23] =	ssyncadd.s32 $0xFFFFFFF8  }
0x153: {  	s24 =	simm.s32 $0xF80;
	[bflag:$0x0] =	sbarrier.arrive $0xFFFF  }
0x154: {  	v10 =	vor.u32 $0x1, v9;
	[tilespmem:s24], [sflag:$0x2] =	stream.linear.gather [spmem:s5], $0x80, $0x38;
	[tilespmem:$0x1190] =	vst v63  }
0x155: {  	_ =	swait.ge [sflag:s23], $0x80  }
0x156: {  	[sflag:s23] =	ssyncset.done $0x0  }
0x157: {  	[sflag:s23] =	ssyncadd.s32 $0xFFFFFF80  }
0x158: {  	v9 =	vld.idx.msk [tilespmem:v9+s24+$0x0], $0xffff  }
0x159: {  	v10 =	vld.idx.msk [tilespmem:v10+s24+$0x0], $0xffff;
	_ =	sdelay $0x4  }
0x15a: {  	v12 =	vperm.xlane v9, v14;
	v13 =	vperm.xlane v10, v14;
	_ =	sdelay $0x1  }
0x15b: {  	vm8 =	veq.f32 v12, v9;
	vm9 =	vlt.f32 v13, v10  }
0x15c: {  	vm10 =	vgt.f32 v12, v9;
	vm8 =	vmand vm8, vm9  }
0x15d: {  	vm8 =	vmor vm10, vm8  }
0x15e: {  	v9 =	vsel vm8, v12, v9;
	v10 =	vsel vm8, v13, v10  }
0x15f: {  	v12 =	vperm.xlane v9, v11;
	v13 =	vperm.xlane v10, v11;
	_ =	sdelay $0x1  }
0x160: {  	vm9 =	veq.f32 v12, v9;
	vm10 =	vlt.f32 v13, v10  }
0x161: {  	vm9 =	vmand vm9, vm10;
	vm10 =	vgt.f32 v12, v9  }
0x162: {  	vm9 =	vmor vm10, vm9  }
0x163: {  	v9 =	vsel vm9, v12, v9;
	v10 =	vsel vm9, v13, v10  }
0x164: {  	v12 =	vperm.xlane v9, v17;
	v13 =	vperm.xlane v10, v17  }
0x165: {  	v14 =	vsel vm8, v3, v16  }
0x166: {  	v11 =	vperm.xlane v14, v11;
	vm8 =	veq.f32 v12, v9;
	vm10 =	vlt.f32 v13, v10  }
0x167: {  	vm8 =	vmand vm8, vm10;
	vm10 =	vgt.f32 v12, v9  }
0x168: {  	v11 =	vsel vm9, v11, v14;
	vm8 =	vmor vm10, vm8  }
0x169: {  	v9 =	vsel vm8, v12, v9;
	v12 =	vsel vm8, v13, v10;
	v13 =	vperm.xlane v11, v17  }
0x16a: {  	v10 =	vperm.xlane v9, v15;
	v14 =	vperm.xlane v12, v15  }
0x16b: {  	s25 =	simm.s32 $0x7A0  }
0x16c: {  	s26 =	simm.s32 $0x920;
	v18 =	vld [tilespmem:s25+$0x10];
	v11 =	vsel vm8, v13, v11;
	vm8 =	veq.f32 v10, v9;
	vm9 =	vlt.f32 v14, v12  }
0x16d: {  	s12 =	simm.s32 $0xAA0;
	v19 =	vld [tilespmem:s26+$0x10];
	vm10 =	vgt.f32 v10, v9;
	v12 =	vperm.xlane v11, v15;
	vm8 =	vmand vm8, vm9  }
0x16e: {  	s13 =	simm.s32 $0xC20;
	v20 =	vld [tilespmem:s12+$0x10];
	vm8 =	vmor vm10, vm8  }
0x16f: {  	v21 =	vld [tilespmem:s13+$0x10];
	v11 =	vsel vm8, v12, v11  }
0x170: {  	v22 =	vld [tilespmem:s25+$0x0];
	v15 =	vshll.u32 v11, $0x3  }
0x171: {  	v24 =	vld [tilespmem:s12+$0x0];
	v11 =	vor.u32 $0x2, v15  }
0x172: {  	v28 =	vld [tilespmem:s12+$0xFFFFFFF0];
	v12 =	vor.u32 $0x3, v15  }
0x173: {  	s14 =	simm.s32 $0xC60;
	v49 =	vld [tilespmem:s12+$0xFFFFFFE0];
	v14 =	vor.u32 $0x4, v15  }
0x174: {  	s12 =	simm.s32 $0x960;
	v42 =	vld [tilespmem:s14+$0x0];
	v17 =	vor.u32 $0x5, v15  }
0x175: {  	v61 =	vld [tilespmem:s12+$0x0]  }
0x176: {  	v11 =	vld.idx.msk [tilespmem:v11+s24+$0x0], $0xffff  }
0x177: {  	v13 =	vld.idx.msk [tilespmem:v12+s24+$0x0], $0xffff  }
0x178: {  	v12 =	vld.idx.msk [tilespmem:v14+s24+$0x0], $0xffff  }
0x179: {  	v14 =	vld.idx.msk [tilespmem:v17+s24+$0x0], $0xffff  }
0x17a: {  	v23 =	vld [tilespmem:s26+$0x0]  }
0x17b: {  	v25 =	vld [tilespmem:s13+$0x0]  }
0x17c: {  	s28 =	simm.s32 $0x0;
	v26 =	vld [tilespmem:s25+$0xFFFFFFF0]  }
0x17d: {  	v56 =	vor.u32 s28, v16;
	v27 =	vld [tilespmem:s26+$0xFFFFFFF0];
	v35 =	vsub.f32 v42, v61  }
0x17e: {  	v30 =	vld [tilespmem:s13+$0xFFFFFFF0];
	v15 =	vor.u32 $0x6, v15;
	v17 =	vsub.f32 v12, v11;
	v29 =	vsub.f32 v14, v13  }
0x17f: {  	v31 =	vld [tilespmem:s25+$0xFFFFFFE0];
	v48 =	vmax.f32 v11, v18;
	v50 =	vmax.f32 v13, v19;
	v51 =	vmin.f32 v12, v20  }
0x180: {  	v52 =	vmin.f32 v14, v21;
	v38 =	vmax.f32 v11, v22;
	v18 =	vsub.f32 v20, v18  }
0x181: {  	v19 =	vsub.f32 v21, v19;
	v20 =	vmax.f32 v13, v23;
	v21 =	vmin.f32 v12, v24  }
0x182: {  	v37 =	vld [tilespmem:s13+$0xFFFFFFE0];
	v39 =	vmin.f32 v14, v25;
	v40 =	vmax.f32 v11, v26;
	v22 =	vsub.f32 v24, v22  }
0x183: {  	s13 =	simm.s32 $0xAE0;
	v23 =	vsub.f32 v25, v23;
	v24 =	vmax.f32 v13, v27;
	v25 =	vmin.f32 v12, v28  }
0x184: {  	v62 =	vld [tilespmem:s13+$0x0];
	v26 =	vsub.f32 v28, v26;
	v28 =	vsub.f32 v49, v31;
	v41 =	vmin.f32 v14, v30  }
0x185: {  	v27 =	vsub.f32 v30, v27;
	v30 =	vmax.f32 v11, v31;
	v17 =	vmul.f32 v29, v17;
	v29 =	vld [tilespmem:s26+$0xFFFFFFE0]  }
0x186: {  	v33 =	vmin.f32 v12, v49;
	v32 =	vsub.f32 v51, v48;
	v21 =	vsub.f32 v21, v38  }
0x187: {  	v53 =	vmin.f32 v14, v37;
	v34 =	vsub.f32 v52, v50;
	v25 =	vsub.f32 v25, v40  }
0x188: {  	v36 =	vmin.f32 v14, v42;
	v20 =	vsub.f32 v39, v20;
	v30 =	vsub.f32 v33, v30  }
0x189: {  	v24 =	vsub.f32 v41, v24;
	v39 =	vmin.f32 v12, v62;
	v22 =	vmul.f32 v23, v22  }
0x18a: {  	v18 =	vmul.f32 v19, v18;
	v31 =	vsub.f32 v37, v29;
	v29 =	vmax.f32 v13, v29  }
0x18b: {  	s11 =	simm.s32 $0x7E0;
	v23 =	vmul.f32 v27, v26;
	v26 =	vmax.f32 v32, $0.0e+00;
	v29 =	vsub.f32 v53, v29  }
0x18c: {  	v43 =	vld [tilespmem:s11+$0xFFFFFFF0];
	v27 =	vmax.f32 v30, $0.0e+00;
	v21 =	vmax.f32 v21, $0.0e+00;
	v19 =	vmul.f32 v31, v28  }
0x18d: {  	v25 =	vmax.f32 v25, $0.0e+00;
	v24 =	vmax.f32 v24, $0.0e+00;
	v28 =	vmax.f32 v29, $0.0e+00  }
0x18e: {  	v60 =	vld [tilespmem:s11+$0x0];
	v20 =	vmax.f32 v20, $0.0e+00;
	v27 =	vmul.f32 v28, v27;
	v19 =	vadd.f32 v19, v17  }
0x18f: {  	v54 =	vld [tilespmem:s11+$0x10];
	v24 =	vmul.f32 v24, v25;
	v23 =	vadd.f32 v23, v17;
	v20 =	vmul.f32 v20, v21  }
0x190: {  	s9 =	simm.s32 $0xDA0;
	v59 =	vld [tilespmem:s14+$0x10];
	v22 =	vadd.f32 v22, v17;
	v29 =	vmax.f32 v34, $0.0e+00;
	v19 =	vsub.f32 v19, v27  }
0x191: {  	v40 =	vmax.f32 v11, v43;
	v25 =	vld [tilespmem:s9+$0xFFFFFFE0];
	v18 =	vadd.f32 v18, v17;
	v21 =	vmul.f32 v29, v26  }
0x192: {  	v55 =	vld [tilespmem:s12+$0x10];
	v23 =	vsub.f32 v23, v24;
	v22 =	vsub.f32 v22, v20;
	v19 =	vmax.f32 v19, $9.999999710e-10  }
0x193: {  	v33 =	vsub.f32 v62, v60;
	v31 =	vld [tilespmem:s9+$0xFFFFFFF0];
	v18 =	vsub.f32 v18, v21;
	v19 =	vmul.f32 $5.000000000e-01, v19  }
0x194: {  	v57 =	vld [tilespmem:s13+$0x10];
	v30 =	vimm.s32 $0x0;
	v23 =	vmax.f32 v23, $9.999999710e-10;
	v22 =	vmax.f32 v22, $9.999999710e-10  }
0x195: {  	v26 =	vld [tilespmem:s9+$0x0];
	v18 =	vmax.f32 v18, $9.999999710e-10;
	vm9 =	vgt.f32 v27, v19;
	v19 =	vmul.f32 $5.000000000e-01, v23  }
0x196: {  	v45 =	vld [tilespmem:s13+$0xFFFFFFF0];
	v29 =	vimm.f32 $-2.000000000e+00;
	v18 =	vmul.f32 $5.000000000e-01, v18;
	v58 =	vsel vm9, $0xBF800000, v25  }
0x197: {  	v15 =	vld.idx.msk [tilespmem:v15+s24+$0x0], $0xffff;
	vm9 =	vgt.f32 v58, v29;
	vm10 =	vgt.f32 v24, v19;
	v19 =	vmul.f32 $5.000000000e-01, v22  }
0x198: {  	s29 =	simm.s32 $0x10;
	v34 =	vld [tilespmem:s14+$0xFFFFFFE0];
	v22 =	vsel vm9, v58, v29;
	v23 =	vsel vm9, v56, v30;
	v30 =	vsel vm10, $0xBF800000, v31  }
0x199: {  	v28 =	vld [tilespmem:s9+$0x10];
	vm9 =	vgt.f32 v30, v22;
	vm10 =	vgt.f32 v20, v19;
	v19 =	vor.u32 s29, v16  }
0x19a: {  	v20 =	vsel vm9, v30, v22;
	v63 =	vsel vm10, $0xBF800000, v26;
	v19 =	vsel vm9, v19, v23;
	v23 =	vld [tilespmem:s14+$0xFFFFFFF0]  }
0x19b: {  	v41 =	vmin.f32 v12, v45;
	v32 =	vmax.f32 v13, v61;
	v26 =	vld [tilespmem:s11+$0xFFFFFFE0];
	vm9 =	vgt.f32 v63, v20  }
0x19c: {  	v37 =	vsub.f32 v45, v43;
	vm10 =	vgt.f32 v21, v18;
	v21 =	vsel vm9, v63, v20;
	v20 =	vld [tilespmem:s12+$0xFFFFFFF0]  }
0x19d: {  	s30 =	simm.s32 $0x20;
	v27 =	vmin.f32 v14, v59;
	v25 =	vmax.f32 v13, v55;
	v24 =	vmax.f32 v11, v54;
	[tilespmem:s9+$0xFFFFFFF0] =	vst v30;
	v30 =	vld [tilespmem:s13+$0xFFFFFFE0]  }
0x19e: {  	s31 =	simm.s32 $0x30;
	v29 =	vmin.f32 v12, v57;
	v18 =	vor.u32 s30, v16;
	v44 =	vsel vm10, $0xBF800000, v28;
	v28 =	vld [tilespmem:s12+$0xFFFFFFE0]  }
0x19f: {  	[tilespmem:s9+$0xFFFFFFE0] =	vst v58;
	v22 =	vor.u32 s31, v16;
	v18 =	vsel vm9, v18, v19;
	vm9 =	vgt.f32 v44, v21  }
0x1a0: {  	v31 =	vmax.f32 v11, v60;
	[tilespmem:s9+$0x0] =	vst v63;
	v19 =	vsel vm9, v44, v21;
	v18 =	vsel vm9, v22, v18  }
0x1a1: {  	s10 =	simm.s32 $0x40;
	s15 =	simm.s32 $0x80;
	[tilespmem:s9+$0x10] =	vst v44;
	v21 =	vsub.f32 v57, v54;
	v22 =	vsub.f32 v59, v55;
	v38 =	vmax.f32 v13, v20  }
.LBB2_6:
0x1a2: {  	p0 =	slt.u32 s15, $0x100;
	v42 =	vsub.f32 v30, v26;
	v43 =	vmin.f32 v14, v23;
	v20 =	vsub.f32 v23, v20  }
0x1a3: {  	v23 =	vmax.f32 v11, v26;
	v24 =	vsub.f32 v29, v24;
	v26 =	vsub.f32 v34, v28  }
0x1a4: {  	v29 =	vsub.f32 v39, v31;
	v25 =	vsub.f32 v27, v25;
	v28 =	vmax.f32 v13, v28  }
0x1a5: {  	v27 =	vmin.f32 v12, v30;
	v30 =	vsub.f32 v41, v40;
	v31 =	vsub.f32 v36, v32  }
0x1a6: {  	v32 =	vmin.f32 v14, v34;
	v23 =	vsub.f32 v27, v23;
	v27 =	vsub.f32 v43, v38  }
0x1a7: {  	v21 =	vmul.f32 v22, v21;
	v28 =	vsub.f32 v32, v28;
	v32 =	vmul.f32 v35, v33  }
0x1a8: {  	s9 =	sadd.s32 $0x40, s9;
	v20 =	vmul.f32 v20, v37;
	v24 =	vmax.f32 v24, $0.0e+00;
	v22 =	vmul.f32 v26, v42  }
0x1a9: {  	v25 =	vmax.f32 v25, $0.0e+00;
	v23 =	vmax.f32 v23, $0.0e+00;
	v26 =	vmax.f32 v28, $0.0e+00;
	v28 =	vld [tilespmem:s9+$0x10]  }
0x1aa: {  	v23 =	vmul.f32 v26, v23;
	v22 =	vadd.f32 v22, v17;
	v26 =	vmax.f32 v29, $0.0e+00;
	v29 =	vld [tilespmem:s9+$0x0]  }
0x1ab: {  	v30 =	vmax.f32 v30, $0.0e+00;
	v31 =	vmax.f32 v31, $0.0e+00;
	v27 =	vmax.f32 v27, $0.0e+00;
	v33 =	vld [tilespmem:s9+$0xFFFFFFF0]  }
0x1ac: {  	s11 =	sadd.s32 $0x40, s11;
	v27 =	vmul.f32 v27, v30;
	v20 =	vadd.f32 v20, v17;
	v22 =	vsub.f32 v22, v23;
	v34 =	vld [tilespmem:s9+$0xFFFFFFE0]  }
0x1ad: {  	s12 =	sadd.s32 $0x40, s12;
	v21 =	vadd.f32 v21, v17;
	v24 =	vmul.f32 v25, v24;
	v26 =	vmul.f32 v31, v26;
	v35 =	vld [tilespmem:s11+$0x10]  }
0x1ae: {  	s13 =	sadd.s32 $0x40, s13;
	v25 =	vadd.f32 v32, v17;
	v20 =	vsub.f32 v20, v27;
	v22 =	vmax.f32 v22, $9.999999710e-10;
	v36 =	vld [tilespmem:s12+$0x10]  }
0x1af: {  	s14 =	sadd.s32 $0x40, s14;
	v30 =	vor.u32 s10, v16;
	v22 =	vmul.f32 $5.000000000e-01, v22;
	v32 =	vld [tilespmem:s13+$0x10]  }
0x1b0: {  	s16 =	sadd.s32 $0x10, s10;
	v21 =	vsub.f32 v21, v24;
	v20 =	vmax.f32 v20, $9.999999710e-10;
	v25 =	vsub.f32 v25, v26;
	v37 =	vld [tilespmem:s14+$0x10]  }
0x1b1: {  	v20 =	vmul.f32 $5.000000000e-01, v20;
	vm9 =	vgt.f32 v23, v22;
	v22 =	vor.u32 s16, v16;
	v38 =	vld [tilespmem:s11+$0x0]  }
0x1b2: {  	v21 =	vmax.f32 v21, $9.999999710e-10;
	v25 =	vmax.f32 v25, $9.999999710e-10;
	v23 =	vsel vm9, $0xBF800000, v34;
	v41 =	vld [tilespmem:s12+$0x0]  }
0x1b3: {  	vm10 =	vgt.f32 v27, v20;
	v20 =	vmul.f32 $5.000000000e-01, v25;
	vm9 =	vgt.f32 v23, v19;
	v42 =	vld [tilespmem:s13+$0x0];
	[tilespmem:s9+$0xFFFFFFE0] =	vst v23  }
0x1b4: {  	v19 =	vsel vm9, v23, v19;
	v18 =	vsel vm9, v30, v18;
	v23 =	vsel vm10, $0xBF800000, v33;
	v43 =	vld [tilespmem:s14+$0x0]  }
0x1b5: {  	v21 =	vmul.f32 $5.000000000e-01, v21;
	vm10 =	vgt.f32 v26, v20;
	vm9 =	vgt.f32 v23, v19;
	v44 =	vld [tilespmem:s11+$0xFFFFFFF0];
	[tilespmem:s9+$0xFFFFFFF0] =	vst v23  }
0x1b6: {  	s16 =	sadd.s32 $0x20, s10;
	v19 =	vsel vm9, v23, v19;
	v18 =	vsel vm9, v22, v18;
	v22 =	vsel vm10, $0xBF800000, v29;
	v20 =	vld [tilespmem:s12+$0xFFFFFFF0]  }
0x1b7: {  	v25 =	vor.u32 s16, v16;
	vm10 =	vgt.f32 v24, v21;
	vm9 =	vgt.f32 v22, v19;
	v45 =	vld [tilespmem:s13+$0xFFFFFFF0];
	[tilespmem:s9+$0x0] =	vst v22  }
0x1b8: {  	s16 =	sadd.s32 $0x30, s10;
	s10 =	smov.u32 s15;
	v21 =	vsel vm10, $0xBF800000, v28;
	v19 =	vsel vm9, v22, v19;
	v18 =	vsel vm9, v25, v18;
	v23 =	vld [tilespmem:s14+$0xFFFFFFF0]  }
0x1b9: {  	v22 =	vor.u32 s16, v16;
	vm9 =	vgt.f32 v21, v19;
	v26 =	vld [tilespmem:s11+$0xFFFFFFE0];
	[tilespmem:s9+$0x10] =	vst v21  }
0x1ba: {  	v24 =	vmax.f32 v11, v35;
	v19 =	vsel vm9, v21, v19;
	v18 =	vsel vm9, v22, v18;
	v28 =	vld [tilespmem:s12+$0xFFFFFFE0]  }
.Ltmp3:
0x1bb: {  	v29 =	vmin.f32 v12, v32;
	v27 =	vmin.f32 v14, v37;
	v25 =	vmax.f32 v13, v36;
	v30 =	vld [tilespmem:s13+$0xFFFFFFE0];
	(pc) =	sbr.rel @p0 .LBB2_6-.Ltmp3, $4  }
0x1bc: {  	v31 =	vmax.f32 v11, v38;
	v21 =	vsub.f32 v32, v35;
	v22 =	vsub.f32 v37, v36;
	v34 =	vld [tilespmem:s14+$0xFFFFFFE0]  }
0x1bd: {  	v39 =	vmin.f32 v12, v42;
	v32 =	vmax.f32 v13, v41;
	v36 =	vmin.f32 v14, v43  }
0x1be: {  	v33 =	vsub.f32 v42, v38;
	v35 =	vsub.f32 v43, v41;
	v40 =	vmax.f32 v11, v44  }
0x1bf: {  	s15 =	sadd.s32 $0x40, s15;
	v38 =	vmax.f32 v13, v20;
	v41 =	vmin.f32 v12, v45;
	v37 =	vsub.f32 v45, v44  }
0x1c0: {  	v42 =	vsub.f32 v30, v26;
	v43 =	vmin.f32 v14, v23;
	v20 =	vsub.f32 v23, v20  }
0x1c1: {  	v23 =	vmax.f32 v11, v26;
	v24 =	vsub.f32 v29, v24;
	v29 =	vsub.f32 v39, v31  }
0x1c2: {  	v25 =	vsub.f32 v27, v25;
	v27 =	vmin.f32 v12, v30;
	v30 =	vsub.f32 v41, v40  }
0x1c3: {  	v31 =	vsub.f32 v36, v32;
	v21 =	vmul.f32 v22, v21;
	v26 =	vsub.f32 v34, v28  }
0x1c4: {  	v28 =	vmax.f32 v13, v28;
	v51 =	vmin.f32 v14, v34;
	v23 =	vsub.f32 v27, v23  }
0x1c5: {  	v52 =	vsub.f32 v43, v38;
	v27 =	vsub.f32 v51, v28;
	v28 =	vmul.f32 v35, v33  }
0x1c6: {  	v20 =	vmul.f32 v20, v37;
	v24 =	vmax.f32 v24, $0.0e+00;
	v25 =	vmax.f32 v25, $0.0e+00  }
0x1c7: {  	v22 =	vmul.f32 v26, v42;
	v23 =	vmax.f32 v23, $0.0e+00;
	v26 =	vmax.f32 v27, $0.0e+00  }
0x1c8: {  	v24 =	vmul.f32 v25, v24;
	v27 =	vmax.f32 v30, $0.0e+00;
	v23 =	vmul.f32 v26, v23  }
0x1c9: {  	v22 =	vadd.f32 v22, v17;
	v26 =	vmax.f32 v29, $0.0e+00;
	v29 =	vmax.f32 v52, $0.0e+00  }
0x1ca: {  	v20 =	vadd.f32 v20, v17;
	v28 =	vadd.f32 v28, v17;
	v27 =	vmul.f32 v29, v27  }
0x1cb: {  	s9 =	sadd.s32 $0x40, s9;
	v30 =	vmax.f32 v31, $0.0e+00;
	v17 =	vadd.f32 v21, v17;
	v22 =	vsub.f32 v22, v23  }
0x1cc: {  	v29 =	vld [tilespmem:s9+$0xFFFFFFE0];
	v26 =	vmul.f32 v30, v26;
	v20 =	vsub.f32 v20, v27  }
0x1cd: {  	v30 =	vld [tilespmem:s9+$0xFFFFFFF0];
	v17 =	vsub.f32 v17, v24;
	v22 =	vmax.f32 v22, $9.999999710e-10  }
0x1ce: {  	v25 =	vsub.f32 v28, v26;
	v21 =	vmul.f32 $5.000000000e-01, v22;
	v20 =	vmax.f32 v20, $9.999999710e-10  }
0x1cf: {  	v17 =	vmax.f32 v17, $9.999999710e-10;
	v22 =	vor.u32 s10, v16;
	v20 =	vmul.f32 $5.000000000e-01, v20  }
0x1d0: {  	s11 =	sadd.s32 $0x10, s10;
	v25 =	vmax.f32 v25, $9.999999710e-10;
	v17 =	vmul.f32 $5.000000000e-01, v17;
	vm9 =	vgt.f32 v23, v21;
	v21 =	vld [tilespmem:s9+$0x0]  }
0x1d1: {  	v23 =	vor.u32 s11, v16;
	v28 =	vsel vm9, $0xBF800000, v29;
	vm10 =	vgt.f32 v27, v20  }
0x1d2: {  	v20 =	vmul.f32 $5.000000000e-01, v25;
	vm9 =	vgt.f32 v28, v19;
	v25 =	vsel vm10, $0xBF800000, v30  }
0x1d3: {  	v27 =	vld [tilespmem:s9+$0x10];
	v19 =	vsel vm9, v28, v19;
	v18 =	vsel vm9, v22, v18;
	v22 =	vimm.s32 $0x67452301  }
0x1d4: {  	vm10 =	vgt.f32 v26, v20;
	vm9 =	vgt.f32 v25, v19;
	v22 =	vunpack.c.l.s4.s8 v22  }
0x1d5: {  	s13 =	sadd.s32 $0x20, s10;
	v19 =	vsel vm9, v25, v19;
	v20 =	vsel vm10, $0xBF800000, v21;
	v21 =	vimm.s32 $0xEFCDAB89  }
0x1d6: {  	v18 =	vsel vm9, v23, v18;
	v23 =	vor.u32 s13, v16;
	v21 =	vunpack.c.l.s4.s8 v21  }
0x1d7: {  	vm10 =	vgt.f32 v24, v17;
	vm9 =	vgt.f32 v20, v19;
	v22 =	vunpack.c.0.s8.s32 v22  }
0x1d8: {  	v17 =	vsel vm9, v20, v19;
	v19 =	vsel vm10, $0xBF800000, v27;
	v21 =	vunpack.c.0.s8.s32 v21  }
0x1d9: {  	s14 =	sadd.s32 $0x30, s10;
	v18 =	vsel vm9, v23, v18;
	vm9 =	vgt.f32 v19, v17  }
0x1da: {  	v16 =	vor.u32 s14, v16;
	v17 =	vsel vm9, v19, v17;
	v21 =	vcombine.low v22, v21  }
0x1db: {  	v16 =	vsel vm9, v16, v18;
	v18 =	vimm.s32 $0xDCFE98BA;
	v22 =	vimm.s32 $0x54761032  }
0x1dc: {  	v18 =	vunpack.c.l.s4.s8 v18;
	v22 =	vunpack.c.l.s4.s8 v22;
	v21 =	vand.u32 $0xF, v21  }
0x1dd: {  	v23 =	vperm.xlane v17, v21;
	v24 =	vperm.xlane v16, v21  }
0x1de: {  	v18 =	vunpack.c.0.s8.s32 v18;
	v22 =	vunpack.c.0.s8.s32 v22  }
0x1df: {  	vm9 =	veq.f32 v23, v17;
	vm10 =	vlt.s32 v24, v16  }
0x1e0: {  	vm11 =	vgt.f32 v23, v17;
	v18 =	vcombine.low v22, v18;
	vm9 =	vmand vm9, vm10  }
0x1e1: {  	vm9 =	vmor vm11, vm9  }
0x1e2: {  	v18 =	vand.u32 $0xF, v18;
	v17 =	vsel vm9, v23, v17;
	v16 =	vsel vm9, v24, v16  }
0x1e3: {  	v23 =	vimm.s32 $0xBA98FEDC;
	v24 =	vimm.s32 $0x32107654;
	v22 =	vperm.xlane v17, v18  }
0x1e4: {  	v26 =	vperm.xlane v16, v18;
	v23 =	vunpack.c.l.s4.s8 v23;
	v24 =	vunpack.c.l.s4.s8 v24  }
0x1e5: {  	vm9 =	veq.f32 v22, v17  }
0x1e6: {  	vm10 =	vlt.s32 v26, v16;
	v23 =	vunpack.c.0.s8.s32 v23;
	v24 =	vunpack.c.0.s8.s32 v24  }
0x1e7: {  	vm11 =	vgt.f32 v22, v17;
	vm9 =	vmand vm9, vm10  }
0x1e8: {  	vm9 =	vmor vm11, vm9;
	v23 =	vcombine.low v24, v23  }
0x1e9: {  	v17 =	vsel vm9, v22, v17;
	v16 =	vsel vm9, v26, v16;
	v22 =	vimm.s32 $0xFEDCBA98  }
0x1ea: {  	v24 =	vand.u32 $0xF, v23;
	v23 =	vimm.s32 $0x76543210;
	v22 =	vunpack.c.l.s4.s8 v22  }
0x1eb: {  	v26 =	vperm.xlane v17, v24;
	v27 =	vperm.xlane v16, v24;
	v23 =	vunpack.c.l.s4.s8 v23  }
0x1ec: {  	v22 =	vunpack.c.0.s8.s32 v22  }
0x1ed: {  	vm9 =	veq.f32 v26, v17;
	vm10 =	vlt.s32 v27, v16;
	v23 =	vunpack.c.0.s8.s32 v23  }
0x1ee: {  	vm11 =	vgt.f32 v26, v17;
	vm9 =	vmand vm9, vm10;
	v22 =	vand.u32 $0xF, v22  }
0x1ef: {  	vm9 =	vmor vm11, vm9;
	v22 =	vcombine.low v22, v23  }
0x1f0: {  	v17 =	vsel vm9, v26, v17;
	v16 =	vsel vm9, v27, v16  }
0x1f1: {  	v23 =	vperm.xlane v17, v22;
	v26 =	vperm.xlane v16, v22;
	_ =	sdelay $0x1  }
0x1f2: {  	vm9 =	veq.f32 v23, v17;
	vm10 =	vlt.s32 v26, v16  }
0x1f3: {  	vm11 =	vgt.f32 v23, v17;
	vm9 =	vmand vm9, vm10  }
0x1f4: {  	vm9 =	vmor vm11, vm9  }
0x1f5: {  	v16 =	vsel vm9, v26, v16  }
0x1f6: {  	[tilespmem:s9+$0xFFFFFFE0] =	vst v28  }
0x1f7: {  	[tilespmem:s9+$0xFFFFFFF0] =	vst v25  }
0x1f8: {  	[tilespmem:s9+$0x0] =	vst v20  }
0x1f9: {  	s15 =	simm.s32 $0x600;
	[tilespmem:s9+$0x10] =	vst v19  }
0x1fa: {  	v19 =	vld.idx.msk [tilespmem:v16+s15+$0x0], $0xffff;
	_ =	sdelay $0x1  }
0x1fb: {  	s16 =	simm.s32 $0xC00  }
0x1fc: {  	s17 =	simm.s32 $0xA80;
	v20 =	vld.idx.msk [tilespmem:v16+s16+$0x0], $0xffff  }
0x1fd: {  	s18 =	simm.s32 $0x900;
	v25 =	vld.idx.msk [tilespmem:v16+s17+$0x0], $0xffff  }
0x1fe: {  	s19 =	simm.s32 $0x780;
	v26 =	vld.idx.msk [tilespmem:v16+s18+$0x0], $0xffff;
	v19 =	vcvt.s32.f32 v19  }
0x1ff: {  	v27 =	vld.idx.msk [tilespmem:v16+s19+$0x0], $0xffff  }
0x200: {  	v19 =	vsel vm4, $0x0, v19  }
0x201: {  	v19 =	vsel vm0, v19, v20  }
0x202: {  	v16 =	vadd.s32 v0, v16;
	v19 =	vsel vm5, v19, v25  }
0x203: {  	v16 =	vcvt.s32.f32 v16;
	v19 =	vsel vm6, v19, v26  }
0x204: {  	v19 =	vsel vm7, v19, v27  }
0x205: {  	v17 =	vsel vm9, v23, v17;
	v16 =	vsel vm1, v19, v16  }
0x206: {  	v16 =	vsel vm2, v17, v16  }
0x207: {  	s20 =	simm.s32 $0xF00;
	s21 =	simm.s32 $0x2;
	[tilespmem:$0xF00] =	vst v16  }
0x208: {  	[spmem:s8] =	stream.linear.scatter [tilespmem:s20], [sflag:$0x2], $0x8, $0x38;
	[tilespmem:$0x1190] =	vst v63  }
0x209: {  	_ =	swait.ge [sflag:s21], $0x8  }
0x20a: {  	v23 =	vlaneseq.u32;
	[sflag:s21] =	ssyncset.done $0x0  }
0x20b: {  	v16 =	vmul.u32 $0x8, v23;
	[sflag:s21] =	ssyncadd.s32 $0xFFFFFFF8  }
0x20c: {  	s22 =	simm.s32 $0xF80;
	[bflag:$0x0] =	sbarrier.arrive $0xFFFF  }
0x20d: {  	v17 =	vor.u32 $0x1, v16;
	[tilespmem:s22], [sflag:$0x2] =	stream.linear.gather [spmem:s7], $0x80, $0x38;
	[tilespmem:$0x1190] =	vst v63  }
0x20e: {  	_ =	swait.ge [sflag:s21], $0x80  }
0x20f: {  	[sflag:s21] =	ssyncset.done $0x0  }
0x210: {  	[sflag:s21] =	ssyncadd.s32 $0xFFFFFF80  }
0x211: {  	v16 =	vld.idx.msk [tilespmem:v16+s22+$0x0], $0xffff  }
0x212: {  	v17 =	vld.idx.msk [tilespmem:v17+s22+$0x0], $0xffff;
	_ =	sdelay $0x4  }
0x213: {  	v19 =	vperm.xlane v16, v21;
	v20 =	vperm.xlane v17, v21;
	_ =	sdelay $0x1  }
0x214: {  	vm9 =	veq.f32 v19, v16;
	vm10 =	vlt.f32 v20, v17  }
0x215: {  	vm11 =	vgt.f32 v19, v16;
	vm9 =	vmand vm9, vm10  }
0x216: {  	vm9 =	vmor vm11, vm9  }
0x217: {  	v16 =	vsel vm9, v19, v16;
	v17 =	vsel vm9, v20, v17  }
0x218: {  	v19 =	vperm.xlane v16, v18;
	v20 =	vperm.xlane v17, v18;
	_ =	sdelay $0x1  }
0x219: {  	vm10 =	veq.f32 v19, v16;
	vm11 =	vlt.f32 v20, v17  }
0x21a: {  	vm10 =	vmand vm10, vm11;
	vm11 =	vgt.f32 v19, v16  }
0x21b: {  	vm10 =	vmor vm11, vm10  }
0x21c: {  	v16 =	vsel vm10, v19, v16;
	v17 =	vsel vm10, v20, v17  }
0x21d: {  	v19 =	vperm.xlane v16, v24;
	v20 =	vperm.xlane v17, v24  }
0x21e: {  	v21 =	vsel vm9, v3, v23  }
0x21f: {  	v18 =	vperm.xlane v21, v18;
	vm9 =	veq.f32 v19, v16;
	vm11 =	vlt.f32 v20, v17  }
0x220: {  	vm9 =	vmand vm9, vm11;
	vm11 =	vgt.f32 v19, v16  }
0x221: {  	v18 =	vsel vm10, v18, v21;
	vm9 =	vmor vm11, vm9  }
0x222: {  	v16 =	vsel vm9, v19, v16;
	v19 =	vsel vm9, v20, v17;
	v20 =	vperm.xlane v18, v24  }
0x223: {  	v17 =	vperm.xlane v16, v22;
	v21 =	vperm.xlane v19, v22;
	_ =	sdelay $0x1  }
0x224: {  	v18 =	vsel vm9, v20, v18;
	vm9 =	veq.f32 v17, v16;
	vm10 =	vlt.f32 v21, v19  }
0x225: {  	s23 =	simm.s32 $0x7A0;
	vm11 =	vgt.f32 v17, v16;
	v19 =	vperm.xlane v18, v22;
	vm9 =	vmand vm9, vm10  }
0x226: {  	s24 =	simm.s32 $0x920;
	v25 =	vld [tilespmem:s23+$0x10];
	vm9 =	vmor vm11, vm9  }
0x227: {  	s25 =	simm.s32 $0xAA0;
	v26 =	vld [tilespmem:s24+$0x10];
	v18 =	vsel vm9, v19, v18  }
0x228: {  	s26 =	simm.s32 $0xC20;
	v27 =	vld [tilespmem:s25+$0x10];
	v22 =	vshll.u32 v18, $0x3  }
0x229: {  	v28 =	vld [tilespmem:s26+$0x10];
	v18 =	vor.u32 $0x2, v22  }
0x22a: {  	v29 =	vld [tilespmem:s23+$0x0];
	v19 =	vor.u32 $0x3, v22  }
0x22b: {  	v30 =	vld [tilespmem:s24+$0x0];
	v21 =	vor.u32 $0x4, v22  }
0x22c: {  	v54 =	vld [tilespmem:s23+$0xFFFFFFF0];
	v24 =	vor.u32 $0x5, v22  }
0x22d: {  	v55 =	vld [tilespmem:s25+$0xFFFFFFF0]  }
0x22e: {  	v18 =	vld.idx.msk [tilespmem:v18+s22+$0x0], $0xffff  }
0x22f: {  	v20 =	vld.idx.msk [tilespmem:v19+s22+$0x0], $0xffff  }
0x230: {  	v19 =	vld.idx.msk [tilespmem:v21+s22+$0x0], $0xffff  }
0x231: {  	v21 =	vld.idx.msk [tilespmem:v24+s22+$0x0], $0xffff  }
0x232: {  	v31 =	vld [tilespmem:s25+$0x0]  }
0x233: {  	v53 =	vld [tilespmem:s26+$0x0]  }
0x234: {  	v34 =	vld [tilespmem:s24+$0xFFFFFFF0]  }
0x235: {  	v58 =	vld [tilespmem:s23+$0xFFFFFFE0];
	v33 =	vsub.f32 v55, v54;
	v22 =	vor.u32 $0x6, v22  }
0x236: {  	v61 =	vld [tilespmem:s25+$0xFFFFFFE0];
	v24 =	vsub.f32 v19, v18;
	v56 =	vsub.f32 v21, v20;
	v60 =	vmax.f32 v18, v25  }
0x237: {  	v57 =	vld [tilespmem:s26+$0xFFFFFFF0];
	v62 =	vmax.f32 v20, v26;
	v63 =	vmin.f32 v19, v27;
	v52 =	vmin.f32 v21, v28  }
0x238: {  	v59 =	vld [tilespmem:s24+$0xFFFFFFE0];
	v45 =	vmax.f32 v18, v29;
	v25 =	vsub.f32 v27, v25;
	v26 =	vsub.f32 v28, v26  }
0x239: {  	v27 =	vmax.f32 v20, v30;
	v28 =	vmin.f32 v19, v31;
	v46 =	vmin.f32 v21, v53  }
0x23a: {  	s12 =	simm.s32 $0xC60;
	v44 =	vld [tilespmem:s26+$0xFFFFFFE0];
	v47 =	vmax.f32 v18, v54;
	v29 =	vsub.f32 v31, v29;
	v30 =	vsub.f32 v53, v30  }
0x23b: {  	v49 =	vld [tilespmem:s12+$0x0];
	v31 =	vmax.f32 v20, v34;
	v53 =	vmin.f32 v19, v55;
	v54 =	vsub.f32 v61, v58  }
0x23c: {  	v48 =	vmin.f32 v21, v57;
	v34 =	vsub.f32 v57, v34;
	v55 =	vmax.f32 v18, v58  }
0x23d: {  	v36 =	vmax.f32 v20, v59;
	v39 =	vsub.f32 v63, v60;
	v28 =	vsub.f32 v28, v45  }
0x23e: {  	v40 =	vmin.f32 v19, v61;
	v41 =	vsub.f32 v52, v62;
	v32 =	vsub.f32 v53, v47  }
0x23f: {  	v57 =	vmin.f32 v21, v44;
	v27 =	vsub.f32 v46, v27;
	v37 =	vsub.f32 v40, v55  }
0x240: {  	v43 =	vmin.f32 v21, v49;
	v31 =	vsub.f32 v48, v31;
	v36 =	vsub.f32 v57, v36  }
0x241: {  	v52 =	vimm.f32 $-2.000000000e+00;
	v24 =	vmul.f32 v56, v24;
	v29 =	vmul.f32 v30, v29  }
0x242: {  	s7 =	simm.s32 $0xDA0;
	v56 =	vsub.f32 v44, v59;
	v25 =	vmul.f32 v26, v25;
	v30 =	vmul.f32 v34, v33  }
0x243: {  	s9 =	simm.s32 $0x7E0;
	v35 =	vld [tilespmem:s7+$0x10];
	v58 =	vmax.f32 v39, $0.0e+00;
	v59 =	vmax.f32 v37, $0.0e+00;
	v60 =	vmax.f32 v36, $0.0e+00  }
0x244: {  	v50 =	vld [tilespmem:s9+$0xFFFFFFF0];
	v61 =	vmax.f32 v41, $0.0e+00;
	v28 =	vmax.f32 v28, $0.0e+00;
	v26 =	vmul.f32 v56, v54  }
0x245: {  	s10 =	simm.s32 $0x960;
	v22 =	vld.idx.msk [tilespmem:v22+s22+$0x0], $0xffff;
	v32 =	vmax.f32 v32, $0.0e+00;
	v31 =	vmax.f32 v31, $0.0e+00;
	v27 =	vmax.f32 v27, $0.0e+00  }
0x246: {  	v40 =	vld [tilespmem:s10+$0x10];
	v34 =	vmul.f32 v60, v59;
	v31 =	vmul.f32 v31, v32;
	v26 =	vadd.f32 v26, v24  }
0x247: {  	s11 =	simm.s32 $0xAE0;
	v62 =	vld [tilespmem:s7+$0xFFFFFFE0];
	v30 =	vadd.f32 v30, v24;
	v27 =	vmul.f32 v27, v28;
	v25 =	vadd.f32 v25, v24  }
0x248: {  	s28 =	simm.s32 $0x0;
	v28 =	vmul.f32 v61, v58;
	v29 =	vadd.f32 v29, v24;
	v56 =	vld [tilespmem:s11+$0x10];
	v26 =	vsub.f32 v26, v34  }
0x249: {  	v53 =	vimm.s32 $0x0;
	v55 =	vor.u32 s28, v23;
	v59 =	vld [tilespmem:s9+$0x0];
	v30 =	vsub.f32 v30, v31  }
0x24a: {  	v54 =	vld [tilespmem:s7+$0xFFFFFFF0];
	v29 =	vsub.f32 v29, v27;
	v25 =	vsub.f32 v25, v28;
	v26 =	vmax.f32 v26, $9.999999710e-10  }
0x24b: {  	v47 =	vmax.f32 v18, v50;
	v61 =	vld [tilespmem:s10+$0x0];
	v32 =	vmax.f32 v20, v40;
	v26 =	vmul.f32 $5.000000000e-01, v26  }
0x24c: {  	v63 =	vld [tilespmem:s7+$0x0];
	v30 =	vmax.f32 v30, $9.999999710e-10;
	v29 =	vmax.f32 v29, $9.999999710e-10;
	v25 =	vmax.f32 v25, $9.999999710e-10  }
0x24d: {  	v33 =	vld [tilespmem:s9+$0xFFFFFFE0];
	v25 =	vmul.f32 $5.000000000e-01, v25;
	vm10 =	vgt.f32 v34, v26;
	v26 =	vmul.f32 $5.000000000e-01, v30  }
0x24e: {  	v58 =	vld [tilespmem:s12+$0x10];
	v36 =	vmin.f32 v19, v56;
	v38 =	vmax.f32 v18, v59;
	v57 =	vsel vm10, $0xBF800000, v62  }
0x24f: {  	v39 =	vld [tilespmem:s9+$0x10];
	vm10 =	vgt.f32 v57, v52;
	vm11 =	vgt.f32 v31, v26;
	v26 =	vmul.f32 $5.000000000e-01, v29  }
0x250: {  	v37 =	vld [tilespmem:s11+$0xFFFFFFE0];
	v42 =	vsub.f32 v49, v61;
	v29 =	vsel vm10, v57, v52;
	v60 =	vsel vm11, $0xBF800000, v54  }
0x251: {  	s29 =	simm.s32 $0x10;
	v62 =	vld [tilespmem:s11+$0x0];
	v30 =	vsel vm10, v55, v53;
	vm10 =	vgt.f32 v60, v29;
	vm11 =	vgt.f32 v27, v26  }
0x252: {  	v52 =	vld [tilespmem:s11+$0xFFFFFFF0];
	v26 =	vor.u32 s29, v23;
	v27 =	vsel vm10, v60, v29;
	v63 =	vsel vm11, $0xBF800000, v63  }
0x253: {  	v41 =	vld [tilespmem:s12+$0xFFFFFFE0];
	v34 =	vmin.f32 v21, v58;
	v26 =	vsel vm10, v26, v30;
	vm10 =	vgt.f32 v63, v27  }
0x254: {  	s30 =	simm.s32 $0x20;
	s31 =	simm.s32 $0x30;
	v31 =	vmax.f32 v18, v39;
	vm11 =	vgt.f32 v28, v25;
	v28 =	vsel vm10, v63, v27;
	v27 =	vld [tilespmem:s10+$0xFFFFFFF0]  }
0x255: {  	v25 =	vor.u32 s30, v23;
	v29 =	vor.u32 s31, v23;
	v30 =	vld [tilespmem:s12+$0xFFFFFFF0];
	v51 =	vsel vm11, $0xBF800000, v35  }
0x256: {  	[tilespmem:s7+$0xFFFFFFE0] =	vst v57;
	v35 =	vld [tilespmem:s10+$0xFFFFFFE0];
	v46 =	vmin.f32 v19, v62;
	v25 =	vsel vm10, v25, v26;
	vm10 =	vgt.f32 v51, v28  }
0x257: {  	[tilespmem:s7+$0xFFFFFFF0] =	vst v60;
	v48 =	vmin.f32 v19, v52;
	v44 =	vsub.f32 v52, v50;
	v26 =	vsel vm10, v51, v28  }
0x258: {  	[tilespmem:s7+$0x0] =	vst v63;
	v25 =	vsel vm10, v29, v25;
	v28 =	vsub.f32 v56, v39;
	v29 =	vsub.f32 v58, v40  }
0x259: {  	s13 =	simm.s32 $0x80;
	s8 =	simm.s32 $0x40;
	[tilespmem:s7+$0x10] =	vst v51;
	v39 =	vmax.f32 v20, v61;
	v40 =	vsub.f32 v62, v59;
	v45 =	vmax.f32 v20, v27  }
.LBB2_8:
0x25a: {  	p0 =	slt.u32 s13, $0x100;
	v49 =	vsub.f32 v37, v33;
	v50 =	vmin.f32 v21, v30;
	v27 =	vsub.f32 v30, v27  }
0x25b: {  	v30 =	vmax.f32 v18, v33;
	v31 =	vsub.f32 v36, v31;
	v33 =	vsub.f32 v41, v35  }
0x25c: {  	v36 =	vsub.f32 v46, v38;
	v32 =	vsub.f32 v34, v32;
	v35 =	vmax.f32 v20, v35  }
0x25d: {  	v34 =	vmin.f32 v19, v37;
	v37 =	vsub.f32 v48, v47;
	v38 =	vsub.f32 v43, v39  }
0x25e: {  	v39 =	vmin.f32 v21, v41;
	v30 =	vsub.f32 v34, v30;
	v34 =	vsub.f32 v50, v45  }
0x25f: {  	v28 =	vmul.f32 v29, v28;
	v35 =	vsub.f32 v39, v35;
	v39 =	vmul.f32 v42, v40  }
0x260: {  	s7 =	sadd.s32 $0x40, s7;
	v27 =	vmul.f32 v27, v44;
	v31 =	vmax.f32 v31, $0.0e+00;
	v29 =	vmul.f32 v33, v49  }
0x261: {  	v32 =	vmax.f32 v32, $0.0e+00;
	v30 =	vmax.f32 v30, $0.0e+00;
	v33 =	vmax.f32 v35, $0.0e+00;
	v35 =	vld [tilespmem:s7+$0x10]  }
0x262: {  	v30 =	vmul.f32 v33, v30;
	v29 =	vadd.f32 v29, v24;
	v33 =	vmax.f32 v36, $0.0e+00;
	v36 =	vld [tilespmem:s7+$0x0]  }
0x263: {  	v37 =	vmax.f32 v37, $0.0e+00;
	v38 =	vmax.f32 v38, $0.0e+00;
	v34 =	vmax.f32 v34, $0.0e+00;
	v40 =	vld [tilespmem:s7+$0xFFFFFFF0]  }
0x264: {  	s9 =	sadd.s32 $0x40, s9;
	v34 =	vmul.f32 v34, v37;
	v27 =	vadd.f32 v27, v24;
	v29 =	vsub.f32 v29, v30;
	v41 =	vld [tilespmem:s7+$0xFFFFFFE0]  }
0x265: {  	s10 =	sadd.s32 $0x40, s10;
	v28 =	vadd.f32 v28, v24;
	v31 =	vmul.f32 v32, v31;
	v33 =	vmul.f32 v38, v33;
	v42 =	vld [tilespmem:s9+$0x10]  }
0x266: {  	s11 =	sadd.s32 $0x40, s11;
	v32 =	vadd.f32 v39, v24;
	v27 =	vsub.f32 v27, v34;
	v29 =	vmax.f32 v29, $9.999999710e-10;
	v43 =	vld [tilespmem:s10+$0x10]  }
0x267: {  	s12 =	sadd.s32 $0x40, s12;
	v37 =	vor.u32 s8, v23;
	v29 =	vmul.f32 $5.000000000e-01, v29;
	v39 =	vld [tilespmem:s11+$0x10]  }
0x268: {  	s14 =	sadd.s32 $0x10, s8;
	v28 =	vsub.f32 v28, v31;
	v27 =	vmax.f32 v27, $9.999999710e-10;
	v32 =	vsub.f32 v32, v33;
	v44 =	vld [tilespmem:s12+$0x10]  }
0x269: {  	v27 =	vmul.f32 $5.000000000e-01, v27;
	vm10 =	vgt.f32 v30, v29;
	v29 =	vor.u32 s14, v23;
	v45 =	vld [tilespmem:s9+$0x0]  }
0x26a: {  	v28 =	vmax.f32 v28, $9.999999710e-10;
	v32 =	vmax.f32 v32, $9.999999710e-10;
	v30 =	vsel vm10, $0xBF800000, v41;
	v48 =	vld [tilespmem:s10+$0x0]  }
0x26b: {  	vm11 =	vgt.f32 v34, v27;
	v27 =	vmul.f32 $5.000000000e-01, v32;
	vm10 =	vgt.f32 v30, v26;
	v49 =	vld [tilespmem:s11+$0x0];
	[tilespmem:s7+$0xFFFFFFE0] =	vst v30  }
0x26c: {  	v26 =	vsel vm10, v30, v26;
	v25 =	vsel vm10, v37, v25;
	v30 =	vsel vm11, $0xBF800000, v40;
	v50 =	vld [tilespmem:s12+$0x0]  }
0x26d: {  	v28 =	vmul.f32 $5.000000000e-01, v28;
	vm11 =	vgt.f32 v33, v27;
	vm10 =	vgt.f32 v30, v26;
	v51 =	vld [tilespmem:s9+$0xFFFFFFF0];
	[tilespmem:s7+$0xFFFFFFF0] =	vst v30  }
0x26e: {  	s14 =	sadd.s32 $0x20, s8;
	v26 =	vsel vm10, v30, v26;
	v25 =	vsel vm10, v29, v25;
	v29 =	vsel vm11, $0xBF800000, v36;
	v27 =	vld [tilespmem:s10+$0xFFFFFFF0]  }
0x26f: {  	v32 =	vor.u32 s14, v23;
	vm11 =	vgt.f32 v31, v28;
	vm10 =	vgt.f32 v29, v26;
	v52 =	vld [tilespmem:s11+$0xFFFFFFF0];
	[tilespmem:s7+$0x0] =	vst v29  }
0x270: {  	s14 =	sadd.s32 $0x30, s8;
	s8 =	smov.u32 s13;
	v28 =	vsel vm11, $0xBF800000, v35;
	v26 =	vsel vm10, v29, v26;
	v25 =	vsel vm10, v32, v25;
	v30 =	vld [tilespmem:s12+$0xFFFFFFF0]  }
0x271: {  	v29 =	vor.u32 s14, v23;
	vm10 =	vgt.f32 v28, v26;
	v33 =	vld [tilespmem:s9+$0xFFFFFFE0];
	[tilespmem:s7+$0x10] =	vst v28  }
0x272: {  	v31 =	vmax.f32 v18, v42;
	v26 =	vsel vm10, v28, v26;
	v25 =	vsel vm10, v29, v25;
	v35 =	vld [tilespmem:s10+$0xFFFFFFE0]  }
.Ltmp4:
0x273: {  	v36 =	vmin.f32 v19, v39;
	v34 =	vmin.f32 v21, v44;
	v32 =	vmax.f32 v20, v43;
	v37 =	vld [tilespmem:s11+$0xFFFFFFE0];
	(pc) =	sbr.rel @p0 .LBB2_8-.Ltmp4, $4  }
0x274: {  	v38 =	vmax.f32 v18, v45;
	v28 =	vsub.f32 v39, v42;
	v29 =	vsub.f32 v44, v43;
	v41 =	vld [tilespmem:s12+$0xFFFFFFE0]  }
0x275: {  	v46 =	vmin.f32 v19, v49;
	v39 =	vmax.f32 v20, v48;
	v43 =	vmin.f32 v21, v50  }
0x276: {  	v40 =	vsub.f32 v49, v45;
	v42 =	vsub.f32 v50, v48;
	v47 =	vmax.f32 v18, v51  }
0x277: {  	s13 =	sadd.s32 $0x40, s13;
	v45 =	vmax.f32 v20, v27;
	v48 =	vmin.f32 v19, v52;
	v44 =	vsub.f32 v52, v51  }
0x278: {  	v49 =	vsub.f32 v37, v33  }
0x279: {  	v50 =	vmin.f32 v21, v30;
	v27 =	vsub.f32 v30, v27;
	v60 =	vmax.f32 v18, v33  }
0x27a: {  	v31 =	vsub.f32 v36, v31;
	v62 =	vmax.f32 v20, v35;
	v63 =	vsub.f32 v46, v38  }
0x27b: {  	v32 =	vsub.f32 v34, v32;
	v46 =	vmin.f32 v19, v37;
	v47 =	vsub.f32 v48, v47  }
0x27c: {  	v48 =	vsub.f32 v43, v39;
	v53 =	vmul.f32 v42, v40;
	v28 =	vmul.f32 v29, v28  }
0x27d: {  	v38 =	vor.u32 s8, v23;
	s9 =	sadd.s32 $0x10, s8;
	v61 =	vsub.f32 v41, v35;
	v51 =	vmin.f32 v21, v41  }
0x27e: {  	v30 =	vsub.f32 v46, v60;
	v54 =	vsub.f32 v50, v45;
	v41 =	vor.u32 s9, v23  }
0x27f: {  	v45 =	vimm.s32 $0xEFCDAB89;
	v46 =	vimm.s32 $0x67452301;
	v52 =	vsub.f32 v51, v62  }
0x280: {  	v27 =	vmul.f32 v27, v44;
	v57 =	vmax.f32 v63, $0.0e+00;
	v55 =	vmul.f32 v61, v49  }
0x281: {  	v58 =	vmax.f32 v47, $0.0e+00;
	v30 =	vmax.f32 v30, $0.0e+00;
	v56 =	vmax.f32 v52, $0.0e+00  }
0x282: {  	v60 =	vmax.f32 v48, $0.0e+00;
	v30 =	vmul.f32 v56, v30;
	v29 =	vadd.f32 v55, v24  }
0x283: {  	v31 =	vmax.f32 v31, $0.0e+00;
	v32 =	vmax.f32 v32, $0.0e+00;
	v59 =	vmax.f32 v54, $0.0e+00  }
0x284: {  	s7 =	sadd.s32 $0x40, s7;
	v34 =	vmul.f32 v59, v58;
	v27 =	vadd.f32 v27, v24;
	v29 =	vsub.f32 v29, v30  }
0x285: {  	v35 =	vadd.f32 v53, v24;
	v61 =	vld [tilespmem:s7+$0xFFFFFFE0];
	v31 =	vmul.f32 v32, v31;
	v24 =	vadd.f32 v28, v24  }
0x286: {  	s22 =	sadd.s32 $0x20, s8;
	v33 =	vmul.f32 v60, v57;
	v27 =	vsub.f32 v27, v34;
	v29 =	vmax.f32 v29, $9.999999710e-10  }
0x287: {  	v62 =	vld [tilespmem:s7+$0xFFFFFFF0];
	v47 =	vor.u32 s22, v23;
	v24 =	vsub.f32 v24, v31;
	v63 =	vmul.f32 $5.000000000e-01, v29  }
0x288: {  	v39 =	vsub.f32 v35, v33;
	v28 =	vunpack.c.l.s4.s8 v45;
	v27 =	vmax.f32 v27, $9.999999710e-10  }
0x289: {  	v40 =	vld [tilespmem:s7+$0x0];
	v27 =	vmul.f32 $5.000000000e-01, v27;
	v24 =	vmax.f32 v24, $9.999999710e-10;
	vm10 =	vgt.f32 v30, v63  }
0x28a: {  	v32 =	vmax.f32 v39, $9.999999710e-10;
	v24 =	vmul.f32 $5.000000000e-01, v24;
	v42 =	vsel vm10, $0xBF800000, v61  }
0x28b: {  	v44 =	vld [tilespmem:s7+$0x10];
	vm11 =	vgt.f32 v34, v27;
	v27 =	vmul.f32 $5.000000000e-01, v32;
	vm10 =	vgt.f32 v42, v26  }
0x28c: {  	v29 =	vunpack.c.l.s4.s8 v46;
	v43 =	vsel vm11, $0xBF800000, v62;
	v26 =	vsel vm10, v42, v26  }
0x28d: {  	vm11 =	vgt.f32 v33, v27;
	v25 =	vsel vm10, v38, v25;
	vm10 =	vgt.f32 v43, v26  }
0x28e: {  	v48 =	vunpack.c.0.s8.s32 v29;
	v27 =	vsel vm11, $0xBF800000, v40;
	v26 =	vsel vm10, v43, v26  }
0x28f: {  	vm11 =	vgt.f32 v31, v24;
	v25 =	vsel vm10, v41, v25;
	vm10 =	vgt.f32 v27, v26  }
0x290: {  	v31 =	vsel vm11, $0xBF800000, v44;
	v24 =	vsel vm10, v27, v26;
	v26 =	vunpack.c.0.s8.s32 v28  }
0x291: {  	s23 =	sadd.s32 $0x30, s8;
	v25 =	vsel vm10, v47, v25;
	vm10 =	vgt.f32 v31, v24  }
0x292: {  	v23 =	vor.u32 s23, v23;
	v49 =	vsel vm10, v31, v24;
	v24 =	vcombine.low v48, v26  }
0x293: {  	v23 =	vsel vm10, v23, v25;
	v25 =	vimm.s32 $0xDCFE98BA;
	v26 =	vimm.s32 $0x54761032  }
0x294: {  	v25 =	vunpack.c.l.s4.s8 v25;
	v26 =	vunpack.c.l.s4.s8 v26;
	v24 =	vand.u32 $0xF, v24  }
0x295: {  	v50 =	vperm.xlane v49, v24;
	v51 =	vperm.xlane v23, v24  }
0x296: {  	v25 =	vunpack.c.0.s8.s32 v25;
	v26 =	vunpack.c.0.s8.s32 v26  }
0x297: {  	v53 =	vimm.s32 $0xBA98FEDC;
	vm10 =	veq.f32 v50, v49;
	vm11 =	vlt.s32 v51, v23  }
0x298: {  	vm12 =	vgt.f32 v50, v49;
	v25 =	vcombine.low v26, v25;
	vm10 =	vmand vm10, vm11  }
0x299: {  	v54 =	vimm.s32 $0x32107654;
	v29 =	vunpack.c.l.s4.s8 v53;
	vm10 =	vmor vm12, vm10  }
0x29a: {  	v26 =	vsel vm10, v50, v49;
	v52 =	vsel vm10, v51, v23;
	v23 =	vand.u32 $0xF, v25  }
0x29b: {  	v30 =	vunpack.c.l.s4.s8 v54;
	v25 =	vperm.xlane v26, v23;
	v55 =	vperm.xlane v52, v23  }
0x29c: {  	v29 =	vunpack.c.0.s8.s32 v29  }
0x29d: {  	v30 =	vunpack.c.0.s8.s32 v30;
	vm10 =	veq.f32 v25, v26;
	vm11 =	vlt.s32 v55, v52  }
0x29e: {  	vm12 =	vgt.f32 v25, v26;
	vm10 =	vmand vm10, vm11  }
0x29f: {  	v29 =	vcombine.low v30, v29;
	vm10 =	vmor vm12, vm10  }
0x2a0: {  	v57 =	vimm.s32 $0x76543210;
	v56 =	vsel vm10, v25, v26;
	v26 =	vimm.s32 $0xFEDCBA98  }
0x2a1: {  	v28 =	vsel vm10, v55, v52;
	v25 =	vand.u32 $0xF, v29;
	v26 =	vunpack.c.l.s4.s8 v26  }
0x2a2: {  	v29 =	vunpack.c.l.s4.s8 v57;
	v58 =	vperm.xlane v56, v25;
	v59 =	vperm.xlane v28, v25  }
0x2a3: {  	v26 =	vunpack.c.0.s8.s32 v26  }
0x2a4: {  	v29 =	vunpack.c.0.s8.s32 v29;
	vm10 =	veq.f32 v58, v56;
	vm11 =	vlt.s32 v59, v28  }
0x2a5: {  	vm12 =	vgt.f32 v58, v56;
	vm10 =	vmand vm10, vm11;
	v26 =	vand.u32 $0xF, v26  }
0x2a6: {  	vm10 =	vmor vm12, vm10;
	v26 =	vcombine.low v26, v29  }
0x2a7: {  	v60 =	vsel vm10, v58, v56;
	v28 =	vsel vm10, v59, v28  }
0x2a8: {  	v30 =	vperm.xlane v60, v26;
	v61 =	vperm.xlane v28, v26;
	_ =	sdelay $0x1  }
0x2a9: {  	vm10 =	veq.f32 v30, v60;
	vm11 =	vlt.s32 v61, v28  }
0x2aa: {  	vm12 =	vgt.f32 v30, v60;
	vm10 =	vmand vm10, vm11  }
0x2ab: {  	vm10 =	vmor vm12, vm10  }
0x2ac: {  	v28 =	vsel vm10, v61, v28  }
0x2ad: {  	[tilespmem:s7+$0xFFFFFFF0] =	vst v43  }
0x2ae: {  	[tilespmem:s7+$0xFFFFFFE0] =	vst v42  }
0x2af: {  	[tilespmem:s7+$0x0] =	vst v27  }
0x2b0: {  	s24 =	simm.s32 $0x600;
	[tilespmem:s7+$0x10] =	vst v31  }
0x2b1: {  	v27 =	vld.idx.msk [tilespmem:v28+s24+$0x0], $0xffff;
	_ =	sdelay $0x1  }
0x2b2: {  	s25 =	simm.s32 $0xC00  }
0x2b3: {  	s26 =	simm.s32 $0xA80;
	v31 =	vld.idx.msk [tilespmem:v28+s25+$0x0], $0xffff  }
0x2b4: {  	s28 =	simm.s32 $0x900;
	v32 =	vld.idx.msk [tilespmem:v28+s26+$0x0], $0xffff  }
0x2b5: {  	s29 =	simm.s32 $0x780;
	v33 =	vld.idx.msk [tilespmem:v28+s28+$0x0], $0xffff;
	v27 =	vcvt.s32.f32 v27  }
0x2b6: {  	v62 =	vld.idx.msk [tilespmem:v28+s29+$0x0], $0xffff  }
0x2b7: {  	v27 =	vsel vm4, $0x0, v27  }
0x2b8: {  	v27 =	vsel vm0, v27, v31  }
0x2b9: {  	v0 =	vadd.s32 v0, v28;
	v27 =	vsel vm5, v27, v32  }
0x2ba: {  	v0 =	vcvt.s32.f32 v0;
	v27 =	vsel vm6, v27, v33  }
0x2bb: {  	v27 =	vsel vm7, v27, v62  }
0x2bc: {  	v63 =	vsel vm10, v30, v60;
	v0 =	vsel vm1, v27, v0  }
0x2bd: {  	v0 =	vsel vm2, v63, v0  }
0x2be: {  	s30 =	simm.s32 $0xF00;
	s31 =	simm.s32 $0x2;
	[tilespmem:$0xF00] =	vst v0  }
0x2bf: {  	[spmem:s6] =	stream.linear.scatter [tilespmem:s30], [sflag:$0x2], $0x8, $0x38;
	[tilespmem:$0x1190] =	vst v63  }
0x2c0: {  	_ =	swait.ge [sflag:s31], $0x8  }
0x2c1: {  	[sflag:s31] =	ssyncset.done $0x0  }
0x2c2: {  	p0 =	sne.s32 s1, $0x0;
	[sflag:s31] =	ssyncadd.s32 $0xFFFFFFF8  }
.Ltmp5:
0x2c3: {  	s6 =	simm.s32 $0xF80;
	[bflag:$0x0] =	sbarrier.arrive $0xFFFF;
	(pc) =	sbr.rel @p0 .LBB2_11-.Ltmp5, $4  }
0x2c4: {  	[tilespmem:s6], [sflag:$0x2] =	stream.linear.gather [spmem:s5], $0x80, $0x38;
	[tilespmem:$0x1190] =	vst v63  }
0x2c5: {  	_ =	swait.ge [sflag:s31], $0x80  }
0x2c6: {  	[sflag:s31] =	ssyncset.done $0x0  }
0x2c7: {  	[sflag:s31] =	ssyncadd.s32 $0xFFFFFF80  }
0x2c8: {  	v0 =	vlaneseq.u32  }
0x2c9: {  	v27 =	vmul.u32 $0x8, v0;
	_ =	sdelay $0x1  }
0x2ca: {  	v28 =	vor.u32 $0x1, v27;
	_ =	sdelay $0x2  }
0x2cb: {  	v38 =	vmul.f32 $2.049000000e+03, v8;
	v1 =	vsel vm3, v2, v1;
	v48 =	vmul.f32 $2.049000000e+03, v15  }
0x2cc: {  	v52 =	vtrunc.f32 v8;
	v9 =	vsel vm8, v10, v9;
	v55 =	vmul.f32 $2.049000000e+03, v22;
	v27 =	vld.idx.msk [tilespmem:v27+s6+$0x0], $0xffff  }
0x2cd: {  	v60 =	vtrunc.f32 v15;
	v7 =	vsub.f32 v7, v38;
	v6 =	vsub.f32 v6, v38;
	v28 =	vld.idx.msk [tilespmem:v28+s6+$0x0], $0xffff  }
0x2ce: {  	v16 =	vsel vm9, v17, v16;
	v5 =	vsub.f32 v5, v38;
	v4 =	vsub.f32 v4, v38  }
0x2cf: {  	v8 =	vcvt.f32.s32 v52;
	v14 =	vsub.f32 v14, v48;
	v51 =	vsub.f32 v13, v48  }
0x2d0: {  	v15 =	vcvt.f32.s32 v60;
	v12 =	vsub.f32 v12, v48;
	v11 =	vsub.f32 v11, v48  }
0x2d1: {  	v21 =	vsub.f32 v21, v55;
	v40 =	vtrunc.f32 v7;
	v41 =	vtrunc.f32 v6  }
0x2d2: {  	v58 =	vsub.f32 v20, v55;
	v29 =	vperm.xlane v27, v24;
	v33 =	vperm.xlane v28, v24  }
0x2d3: {  	v19 =	vsub.f32 v19, v55;
	v44 =	vtrunc.f32 v5;
	v45 =	vtrunc.f32 v4  }
0x2d4: {  	v53 =	vtrunc.f32 v14;
	vm4 =	veq.f32 v29, v27;
	vm5 =	vlt.f32 v33, v28  }
0x2d5: {  	v54 =	vtrunc.f32 v51;
	vm6 =	vgt.f32 v29, v27;
	vm4 =	vmand vm4, vm5  }
0x2d6: {  	v56 =	vtrunc.f32 v12;
	v57 =	vtrunc.f32 v11;
	vm4 =	vmor vm6, vm4  }
0x2d7: {  	v61 =	vtrunc.f32 v21;
	v27 =	vsel vm4, v29, v27;
	v24 =	vsel vm4, v33, v28  }
0x2d8: {  	v10 =	vsub.f32 v18, v55;
	v34 =	vperm.xlane v27, v23;
	v35 =	vperm.xlane v24, v23  }
0x2d9: {  	vm9 =	vcmask $0x1310;
	v62 =	vtrunc.f32 v58;
	v31 =	vtrunc.f32 v19  }
0x2da: {  	v32 =	vtrunc.f32 v10;
	vm15 =	veq.f32 v34, v27;
	vm10 =	vlt.f32 v35, v24  }
0x2db: {  	v42 =	vcvt.f32.s32 v41;
	vm11 =	vgt.f32 v34, v27;
	vm5 =	vmand vm15, vm10  }
0x2dc: {  	v13 =	vcvt.f32.s32 v53;
	v0 =	vsel vm4, v3, v0;
	vm5 =	vmor vm11, vm5  }
0x2dd: {  	v3 =	vperm.xlane v0, v23;
	v27 =	vsel vm5, v34, v27;
	v24 =	vsel vm5, v35, v24  }
0x2de: {  	vm8 =	vlt.f32 v9, $0.0e+00;
	v28 =	vperm.xlane v27, v25;
	v29 =	vperm.xlane v24, v25  }
0x2df: {  	v9 =	vsel vm8, $0x0, v9;
	v63 =	vcvt.f32.s32 v61;
	v30 =	vcvt.f32.s32 v62  }
0x2e0: {  	v23 =	vsel vm5, v3, v0;
	vm12 =	veq.f32 v28, v27;
	vm13 =	vlt.f32 v29, v24  }
0x2e1: {  	v35 =	vtrunc.f32 v22;
	vm7 =	vgt.f32 v28, v27;
	vm4 =	vmand vm12, vm13  }
0x2e2: {  	v36 =	vperm.xlane v23, v25;
	v17 =	vcvt.f32.s32 v35;
	vm4 =	vmor vm7, vm4  }
0x2e3: {  	v0 =	vsel vm4, v28, v27;
	v24 =	vsel vm4, v29, v24;
	v27 =	vcvt.f32.s32 v44  }
0x2e4: {  	v23 =	vsel vm4, v36, v23;
	v28 =	vcvt.f32.s32 v45;
	v3 =	vperm.xlane v0, v26  }
0x2e5: {  	v33 =	vsub.s32 v63, v30;
	v37 =	vperm.xlane v24, v26;
	v39 =	vperm.xlane v23, v26  }
0x2e6: {  	v27 =	vsub.s32 v27, v28;
	vm14 =	vgt.f32 v3, v0;
	vm15 =	veq.f32 v3, v0  }
0x2e7: {  	vm10 =	vlt.f32 v37, v24;
	v24 =	vcvt.f32.s32 v40;
	vm12 =	vlt.s32 v27, $0x1  }
0x2e8: {  	v27 =	vcvt.f32.s32 v54;
	vm5 =	vmand vm15, vm10;
	vm15 =	vlt.s32 v33, $0x1  }
0x2e9: {  	vm10 =	vlt.f32 v16, $0.0e+00;
	vm4 =	vmor vm14, vm5;
	v47 =	vsub.s32 v24, v42  }
0x2ea: {  	vm5 =	vlt.f32 v1, $0.0e+00;
	v13 =	vsub.s32 v13, v27;
	v24 =	vcvt.f32.s32 v56  }
0x2eb: {  	v27 =	vcvt.f32.s32 v57;
	v42 =	vimm.f32 $0.0e+00;
	v23 =	vsel vm4, v39, v23  }
0x2ec: {  	vm11 =	vlt.s32 v47, $0x1;
	vm13 =	vlt.s32 v13, $0x1;
	v1 =	vsel vm5, $0x0, v1  }
0x2ed: {  	v39 =	vsel vm10, $0x0, v16;
	v45 =	vsel vm1, $0x45000000, v42;
	v0 =	vsel vm4, v3, v0  }
0x2ee: {  	v23 =	vshll.u32 v23, $0x3;
	vm3 =	vmor vm11, vm12;
	v59 =	vsub.s32 v24, v27  }
0x2ef: {  	v24 =	vcvt.f32.s32 v31;
	v27 =	vcvt.f32.s32 v32;
	v1 =	vnsel vm2, $0x0, v1  }
0x2f0: {  	vm11 =	vcmask $0xF0C;
	v43 =	vor.u32 $0x2, v23;
	v46 =	vor.u32 $0x3, v23  }
0x2f1: {  	v49 =	vor.u32 $0x4, v23;
	v50 =	vor.u32 $0x5, v23;
	v23 =	vor.u32 $0x6, v23  }
0x2f2: {  	vm3 =	vmor vm5, vm3;
	vm14 =	vlt.s32 v59, $0x1;
	vm5 =	vcmask $0x710  }
0x2f3: {  	v5 =	vsel vm11, v7, v5;
	vm11 =	vcmask $0x2F2C;
	v8 =	vsel vm3, $0x0, v8  }
0x2f4: {  	vm6 =	vmor vm13, vm14;
	v34 =	vsub.s32 v24, v27;
	vm13 =	vcmask $0x310  }
0x2f5: {  	vm14 =	vcmask $0xF08;
	v47 =	vsel vm11, v21, v19;
	v8 =	vnsel vm2, $0x0, v8  }
0x2f6: {  	vm7 =	vmor vm8, vm6;
	vm12 =	vlt.s32 v34, $0x1;
	v1 =	vsel vm13, v1, v9  }
0x2f7: {  	v5 =	vsel vm14, v5, v6;
	vm8 =	vcmask $0x1F18;
	vm14 =	vcmask $0x3F28  }
0x2f8: {  	vm6 =	vmor vm15, vm12;
	v15 =	vsel vm7, $0x0, v15;
	v1 =	vsel vm5, v1, v39;
	v37 =	vld.idx.msk [tilespmem:v23+s6+$0x0], $0xffff  }
0x2f9: {  	v4 =	vsel vm2, v4, v5;
	vm15 =	vcmask $0x1F1C;
	vm12 =	vcmask $0x2F28;
	v38 =	vld.idx.msk [tilespmem:v50+s6+$0x0], $0xffff  }
0x2fa: {  	v9 =	vsel vm14, $0x45000000, v42;
	vm6 =	vmor vm10, vm6;
	v8 =	vsel vm13, v8, v15;
	v40 =	vld.idx.msk [tilespmem:v46+s6+$0x0], $0xffff  }
0x2fb: {  	v12 =	vsel vm15, v14, v12;
	v4 =	vsel vm3, v45, v4;
	vm10 =	vmmov $0xf;
	v41 =	vld.idx.msk [tilespmem:v43+s6+$0x0], $0xffff  }
0x2fc: {  	vm13 =	vcmask $0x2320;
	vm15 =	vmmov $0xff;
	v36 =	vsel vm6, $0x0, v17;
	v43 =	vld.idx.msk [tilespmem:v49+s6+$0x0], $0xffff  }
0x2fd: {  	v2 =	vsel vm8, v12, v51;
	v46 =	vsel vm0, $0x45000000, v42;
	vm8 =	vcmask $0x3F3C  }
0x2fe: {  	v2 =	vsel vm9, v11, v2;
	v11 =	vsel vm12, v47, v58;
	v44 =	vmul.f32 $2.049000000e+03, v37  }
0x2ff: {  	vm9 =	vlt.f32 v0, $0.0e+00;
	vm12 =	vcmask $0x3330;
	v58 =	vimm.f32 $2.048000000e+03  }
0x300: {  	v2 =	vsel vm7, v46, v2;
	v7 =	vsub.f32 v38, v44;
	v6 =	vsub.f32 v40, v44  }
0x301: {  	v54 =	vsel vm13, v10, v11;
	v14 =	vsub.f32 v43, v44;
	v5 =	vsub.f32 v41, v44  }
0x302: {  	vm13 =	vcmask $0x3730;
	v48 =	vtrunc.f32 v7;
	v49 =	vtrunc.f32 v6  }
0x303: {  	v0 =	vsel vm9, $0x0, v0;
	v52 =	vtrunc.f32 v14;
	v53 =	vtrunc.f32 v5  }
0x304: {  	v2 =	vsel vm10, v4, v2;
	v50 =	vcvt.f32.s32 v48;
	v51 =	vcvt.f32.s32 v49  }
0x305: {  	v4 =	vsel vm6, v9, v54;
	v16 =	vcvt.f32.s32 v52;
	v18 =	vcvt.f32.s32 v53  }
0x306: {  	vm10 =	vcmask $0x3F38;
	v2 =	vsel vm15, v2, v4;
	v4 =	vsel vm13, $0x0, v58  }
0x307: {  	vm15 =	vcmask $0xB10;
	v55 =	vsub.s32 v50, v51;
	v56 =	vsub.s32 v16, v18  }
0x308: {  	v57 =	vsel vm8, v7, v14;
	vm6 =	vlt.s32 v55, $0x1;
	vm7 =	vlt.s32 v56, $0x1  }
0x309: {  	v59 =	vtrunc.f32 v37;
	v3 =	vsel vm10, v57, v6;
	vm1 =	vmor vm6, vm7  }
0x30a: {  	v60 =	vcvt.f32.s32 v59;
	v3 =	vsel vm12, v5, v3;
	vm11 =	vmor vm9, vm1  }
0x30b: {  	vm14 =	vmmov $0xfff;
	v0 =	vsel vm15, v1, v0;
	v3 =	vsel vm11, v4, v3  }
0x30c: {  	v61 =	vsel vm5, v8, v36;
	[tilespmem:$0x1080] =	vst v0;
	v62 =	vsel vm11, $0x0, v60;
	v2 =	vsel vm14, v2, v3  }
0x30d: {  	v63 =	vsel vm15, v61, v62;
	[tilespmem:$0x1000] =	vst v2  }
0x30e: {  	s5 =	simm.s32 $0x0;
	s28 =	simm.s32 $0x1000;
	[tilespmem:$0x1100] =	vst v63  }
0x30f: {  	[hbm4b:s4+s5] =	stream.linear.scatter [tilespmem:s28], [sflag:$0x1], $0x80, $0x38;
	[tilespmem:$0x1190] =	vst v63  }
0x310: {  	s29 =	simm.s32 $0x1080  }
0x311: {  	[hbm4b:s3+s5] =	stream.linear.scatter [tilespmem:s29], [sflag:$0x1], $0x4, $0x38;
	[tilespmem:$0x1190] =	vst v63  }
0x312: {  	s30 =	simm.s32 $0x1100;
	s31 =	simm.s32 $0x1  }
0x313: {  	[hbm4b:s2+s5] =	stream.linear.scatter [tilespmem:s30], [sflag:$0x1], $0x4, $0x38;
	[tilespmem:$0x1190] =	vst v63  }
0x314: {  	_ =	swait.ge [sflag:s31], $0x80  }
0x315: {  	[sflag:s31] =	ssyncset.done $0x0  }
0x316: {  	[sflag:s31] =	ssyncadd.s32 $0xFFFFFF80  }
0x317: {  	_ =	swait.ge [sflag:s31], $0x4  }
0x318: {  	[sflag:s31] =	ssyncset.done $0x0  }
0x319: {  	[sflag:s31] =	ssyncadd.s32 $0xFFFFFFFC  }
0x31a: {  	_ =	swait.ge [sflag:s31], $0x4  }
0x31b: {  	[sflag:s31] =	ssyncset.done $0x0  }
0x31c: {  	[sflag:s31] =	ssyncadd.s32 $0xFFFFFFFC  }
.LBB2_11:
0x31d: {  	_ =	sfence.sel $0x180000  }
0x31e: {  	[bflag:$0x0] =	sbarrier.arrive $0xFFFF  }
0x31f: {  	p0 =	sne.s32 s1, $0x0;
	_ =	strace $0x90000047  }
0x320: {  	s0 =	sadd.s32 @!p0 $0x100000, s0;
	[bflag:$0x2] =	sbarrier.arrive $0xFFFF  }
0x321: {  	[sflag:s0] =	ssyncadd.tile.s32 @!p0 $0x1;
	_ =	shalt  }
.Lfunc_end2:
_tile_overlayer_lowered:
.L_overlay_start_2:
0x322: {  	(tag) =	ssettag $0x2  }
0x323: {  	s0 =	rddreg [dreg:$0x0];
	s2 =	stileid.u32  }
0x324: {  	s1 =	rddreg [dreg:$0x1];
	p0 =	sne.s32 s2, $0x0  }
0x325: {  	s3 =	rddreg [dreg:$0x2];
	[bflag:$0x3] =	sbarrier.arrive $0xFFFF;
	s2 =	simm.s32 @!p0 $0x1C02  }
0x326: {  	[timem:s3], [sflag:s2] =	dma.local @!p0 [hbm:s0], s1  }
0x327: {  	s0 =	simm.s32 @!p0 $0x2  }
0x328: {  	_ =	swait.ge @!p0 [sflag:s0], s1  }
0x329: {  	s1 =	ssub.s32 @!p0 $0x0, s1;
	[sflag:s0] =	ssyncset.done @!p0 $0x0  }
0x32a: {  	[sflag:s0] =	ssyncadd.s32 @!p0 s1  }
0x32b: {  	[bflag:$0x3] =	sbarrier.arrive $0xFFFF  }
0x32c: {  	_ =	shalt  }

</sc_bundles>
